<compile_context>
chip_gen: v7x
topology: tpu7x:2x2x1
jax: 0.10.2.dev20260603
libtpu: 0.0.44.dev20260713+nightly
codegen_flags: <defaults>
</compile_context>

<pallas_src>
import functools

import jax
import jax.numpy as jnp
from jax import lax
from jax.experimental import pallas as pl
from jax.experimental.pallas import tpu as pltpu
from jax.experimental.pallas import tpu_sc as plsc

N = 10000
D = 128
E = 320000

NC = 2
NS = 16
FS = D // NC

CH = 128
K = 8
NCH = 160
NG = NCH // K
EPW = CH * NCH
E_PAD = EPW * NS
TOTCH = E_PAD // CH
N_PAD = 10240
RPS = N_PAD // NS

_mesh = plsc.VectorSubcoreMesh(core_axis_name="c", subcore_axis_name="s")


def _make_sc_aggregate(with_deg):
    out_type = [jax.ShapeDtypeStruct((NC, N_PAD, FS), jnp.float32)]
    scratch_types = [
        pltpu.VMEM((K, 2, CH), jnp.int32),
        [pltpu.VMEM((CH, FS), jnp.float32) for _ in range(K)],
        pltpu.VMEM_SHARED((N_PAD, FS), jnp.float32),
        [pltpu.SemaphoreType.DMA for _ in range(K)],
        [pltpu.SemaphoreType.DMA for _ in range(K)],
    ]
    if with_deg:
        out_type.append(jax.ShapeDtypeStruct((NC, N_PAD, 16), jnp.float32))
        scratch_types.extend([
            pltpu.VMEM((CH, 16), jnp.float32),
            pltpu.VMEM((RPS, 16), jnp.float32),
            pltpu.VMEM_SHARED((N_PAD, 16), jnp.float32),
            [pltpu.SemaphoreType.DMA for _ in range(K)],
        ])

    @functools.partial(pl.kernel, mesh=_mesh, out_type=out_type,
                       scratch_types=scratch_types,
                       compiler_params=pltpu.CompilerParams(
                           use_tc_tiling_on_sc=False))
    def _sc_aggregate(feat_hbm, pe_hbm, zfeat_hbm, zdeg_hbm, ones_hbm,
                      *refs):
        if with_deg:
            (acc_hbm, deg_hbm, pidx_v, rows_v, acc_sh, gsem,
             ssem, ones_v, dstage_v, deg_sh, osem) = refs
        else:
            acc_hbm, pidx_v, rows_v, acc_sh, gsem, ssem = refs
        c = lax.axis_index("c")
        s = lax.axis_index("s")

        pltpu.sync_copy(zfeat_hbm, rows_v[0])
        for k in range(RPS // CH):
            pltpu.sync_copy(rows_v[0],
                            acc_sh.at[pl.ds(s * RPS + k * CH, CH)])
        if with_deg:
            pltpu.sync_copy(zdeg_hbm, dstage_v)
            pltpu.sync_copy(dstage_v, deg_sh.at[pl.ds(s * RPS, RPS)])
            pltpu.sync_copy(ones_hbm, ones_v)
        plsc.subcore_barrier()

        fh = feat_hbm.at[c]

        def group_body(g, carry):
            row = s * NCH + g * K
            pltpu.sync_copy(pe_hbm.at[pl.ds(row, K)], pidx_v)
            gathers = [
                pltpu.async_copy(fh.at[pidx_v.at[k, 0]], rows_v[k],
                                 gsem[k])
                for k in range(K)
            ]
            scatters = []
            for k in range(K):
                gathers[k].wait()
                scatters.append(
                    pltpu.async_copy(rows_v[k],
                                     acc_sh.at[pidx_v.at[k, 1]],
                                     ssem[k], add=True))
                if with_deg:
                    scatters.append(
                        pltpu.async_copy(ones_v,
                                         deg_sh.at[pidx_v.at[k, 1]],
                                         osem[k], add=True))
            for sc in scatters:
                sc.wait()
            return carry

        lax.fori_loop(0, NG, group_body, 0)

        plsc.subcore_barrier()
        for k in range(RPS // CH):
            pltpu.sync_copy(acc_sh.at[pl.ds(s * RPS + k * CH, CH)],
                            rows_v[0])
            pltpu.sync_copy(rows_v[0],
                            acc_hbm.at[c, pl.ds(s * RPS + k * CH, CH)])
        if with_deg:
            pltpu.sync_copy(deg_sh.at[pl.ds(s * RPS, RPS)], dstage_v)
            pltpu.sync_copy(dstage_v, deg_hbm.at[c, pl.ds(s * RPS, RPS)])

    return _sc_aggregate


_sc_aggregate_deg = _make_sc_aggregate(True)
_sc_aggregate_nodeg = _make_sc_aggregate(False)


def _combine_body(relu, acc_ref, degc_ref, xs_ref, wl_ref, wr_ref, b_ref,
                  o_ref, os_ref):
    deg = degc_ref[0, :, 0]
    scale = 1.0 / jnp.maximum(deg, 1.0)
    mean = jnp.concatenate(
        [acc_ref[0, :, :] * scale[:, None],
         acc_ref[1, :, :] * scale[:, None]], axis=1)
    xfull = jnp.concatenate([xs_ref[0, :, :], xs_ref[1, :, :]], axis=1)
    out = (jnp.dot(mean, wl_ref[...], preferred_element_type=jnp.float32)
           + jnp.dot(xfull, wr_ref[...],
                     preferred_element_type=jnp.float32)
           + b_ref[...])
    if relu:
        out = jnp.maximum(out, 0.0)
    o_ref[...] = out
    os_ref[0, :, :] = out[:, :FS]
    os_ref[1, :, :] = out[:, FS:]


def _tc_combine(acc, degc, xs, W_l, W_r, b, relu):
    R = 512
    grid = N_PAD // R
    return pl.pallas_call(
        functools.partial(_combine_body, relu),
        grid=(grid,),
        in_specs=[
            pl.BlockSpec((NC, R, FS), lambda i: (0, i, 0)),
            pl.BlockSpec((NC, R, 16), lambda i: (0, i, 0)),
            pl.BlockSpec((NC, R, FS), lambda i: (0, i, 0)),
            pl.BlockSpec((D, D), lambda i: (0, 0)),
            pl.BlockSpec((D, D), lambda i: (0, 0)),
            pl.BlockSpec((1, D), lambda i: (0, 0)),
        ],
        out_specs=[
            pl.BlockSpec((R, D), lambda i: (i, 0)),
            pl.BlockSpec((NC, R, FS), lambda i: (0, i, 0)),
        ],
        out_shape=[
            jax.ShapeDtypeStruct((N_PAD, D), jnp.float32),
            jax.ShapeDtypeStruct((NC, N_PAD, FS), jnp.float32),
        ],
    )(acc, degc, xs, W_l, W_r, b.reshape(1, D))


def kernel(x, edge_index, W_l1, b_l1, W_r1, W_l2, b_l2, W_r2):
    src = edge_index[0]
    dst = edge_index[1]
    src_p = jnp.concatenate([src, jnp.zeros((E_PAD - E,), jnp.int32)])
    dst_p = jnp.concatenate([dst, jnp.full((E_PAD - E,), N, jnp.int32)])
    pe = jnp.stack([src_p.reshape(TOTCH, CH), dst_p.reshape(TOTCH, CH)],
                   axis=1)
    x_p = jnp.pad(x, ((0, N_PAD - N), (0, 0)))
    xs = jnp.stack([x_p[:, :FS], x_p[:, FS:]])
    zfeat = jnp.zeros((CH, FS), jnp.float32)
    zdeg = jnp.zeros((RPS, 16), jnp.float32)
    ones = jnp.ones((CH, 16), jnp.float32)

    acc1, degc = _sc_aggregate_deg(xs, pe, zfeat, zdeg, ones)
    _, hs = _tc_combine(acc1, degc, xs, W_l1, W_r1, b_l1, relu=True)
    (acc2,) = _sc_aggregate_nodeg(hs, pe, zfeat, zdeg, ones)
    out, _ = _tc_combine(acc2, degc, hs, W_l2, W_r2, b_l2, relu=False)
    return out[:N]

# --- scband reference (transcript-rebuilt; emitter-appended) ---
"""Pipeline reference for scband-ontology-hetero-gnn-36206574305716 (READ-ONLY COPY).

The authoritative reference and input builder live on the scoring server;
editing this copy changes nothing except your own understanding.
"""

import jax, jax.numpy as jnp
import numpy as np

N_NODES = 10000
N_EDGES = 320000
D = 128


def setup_inputs(seed: int = 0) -> dict:
    key = jax.random.key(seed)
    ks = jax.random.split(key, 9)
    x = jax.random.normal(ks[0], (N_NODES, D), dtype=jnp.float32)
    edge_index = jax.random.randint(ks[1], (2, N_EDGES), 0, N_NODES, dtype=jnp.int32)
    s = 1.0 / np.sqrt(D)
    # SAGEConv layer 1 params (lin_l acts on aggregated neighbors, lin_r on root)
    W_l1 = jax.random.normal(ks[2], (D, D), dtype=jnp.float32) * s
    b_l1 = jnp.zeros((D,), dtype=jnp.float32)
    W_r1 = jax.random.normal(ks[3], (D, D), dtype=jnp.float32) * s
    # SAGEConv layer 2 params
    W_l2 = jax.random.normal(ks[4], (D, D), dtype=jnp.float32) * s
    b_l2 = jnp.zeros((D,), dtype=jnp.float32)
    W_r2 = jax.random.normal(ks[5], (D, D), dtype=jnp.float32) * s
    return {"x": x, "edge_index": edge_index,
            "W_l1": W_l1, "b_l1": b_l1, "W_r1": W_r1,
            "W_l2": W_l2, "b_l2": b_l2, "W_r2": W_r2}


def _sage_conv(x, src, dst, n_nodes, W_l, b_l, W_r):
    # message: gather source node features along edges
    msg = jnp.take(x, src, axis=0)
    # mean aggregation onto destination nodes
    agg = jax.ops.segment_sum(msg, dst, num_segments=n_nodes)
    deg = jax.ops.segment_sum(jnp.ones((src.shape[0],), dtype=x.dtype), dst, num_segments=n_nodes)
    mean = agg / jnp.clip(deg, 1.0)[:, None]
    # out = lin_l(mean_neighbors) + lin_r(x_root)
    return mean @ W_l + b_l + x @ W_r


def reference(x, edge_index, W_l1, b_l1, W_r1, W_l2, b_l2, W_r2):
    # OntologyHeteroGNN with a single ('node','tree','node') edge type,
    # graph_num_filters=1, graph_num_layers=2, SAGEConv(aggr='mean'),
    # HeteroConv aggr='sum' (trivial with one edge type), ReLU between layers.
    src = edge_index[0]
    dst = edge_index[1]
    n_nodes = x.shape[0]
    h = _sage_conv(x, src, dst, n_nodes, W_l1, b_l1, W_r1)
    h = jax.nn.relu(h)
    out = _sage_conv(h, src, dst, n_nodes, W_l2, b_l2, W_r2)
    return out

if __name__ == "__main__":
    import jax
    _d = setup_inputs()
    print(jax.jit(kernel)(*tuple(_d.values())))

</pallas_src>

<mosaic_0001>
#map = affine_map<(d0, d1) -> (0, 0, 0)>
#map1 = affine_map<(d0, d1) -> (0, 0)>
module attributes {stable_mosaic.version = 14 : i64} {
  func.func @_sc_aggregate(%arg0: i32, %arg1: i32, %arg2: memref<2x10240x64xf32, #tpu.memory_space<hbm>>, %arg3: memref<2560x2x128xi32, #tpu.memory_space<hbm>>, %arg4: memref<128x64xf32, #tpu.memory_space<hbm>>, %arg5: memref<640x16xf32, #tpu.memory_space<hbm>>, %arg6: memref<128x16xf32, #tpu.memory_space<hbm>>, %arg7: memref<2x10240x64xf32, #tpu.memory_space<hbm>>, %arg8: memref<2x10240x16xf32, #tpu.memory_space<hbm>>, %arg9: memref<8x2x128xi32, #tpu.memory_space<vmem>>, %arg10: memref<128x64xf32, #tpu.memory_space<vmem>>, %arg11: memref<128x64xf32, #tpu.memory_space<vmem>>, %arg12: memref<128x64xf32, #tpu.memory_space<vmem>>, %arg13: memref<128x64xf32, #tpu.memory_space<vmem>>, %arg14: memref<128x64xf32, #tpu.memory_space<vmem>>, %arg15: memref<128x64xf32, #tpu.memory_space<vmem>>, %arg16: memref<128x64xf32, #tpu.memory_space<vmem>>, %arg17: memref<128x64xf32, #tpu.memory_space<vmem>>, %arg18: memref<10240x64xf32, #tpu.memory_space<vmem_shared>>, %arg19: memref<!tpu.dma_semaphore, #tpu.memory_space<semaphore_mem>>, %arg20: memref<!tpu.dma_semaphore, #tpu.memory_space<semaphore_mem>>, %arg21: memref<!tpu.dma_semaphore, #tpu.memory_space<semaphore_mem>>, %arg22: memref<!tpu.dma_semaphore, #tpu.memory_space<semaphore_mem>>, %arg23: memref<!tpu.dma_semaphore, #tpu.memory_space<semaphore_mem>>, %arg24: memref<!tpu.dma_semaphore, #tpu.memory_space<semaphore_mem>>, %arg25: memref<!tpu.dma_semaphore, #tpu.memory_space<semaphore_mem>>, %arg26: memref<!tpu.dma_semaphore, #tpu.memory_space<semaphore_mem>>, %arg27: memref<!tpu.dma_semaphore, #tpu.memory_space<semaphore_mem>>, %arg28: memref<!tpu.dma_semaphore, #tpu.memory_space<semaphore_mem>>, %arg29: memref<!tpu.dma_semaphore, #tpu.memory_space<semaphore_mem>>, %arg30: memref<!tpu.dma_semaphore, #tpu.memory_space<semaphore_mem>>, %arg31: memref<!tpu.dma_semaphore, #tpu.memory_space<semaphore_mem>>, %arg32: memref<!tpu.dma_semaphore, #tpu.memory_space<semaphore_mem>>, %arg33: memref<!tpu.dma_semaphore, #tpu.memory_space<semaphore_mem>>, %arg34: memref<!tpu.dma_semaphore, #tpu.memory_space<semaphore_mem>>, %arg35: memref<128x16xf32, #tpu.memory_space<vmem>>, %arg36: memref<640x16xf32, #tpu.memory_space<vmem>>, %arg37: memref<10240x16xf32, #tpu.memory_space<vmem_shared>>, %arg38: memref<!tpu.dma_semaphore, #tpu.memory_space<semaphore_mem>>, %arg39: memref<!tpu.dma_semaphore, #tpu.memory_space<semaphore_mem>>, %arg40: memref<!tpu.dma_semaphore, #tpu.memory_space<semaphore_mem>>, %arg41: memref<!tpu.dma_semaphore, #tpu.memory_space<semaphore_mem>>, %arg42: memref<!tpu.dma_semaphore, #tpu.memory_space<semaphore_mem>>, %arg43: memref<!tpu.dma_semaphore, #tpu.memory_space<semaphore_mem>>, %arg44: memref<!tpu.dma_semaphore, #tpu.memory_space<semaphore_mem>>, %arg45: memref<!tpu.dma_semaphore, #tpu.memory_space<semaphore_mem>>) attributes {dimension_semantics = [#tpu.dimension_semantics<core_parallel>, #tpu.dimension_semantics<subcore_parallel>], iteration_bounds = array<i64: 2, 16>, scalar_prefetch = 0 : i64, scratch_operands = 37 : i64, tpu.core_type = #tpu.core_type<sc_vector_subcore>, window_params = [{transform_indices = #map}, {transform_indices = #map}, {transform_indices = #map1}, {transform_indices = #map1}, {transform_indices = #map1}, {transform_indices = #map}, {transform_indices = #map}]} {
    "tpu.region"() ({
      %run_scoped3A = tpu.sem_alloc : memref<!tpu.dma_semaphore, #tpu.memory_space<semaphore_mem>>
      tpu.enqueue_dma source(%arg4 : memref<128x64xf32, #tpu.memory_space<hbm>>) target(%arg10 : memref<128x64xf32, #tpu.memory_space<vmem>>) target_semaphore(%run_scoped3A : memref<!tpu.dma_semaphore, #tpu.memory_space<semaphore_mem>>)
      tpu.wait_dma2 semaphore(%run_scoped3A : memref<!tpu.dma_semaphore, #tpu.memory_space<semaphore_mem>>) src(%arg4 : memref<128x64xf32, #tpu.memory_space<hbm>>) dst(%arg10 : memref<128x64xf32, #tpu.memory_space<vmem>>)
      tpu.yield
    }) : () -> ()
    %mul3A = arith.constant 640 : i32
    %mul3A_0 = arith.muli %arg1, %mul3A : i32
    %add3A = arith.constant 0 : i32
    %add3A_1 = arith.addi %mul3A_0, %add3A : i32
    "tpu.region"() ({
      %run_scoped3A = tpu.sem_alloc : memref<!tpu.dma_semaphore, #tpu.memory_space<semaphore_mem>>
      %dma_start3A = arith.constant 0 : i32
      %dma_start3A_70 = tpu.memref_slice %arg18[%add3A_1, %dma_start3A] : memref<10240x64xf32, #tpu.memory_space<vmem_shared>> -> memref<128x64xf32, #tpu.memory_space<vmem_shared>>
      %dma_start3A_71 = arith.constant 0 : i32
      %dma_start3A_72 = tpu.memref_slice %arg18[%add3A_1, %dma_start3A_71] : memref<10240x64xf32, #tpu.memory_space<vmem_shared>> -> memref<128x64xf32, #tpu.memory_space<vmem_shared>>
      tpu.enqueue_dma source(%arg10 : memref<128x64xf32, #tpu.memory_space<vmem>>) target(%dma_start3A_72 : memref<128x64xf32, #tpu.memory_space<vmem_shared>>) target_semaphore(%run_scoped3A : memref<!tpu.dma_semaphore, #tpu.memory_space<semaphore_mem>>)
      %dma_wait3A = arith.constant 0 : i32
      %dma_wait3A_73 = tpu.memref_slice %arg18[%add3A_1, %dma_wait3A] : memref<10240x64xf32, #tpu.memory_space<vmem_shared>> -> memref<128x64xf32, #tpu.memory_space<vmem_shared>>
      %dma_wait3A_74 = arith.constant 0 : i32
      %dma_wait3A_75 = tpu.memref_slice %arg18[%add3A_1, %dma_wait3A_74] : memref<10240x64xf32, #tpu.memory_space<vmem_shared>> -> memref<128x64xf32, #tpu.memory_space<vmem_shared>>
      tpu.wait_dma2 semaphore(%run_scoped3A : memref<!tpu.dma_semaphore, #tpu.memory_space<semaphore_mem>>) src(%arg10 : memref<128x64xf32, #tpu.memory_space<vmem>>) dst(%dma_wait3A_75 : memref<128x64xf32, #tpu.memory_space<vmem_shared>>)
      tpu.yield
    }) : () -> ()
    %mul3A_2 = arith.constant 640 : i32
    %mul3A_3 = arith.muli %arg1, %mul3A_2 : i32
    %add3A_4 = arith.constant 128 : i32
    %add3A_5 = arith.addi %mul3A_3, %add3A_4 : i32
    "tpu.region"() ({
      %run_scoped3A = tpu.sem_alloc : memref<!tpu.dma_semaphore, #tpu.memory_space<semaphore_mem>>
      %dma_start3A = arith.constant 0 : i32
      %dma_start3A_70 = tpu.memref_slice %arg18[%add3A_5, %dma_start3A] : memref<10240x64xf32, #tpu.memory_space<vmem_shared>> -> memref<128x64xf32, #tpu.memory_space<vmem_shared>>
      %dma_start3A_71 = arith.constant 0 : i32
      %dma_start3A_72 = tpu.memref_slice %arg18[%add3A_5, %dma_start3A_71] : memref<10240x64xf32, #tpu.memory_space<vmem_shared>> -> memref<128x64xf32, #tpu.memory_space<vmem_shared>>
      tpu.enqueue_dma source(%arg10 : memref<128x64xf32, #tpu.memory_space<vmem>>) target(%dma_start3A_72 : memref<128x64xf32, #tpu.memory_space<vmem_shared>>) target_semaphore(%run_scoped3A : memref<!tpu.dma_semaphore, #tpu.memory_space<semaphore_mem>>)
      %dma_wait3A = arith.constant 0 : i32
      %dma_wait3A_73 = tpu.memref_slice %arg18[%add3A_5, %dma_wait3A] : memref<10240x64xf32, #tpu.memory_space<vmem_shared>> -> memref<128x64xf32, #tpu.memory_space<vmem_shared>>
      %dma_wait3A_74 = arith.constant 0 : i32
      %dma_wait3A_75 = tpu.memref_slice %arg18[%add3A_5, %dma_wait3A_74] : memref<10240x64xf32, #tpu.memory_space<vmem_shared>> -> memref<128x64xf32, #tpu.memory_space<vmem_shared>>
      tpu.wait_dma2 semaphore(%run_scoped3A : memref<!tpu.dma_semaphore, #tpu.memory_space<semaphore_mem>>) src(%arg10 : memref<128x64xf32, #tpu.memory_space<vmem>>) dst(%dma_wait3A_75 : memref<128x64xf32, #tpu.memory_space<vmem_shared>>)
      tpu.yield
    }) : () -> ()
    %mul3A_6 = arith.constant 640 : i32
    %mul3A_7 = arith.muli %arg1, %mul3A_6 : i32
    %add3A_8 = arith.constant 256 : i32
    %add3A_9 = arith.addi %mul3A_7, %add3A_8 : i32
    "tpu.region"() ({
      %run_scoped3A = tpu.sem_alloc : memref<!tpu.dma_semaphore, #tpu.memory_space<semaphore_mem>>
      %dma_start3A = arith.constant 0 : i32
      %dma_start3A_70 = tpu.memref_slice %arg18[%add3A_9, %dma_start3A] : memref<10240x64xf32, #tpu.memory_space<vmem_shared>> -> memref<128x64xf32, #tpu.memory_space<vmem_shared>>
      %dma_start3A_71 = arith.constant 0 : i32
      %dma_start3A_72 = tpu.memref_slice %arg18[%add3A_9, %dma_start3A_71] : memref<10240x64xf32, #tpu.memory_space<vmem_shared>> -> memref<128x64xf32, #tpu.memory_space<vmem_shared>>
      tpu.enqueue_dma source(%arg10 : memref<128x64xf32, #tpu.memory_space<vmem>>) target(%dma_start3A_72 : memref<128x64xf32, #tpu.memory_space<vmem_shared>>) target_semaphore(%run_scoped3A : memref<!tpu.dma_semaphore, #tpu.memory_space<semaphore_mem>>)
      %dma_wait3A = arith.constant 0 : i32
      %dma_wait3A_73 = tpu.memref_slice %arg18[%add3A_9, %dma_wait3A] : memref<10240x64xf32, #tpu.memory_space<vmem_shared>> -> memref<128x64xf32, #tpu.memory_space<vmem_shared>>
      %dma_wait3A_74 = arith.constant 0 : i32
      %dma_wait3A_75 = tpu.memref_slice %arg18[%add3A_9, %dma_wait3A_74] : memref<10240x64xf32, #tpu.memory_space<vmem_shared>> -> memref<128x64xf32, #tpu.memory_space<vmem_shared>>
      tpu.wait_dma2 semaphore(%run_scoped3A : memref<!tpu.dma_semaphore, #tpu.memory_space<semaphore_mem>>) src(%arg10 : memref<128x64xf32, #tpu.memory_space<vmem>>) dst(%dma_wait3A_75 : memref<128x64xf32, #tpu.memory_space<vmem_shared>>)
      tpu.yield
    }) : () -> ()
    %mul3A_10 = arith.constant 640 : i32
    %mul3A_11 = arith.muli %arg1, %mul3A_10 : i32
    %add3A_12 = arith.constant 384 : i32
    %add3A_13 = arith.addi %mul3A_11, %add3A_12 : i32
    "tpu.region"() ({
      %run_scoped3A = tpu.sem_alloc : memref<!tpu.dma_semaphore, #tpu.memory_space<semaphore_mem>>
      %dma_start3A = arith.constant 0 : i32
      %dma_start3A_70 = tpu.memref_slice %arg18[%add3A_13, %dma_start3A] : memref<10240x64xf32, #tpu.memory_space<vmem_shared>> -> memref<128x64xf32, #tpu.memory_space<vmem_shared>>
      %dma_start3A_71 = arith.constant 0 : i32
      %dma_start3A_72 = tpu.memref_slice %arg18[%add3A_13, %dma_start3A_71] : memref<10240x64xf32, #tpu.memory_space<vmem_shared>> -> memref<128x64xf32, #tpu.memory_space<vmem_shared>>
      tpu.enqueue_dma source(%arg10 : memref<128x64xf32, #tpu.memory_space<vmem>>) target(%dma_start3A_72 : memref<128x64xf32, #tpu.memory_space<vmem_shared>>) target_semaphore(%run_scoped3A : memref<!tpu.dma_semaphore, #tpu.memory_space<semaphore_mem>>)
      %dma_wait3A = arith.constant 0 : i32
      %dma_wait3A_73 = tpu.memref_slice %arg18[%add3A_13, %dma_wait3A] : memref<10240x64xf32, #tpu.memory_space<vmem_shared>> -> memref<128x64xf32, #tpu.memory_space<vmem_shared>>
      %dma_wait3A_74 = arith.constant 0 : i32
      %dma_wait3A_75 = tpu.memref_slice %arg18[%add3A_13, %dma_wait3A_74] : memref<10240x64xf32, #tpu.memory_space<vmem_shared>> -> memref<128x64xf32, #tpu.memory_space<vmem_shared>>
      tpu.wait_dma2 semaphore(%run_scoped3A : memref<!tpu.dma_semaphore, #tpu.memory_space<semaphore_mem>>) src(%arg10 : memref<128x64xf32, #tpu.memory_space<vmem>>) dst(%dma_wait3A_75 : memref<128x64xf32, #tpu.memory_space<vmem_shared>>)
      tpu.yield
    }) : () -> ()
    %mul3A_14 = arith.constant 640 : i32
    %mul3A_15 = arith.muli %arg1, %mul3A_14 : i32
    %add3A_16 = arith.constant 512 : i32
    %add3A_17 = arith.addi %mul3A_15, %add3A_16 : i32
    "tpu.region"() ({
      %run_scoped3A = tpu.sem_alloc : memref<!tpu.dma_semaphore, #tpu.memory_space<semaphore_mem>>
      %dma_start3A = arith.constant 0 : i32
      %dma_start3A_70 = tpu.memref_slice %arg18[%add3A_17, %dma_start3A] : memref<10240x64xf32, #tpu.memory_space<vmem_shared>> -> memref<128x64xf32, #tpu.memory_space<vmem_shared>>
      %dma_start3A_71 = arith.constant 0 : i32
      %dma_start3A_72 = tpu.memref_slice %arg18[%add3A_17, %dma_start3A_71] : memref<10240x64xf32, #tpu.memory_space<vmem_shared>> -> memref<128x64xf32, #tpu.memory_space<vmem_shared>>
      tpu.enqueue_dma source(%arg10 : memref<128x64xf32, #tpu.memory_space<vmem>>) target(%dma_start3A_72 : memref<128x64xf32, #tpu.memory_space<vmem_shared>>) target_semaphore(%run_scoped3A : memref<!tpu.dma_semaphore, #tpu.memory_space<semaphore_mem>>)
      %dma_wait3A = arith.constant 0 : i32
      %dma_wait3A_73 = tpu.memref_slice %arg18[%add3A_17, %dma_wait3A] : memref<10240x64xf32, #tpu.memory_space<vmem_shared>> -> memref<128x64xf32, #tpu.memory_space<vmem_shared>>
      %dma_wait3A_74 = arith.constant 0 : i32
      %dma_wait3A_75 = tpu.memref_slice %arg18[%add3A_17, %dma_wait3A_74] : memref<10240x64xf32, #tpu.memory_space<vmem_shared>> -> memref<128x64xf32, #tpu.memory_space<vmem_shared>>
      tpu.wait_dma2 semaphore(%run_scoped3A : memref<!tpu.dma_semaphore, #tpu.memory_space<semaphore_mem>>) src(%arg10 : memref<128x64xf32, #tpu.memory_space<vmem>>) dst(%dma_wait3A_75 : memref<128x64xf32, #tpu.memory_space<vmem_shared>>)
      tpu.yield
    }) : () -> ()
    "tpu.region"() ({
      %run_scoped3A = tpu.sem_alloc : memref<!tpu.dma_semaphore, #tpu.memory_space<semaphore_mem>>
      tpu.enqueue_dma source(%arg5 : memref<640x16xf32, #tpu.memory_space<hbm>>) target(%arg36 : memref<640x16xf32, #tpu.memory_space<vmem>>) target_semaphore(%run_scoped3A : memref<!tpu.dma_semaphore, #tpu.memory_space<semaphore_mem>>)
      tpu.wait_dma2 semaphore(%run_scoped3A : memref<!tpu.dma_semaphore, #tpu.memory_space<semaphore_mem>>) src(%arg5 : memref<640x16xf32, #tpu.memory_space<hbm>>) dst(%arg36 : memref<640x16xf32, #tpu.memory_space<vmem>>)
      tpu.yield
    }) : () -> ()
    %mul3A_18 = arith.constant 640 : i32
    %mul3A_19 = arith.muli %arg1, %mul3A_18 : i32
    "tpu.region"() ({
      %run_scoped3A = tpu.sem_alloc : memref<!tpu.dma_semaphore, #tpu.memory_space<semaphore_mem>>
      %dma_start3A = arith.constant 0 : i32
      %dma_start3A_70 = tpu.memref_slice %arg37[%mul3A_19, %dma_start3A] : memref<10240x16xf32, #tpu.memory_space<vmem_shared>> -> memref<640x16xf32, #tpu.memory_space<vmem_shared>>
      %dma_start3A_71 = arith.constant 0 : i32
      %dma_start3A_72 = tpu.memref_slice %arg37[%mul3A_19, %dma_start3A_71] : memref<10240x16xf32, #tpu.memory_space<vmem_shared>> -> memref<640x16xf32, #tpu.memory_space<vmem_shared>>
      tpu.enqueue_dma source(%arg36 : memref<640x16xf32, #tpu.memory_space<vmem>>) target(%dma_start3A_72 : memref<640x16xf32, #tpu.memory_space<vmem_shared>>) target_semaphore(%run_scoped3A : memref<!tpu.dma_semaphore, #tpu.memory_space<semaphore_mem>>)
      %dma_wait3A = arith.constant 0 : i32
      %dma_wait3A_73 = tpu.memref_slice %arg37[%mul3A_19, %dma_wait3A] : memref<10240x16xf32, #tpu.memory_space<vmem_shared>> -> memref<640x16xf32, #tpu.memory_space<vmem_shared>>
      %dma_wait3A_74 = arith.constant 0 : i32
      %dma_wait3A_75 = tpu.memref_slice %arg37[%mul3A_19, %dma_wait3A_74] : memref<10240x16xf32, #tpu.memory_space<vmem_shared>> -> memref<640x16xf32, #tpu.memory_space<vmem_shared>>
      tpu.wait_dma2 semaphore(%run_scoped3A : memref<!tpu.dma_semaphore, #tpu.memory_space<semaphore_mem>>) src(%arg36 : memref<640x16xf32, #tpu.memory_space<vmem>>) dst(%dma_wait3A_75 : memref<640x16xf32, #tpu.memory_space<vmem_shared>>)
      tpu.yield
    }) : () -> ()
    "tpu.region"() ({
      %run_scoped3A = tpu.sem_alloc : memref<!tpu.dma_semaphore, #tpu.memory_space<semaphore_mem>>
      tpu.enqueue_dma source(%arg6 : memref<128x16xf32, #tpu.memory_space<hbm>>) target(%arg35 : memref<128x16xf32, #tpu.memory_space<vmem>>) target_semaphore(%run_scoped3A : memref<!tpu.dma_semaphore, #tpu.memory_space<semaphore_mem>>)
      tpu.wait_dma2 semaphore(%run_scoped3A : memref<!tpu.dma_semaphore, #tpu.memory_space<semaphore_mem>>) src(%arg6 : memref<128x16xf32, #tpu.memory_space<hbm>>) dst(%arg35 : memref<128x16xf32, #tpu.memory_space<vmem>>)
      tpu.yield
    }) : () -> ()
    %barrier3A = arith.constant 0 : index
    tpu.barrier barrier_id(%barrier3A)
    %scan3A = arith.constant 0 : i32
    %scan3A_20 = arith.constant 0 : i32
    %scan3A_21 = arith.constant 20 : i32
    %scan3A_22 = arith.addi %scan3A_20, %scan3A_21 : i32
    %scan3A_23 = arith.constant 1 : i32
    scf.for %scan3A_70 = %scan3A_20 to %scan3A_22 step %scan3A_23  : i32 {
      %mul3A_71 = arith.constant 160 : i32
      %mul3A_72 = arith.muli %arg1, %mul3A_71 : i32
      %mul3A_73 = arith.constant 8 : i32
      %mul3A_74 = arith.muli %scan3A_70, %mul3A_73 : i32
      %add3A_75 = arith.addi %mul3A_72, %mul3A_74 : i32
      "tpu.region"() ({
        %run_scoped3A = tpu.sem_alloc : memref<!tpu.dma_semaphore, #tpu.memory_space<semaphore_mem>>
        %dma_start3A_522 = arith.constant 0 : i32
        %dma_start3A_523 = arith.constant 0 : i32
        %dma_start3A_524 = tpu.memref_slice %arg3[%add3A_75, %dma_start3A_522, %dma_start3A_523] : memref<2560x2x128xi32, #tpu.memory_space<hbm>> -> memref<8x2x128xi32, #tpu.memory_space<hbm>>
        %dma_start3A_525 = arith.constant 0 : i32
        %dma_start3A_526 = arith.constant 0 : i32
        %dma_start3A_527 = tpu.memref_slice %arg3[%add3A_75, %dma_start3A_525, %dma_start3A_526] : memref<2560x2x128xi32, #tpu.memory_space<hbm>> -> memref<8x2x128xi32, #tpu.memory_space<hbm>>
        tpu.enqueue_dma source(%dma_start3A_527 : memref<8x2x128xi32, #tpu.memory_space<hbm>>) target(%arg9 : memref<8x2x128xi32, #tpu.memory_space<vmem>>) target_semaphore(%run_scoped3A : memref<!tpu.dma_semaphore, #tpu.memory_space<semaphore_mem>>)
        %dma_wait3A_528 = arith.constant 0 : i32
        %dma_wait3A_529 = arith.constant 0 : i32
        %dma_wait3A_530 = tpu.memref_slice %arg3[%add3A_75, %dma_wait3A_528, %dma_wait3A_529] : memref<2560x2x128xi32, #tpu.memory_space<hbm>> -> memref<8x2x128xi32, #tpu.memory_space<hbm>>
        %dma_wait3A_531 = arith.constant 0 : i32
        %dma_wait3A_532 = arith.constant 0 : i32
        %dma_wait3A_533 = tpu.memref_slice %arg3[%add3A_75, %dma_wait3A_531, %dma_wait3A_532] : memref<2560x2x128xi32, #tpu.memory_space<hbm>> -> memref<8x2x128xi32, #tpu.memory_space<hbm>>
        tpu.wait_dma2 semaphore(%run_scoped3A : memref<!tpu.dma_semaphore, #tpu.memory_space<semaphore_mem>>) src(%dma_wait3A_533 : memref<8x2x128xi32, #tpu.memory_space<hbm>>) dst(%arg9 : memref<8x2x128xi32, #tpu.memory_space<vmem>>)
        tpu.yield
      }) : () -> ()
      %dma_start3A = arith.constant 0 : i32
      %dma_start3A_76 = arith.constant 0 : i32
      %dma_start3A_77 = arith.constant 0 : i32
      %dma_start3A_78 = tpu.memref_slice %arg9[%dma_start3A, %dma_start3A_76, %dma_start3A_77] : memref<8x2x128xi32, #tpu.memory_space<vmem>> -> memref<1x1x128xi32, #tpu.memory_space<vmem>>
      %dma_start3A_79 = tpu.memref_squeeze %dma_start3A_78 : memref<1x1x128xi32, #tpu.memory_space<vmem>> -> memref<128xi32, #tpu.memory_space<vmem>>
      %dma_start3A_80 = arith.constant 0 : i32
      %dma_start3A_81 = arith.constant 0 : i32
      %dma_start3A_82 = tpu.memref_slice %arg2[%arg0, %dma_start3A_80, %dma_start3A_81] : memref<2x10240x64xf32, #tpu.memory_space<hbm>> -> memref<1x10240x64xf32, #tpu.memory_space<hbm>>
      %dma_start3A_83 = tpu.memref_squeeze %dma_start3A_82 : memref<1x10240x64xf32, #tpu.memory_space<hbm>> -> memref<10240x64xf32, #tpu.memory_space<hbm>>
      %dma_start3A_84 = arith.constant 0 : i32
      %dma_start3A_85 = arith.constant 0 : i32
      %dma_start3A_86 = tpu.memref_slice %dma_start3A_83[%dma_start3A_84, %dma_start3A_85] : memref<10240x64xf32, #tpu.memory_space<hbm>> -> memref<10240x64xf32, #tpu.memory_space<hbm>>
      tpu.enqueue_indirect_dma source(%dma_start3A_86 : memref<10240x64xf32, #tpu.memory_space<hbm>>) target(%arg10 : memref<128x64xf32, #tpu.memory_space<vmem>>) offsets(%dma_start3A_79 : memref<128xi32, #tpu.memory_space<vmem>>) semaphore(%arg19 : memref<!tpu.dma_semaphore, #tpu.memory_space<semaphore_mem>>)
      %dma_start3A_87 = arith.constant 1 : i32
      %dma_start3A_88 = arith.constant 0 : i32
      %dma_start3A_89 = arith.constant 0 : i32
      %dma_start3A_90 = tpu.memref_slice %arg9[%dma_start3A_87, %dma_start3A_88, %dma_start3A_89] : memref<8x2x128xi32, #tpu.memory_space<vmem>> -> memref<1x1x128xi32, #tpu.memory_space<vmem>>
      %dma_start3A_91 = tpu.memref_squeeze %dma_start3A_90 : memref<1x1x128xi32, #tpu.memory_space<vmem>> -> memref<128xi32, #tpu.memory_space<vmem>>
      %dma_start3A_92 = arith.constant 0 : i32
      %dma_start3A_93 = arith.constant 0 : i32
      %dma_start3A_94 = tpu.memref_slice %arg2[%arg0, %dma_start3A_92, %dma_start3A_93] : memref<2x10240x64xf32, #tpu.memory_space<hbm>> -> memref<1x10240x64xf32, #tpu.memory_space<hbm>>
      %dma_start3A_95 = tpu.memref_squeeze %dma_start3A_94 : memref<1x10240x64xf32, #tpu.memory_space<hbm>> -> memref<10240x64xf32, #tpu.memory_space<hbm>>
      %dma_start3A_96 = arith.constant 0 : i32
      %dma_start3A_97 = arith.constant 0 : i32
      %dma_start3A_98 = tpu.memref_slice %dma_start3A_95[%dma_start3A_96, %dma_start3A_97] : memref<10240x64xf32, #tpu.memory_space<hbm>> -> memref<10240x64xf32, #tpu.memory_space<hbm>>
      tpu.enqueue_indirect_dma source(%dma_start3A_98 : memref<10240x64xf32, #tpu.memory_space<hbm>>) target(%arg11 : memref<128x64xf32, #tpu.memory_space<vmem>>) offsets(%dma_start3A_91 : memref<128xi32, #tpu.memory_space<vmem>>) semaphore(%arg20 : memref<!tpu.dma_semaphore, #tpu.memory_space<semaphore_mem>>)
      %dma_start3A_99 = arith.constant 2 : i32
      %dma_start3A_100 = arith.constant 0 : i32
      %dma_start3A_101 = arith.constant 0 : i32
      %dma_start3A_102 = tpu.memref_slice %arg9[%dma_start3A_99, %dma_start3A_100, %dma_start3A_101] : memref<8x2x128xi32, #tpu.memory_space<vmem>> -> memref<1x1x128xi32, #tpu.memory_space<vmem>>
      %dma_start3A_103 = tpu.memref_squeeze %dma_start3A_102 : memref<1x1x128xi32, #tpu.memory_space<vmem>> -> memref<128xi32, #tpu.memory_space<vmem>>
      %dma_start3A_104 = arith.constant 0 : i32
      %dma_start3A_105 = arith.constant 0 : i32
      %dma_start3A_106 = tpu.memref_slice %arg2[%arg0, %dma_start3A_104, %dma_start3A_105] : memref<2x10240x64xf32, #tpu.memory_space<hbm>> -> memref<1x10240x64xf32, #tpu.memory_space<hbm>>
      %dma_start3A_107 = tpu.memref_squeeze %dma_start3A_106 : memref<1x10240x64xf32, #tpu.memory_space<hbm>> -> memref<10240x64xf32, #tpu.memory_space<hbm>>
      %dma_start3A_108 = arith.constant 0 : i32
      %dma_start3A_109 = arith.constant 0 : i32
      %dma_start3A_110 = tpu.memref_slice %dma_start3A_107[%dma_start3A_108, %dma_start3A_109] : memref<10240x64xf32, #tpu.memory_space<hbm>> -> memref<10240x64xf32, #tpu.memory_space<hbm>>
      tpu.enqueue_indirect_dma source(%dma_start3A_110 : memref<10240x64xf32, #tpu.memory_space<hbm>>) target(%arg12 : memref<128x64xf32, #tpu.memory_space<vmem>>) offsets(%dma_start3A_103 : memref<128xi32, #tpu.memory_space<vmem>>) semaphore(%arg21 : memref<!tpu.dma_semaphore, #tpu.memory_space<semaphore_mem>>)
      %dma_start3A_111 = arith.constant 3 : i32
      %dma_start3A_112 = arith.constant 0 : i32
      %dma_start3A_113 = arith.constant 0 : i32
      %dma_start3A_114 = tpu.memref_slice %arg9[%dma_start3A_111, %dma_start3A_112, %dma_start3A_113] : memref<8x2x128xi32, #tpu.memory_space<vmem>> -> memref<1x1x128xi32, #tpu.memory_space<vmem>>
      %dma_start3A_115 = tpu.memref_squeeze %dma_start3A_114 : memref<1x1x128xi32, #tpu.memory_space<vmem>> -> memref<128xi32, #tpu.memory_space<vmem>>
      %dma_start3A_116 = arith.constant 0 : i32
      %dma_start3A_117 = arith.constant 0 : i32
      %dma_start3A_118 = tpu.memref_slice %arg2[%arg0, %dma_start3A_116, %dma_start3A_117] : memref<2x10240x64xf32, #tpu.memory_space<hbm>> -> memref<1x10240x64xf32, #tpu.memory_space<hbm>>
      %dma_start3A_119 = tpu.memref_squeeze %dma_start3A_118 : memref<1x10240x64xf32, #tpu.memory_space<hbm>> -> memref<10240x64xf32, #tpu.memory_space<hbm>>
      %dma_start3A_120 = arith.constant 0 : i32
      %dma_start3A_121 = arith.constant 0 : i32
      %dma_start3A_122 = tpu.memref_slice %dma_start3A_119[%dma_start3A_120, %dma_start3A_121] : memref<10240x64xf32, #tpu.memory_space<hbm>> -> memref<10240x64xf32, #tpu.memory_space<hbm>>
      tpu.enqueue_indirect_dma source(%dma_start3A_122 : memref<10240x64xf32, #tpu.memory_space<hbm>>) target(%arg13 : memref<128x64xf32, #tpu.memory_space<vmem>>) offsets(%dma_start3A_115 : memref<128xi32, #tpu.memory_space<vmem>>) semaphore(%arg22 : memref<!tpu.dma_semaphore, #tpu.memory_space<semaphore_mem>>)
      %dma_start3A_123 = arith.constant 4 : i32
      %dma_start3A_124 = arith.constant 0 : i32
      %dma_start3A_125 = arith.constant 0 : i32
      %dma_start3A_126 = tpu.memref_slice %arg9[%dma_start3A_123, %dma_start3A_124, %dma_start3A_125] : memref<8x2x128xi32, #tpu.memory_space<vmem>> -> memref<1x1x128xi32, #tpu.memory_space<vmem>>
      %dma_start3A_127 = tpu.memref_squeeze %dma_start3A_126 : memref<1x1x128xi32, #tpu.memory_space<vmem>> -> memref<128xi32, #tpu.memory_space<vmem>>
      %dma_start3A_128 = arith.constant 0 : i32
      %dma_start3A_129 = arith.constant 0 : i32
      %dma_start3A_130 = tpu.memref_slice %arg2[%arg0, %dma_start3A_128, %dma_start3A_129] : memref<2x10240x64xf32, #tpu.memory_space<hbm>> -> memref<1x10240x64xf32, #tpu.memory_space<hbm>>
      %dma_start3A_131 = tpu.memref_squeeze %dma_start3A_130 : memref<1x10240x64xf32, #tpu.memory_space<hbm>> -> memref<10240x64xf32, #tpu.memory_space<hbm>>
      %dma_start3A_132 = arith.constant 0 : i32
      %dma_start3A_133 = arith.constant 0 : i32
      %dma_start3A_134 = tpu.memref_slice %dma_start3A_131[%dma_start3A_132, %dma_start3A_133] : memref<10240x64xf32, #tpu.memory_space<hbm>> -> memref<10240x64xf32, #tpu.memory_space<hbm>>
      tpu.enqueue_indirect_dma source(%dma_start3A_134 : memref<10240x64xf32, #tpu.memory_space<hbm>>) target(%arg14 : memref<128x64xf32, #tpu.memory_space<vmem>>) offsets(%dma_start3A_127 : memref<128xi32, #tpu.memory_space<vmem>>) semaphore(%arg23 : memref<!tpu.dma_semaphore, #tpu.memory_space<semaphore_mem>>)
      %dma_start3A_135 = arith.constant 5 : i32
      %dma_start3A_136 = arith.constant 0 : i32
      %dma_start3A_137 = arith.constant 0 : i32
      %dma_start3A_138 = tpu.memref_slice %arg9[%dma_start3A_135, %dma_start3A_136, %dma_start3A_137] : memref<8x2x128xi32, #tpu.memory_space<vmem>> -> memref<1x1x128xi32, #tpu.memory_space<vmem>>
      %dma_start3A_139 = tpu.memref_squeeze %dma_start3A_138 : memref<1x1x128xi32, #tpu.memory_space<vmem>> -> memref<128xi32, #tpu.memory_space<vmem>>
      %dma_start3A_140 = arith.constant 0 : i32
      %dma_start3A_141 = arith.constant 0 : i32
      %dma_start3A_142 = tpu.memref_slice %arg2[%arg0, %dma_start3A_140, %dma_start3A_141] : memref<2x10240x64xf32, #tpu.memory_space<hbm>> -> memref<1x10240x64xf32, #tpu.memory_space<hbm>>
      %dma_start3A_143 = tpu.memref_squeeze %dma_start3A_142 : memref<1x10240x64xf32, #tpu.memory_space<hbm>> -> memref<10240x64xf32, #tpu.memory_space<hbm>>
      %dma_start3A_144 = arith.constant 0 : i32
      %dma_start3A_145 = arith.constant 0 : i32
      %dma_start3A_146 = tpu.memref_slice %dma_start3A_143[%dma_start3A_144, %dma_start3A_145] : memref<10240x64xf32, #tpu.memory_space<hbm>> -> memref<10240x64xf32, #tpu.memory_space<hbm>>
      tpu.enqueue_indirect_dma source(%dma_start3A_146 : memref<10240x64xf32, #tpu.memory_space<hbm>>) target(%arg15 : memref<128x64xf32, #tpu.memory_space<vmem>>) offsets(%dma_start3A_139 : memref<128xi32, #tpu.memory_space<vmem>>) semaphore(%arg24 : memref<!tpu.dma_semaphore, #tpu.memory_space<semaphore_mem>>)
      %dma_start3A_147 = arith.constant 6 : i32
      %dma_start3A_148 = arith.constant 0 : i32
      %dma_start3A_149 = arith.constant 0 : i32
      %dma_start3A_150 = tpu.memref_slice %arg9[%dma_start3A_147, %dma_start3A_148, %dma_start3A_149] : memref<8x2x128xi32, #tpu.memory_space<vmem>> -> memref<1x1x128xi32, #tpu.memory_space<vmem>>
      %dma_start3A_151 = tpu.memref_squeeze %dma_start3A_150 : memref<1x1x128xi32, #tpu.memory_space<vmem>> -> memref<128xi32, #tpu.memory_space<vmem>>
      %dma_start3A_152 = arith.constant 0 : i32
      %dma_start3A_153 = arith.constant 0 : i32
      %dma_start3A_154 = tpu.memref_slice %arg2[%arg0, %dma_start3A_152, %dma_start3A_153] : memref<2x10240x64xf32, #tpu.memory_space<hbm>> -> memref<1x10240x64xf32, #tpu.memory_space<hbm>>
      %dma_start3A_155 = tpu.memref_squeeze %dma_start3A_154 : memref<1x10240x64xf32, #tpu.memory_space<hbm>> -> memref<10240x64xf32, #tpu.memory_space<hbm>>
      %dma_start3A_156 = arith.constant 0 : i32
      %dma_start3A_157 = arith.constant 0 : i32
      %dma_start3A_158 = tpu.memref_slice %dma_start3A_155[%dma_start3A_156, %dma_start3A_157] : memref<10240x64xf32, #tpu.memory_space<hbm>> -> memref<10240x64xf32, #tpu.memory_space<hbm>>
      tpu.enqueue_indirect_dma source(%dma_start3A_158 : memref<10240x64xf32, #tpu.memory_space<hbm>>) target(%arg16 : memref<128x64xf32, #tpu.memory_space<vmem>>) offsets(%dma_start3A_151 : memref<128xi32, #tpu.memory_space<vmem>>) semaphore(%arg25 : memref<!tpu.dma_semaphore, #tpu.memory_space<semaphore_mem>>)
      %dma_start3A_159 = arith.constant 7 : i32
      %dma_start3A_160 = arith.constant 0 : i32
      %dma_start3A_161 = arith.constant 0 : i32
      %dma_start3A_162 = tpu.memref_slice %arg9[%dma_start3A_159, %dma_start3A_160, %dma_start3A_161] : memref<8x2x128xi32, #tpu.memory_space<vmem>> -> memref<1x1x128xi32, #tpu.memory_space<vmem>>
      %dma_start3A_163 = tpu.memref_squeeze %dma_start3A_162 : memref<1x1x128xi32, #tpu.memory_space<vmem>> -> memref<128xi32, #tpu.memory_space<vmem>>
      %dma_start3A_164 = arith.constant 0 : i32
      %dma_start3A_165 = arith.constant 0 : i32
      %dma_start3A_166 = tpu.memref_slice %arg2[%arg0, %dma_start3A_164, %dma_start3A_165] : memref<2x10240x64xf32, #tpu.memory_space<hbm>> -> memref<1x10240x64xf32, #tpu.memory_space<hbm>>
      %dma_start3A_167 = tpu.memref_squeeze %dma_start3A_166 : memref<1x10240x64xf32, #tpu.memory_space<hbm>> -> memref<10240x64xf32, #tpu.memory_space<hbm>>
      %dma_start3A_168 = arith.constant 0 : i32
      %dma_start3A_169 = arith.constant 0 : i32
      %dma_start3A_170 = tpu.memref_slice %dma_start3A_167[%dma_start3A_168, %dma_start3A_169] : memref<10240x64xf32, #tpu.memory_space<hbm>> -> memref<10240x64xf32, #tpu.memory_space<hbm>>
      tpu.enqueue_indirect_dma source(%dma_start3A_170 : memref<10240x64xf32, #tpu.memory_space<hbm>>) target(%arg17 : memref<128x64xf32, #tpu.memory_space<vmem>>) offsets(%dma_start3A_163 : memref<128xi32, #tpu.memory_space<vmem>>) semaphore(%arg26 : memref<!tpu.dma_semaphore, #tpu.memory_space<semaphore_mem>>)
      %dma_wait3A = arith.constant 0 : i32
      %dma_wait3A_171 = arith.constant 0 : i32
      %dma_wait3A_172 = arith.constant 0 : i32
      %dma_wait3A_173 = tpu.memref_slice %arg9[%dma_wait3A, %dma_wait3A_171, %dma_wait3A_172] : memref<8x2x128xi32, #tpu.memory_space<vmem>> -> memref<1x1x128xi32, #tpu.memory_space<vmem>>
      %dma_wait3A_174 = tpu.memref_squeeze %dma_wait3A_173 : memref<1x1x128xi32, #tpu.memory_space<vmem>> -> memref<128xi32, #tpu.memory_space<vmem>>
      %dma_wait3A_175 = arith.constant 0 : i32
      %dma_wait3A_176 = arith.constant 0 : i32
      %dma_wait3A_177 = tpu.memref_slice %arg2[%arg0, %dma_wait3A_175, %dma_wait3A_176] : memref<2x10240x64xf32, #tpu.memory_space<hbm>> -> memref<1x10240x64xf32, #tpu.memory_space<hbm>>
      %dma_wait3A_178 = tpu.memref_squeeze %dma_wait3A_177 : memref<1x10240x64xf32, #tpu.memory_space<hbm>> -> memref<10240x64xf32, #tpu.memory_space<hbm>>
      %dma_wait3A_179 = arith.constant 0 : i32
      %dma_wait3A_180 = arith.constant 0 : i32
      %dma_wait3A_181 = tpu.memref_slice %dma_wait3A_178[%dma_wait3A_179, %dma_wait3A_180] : memref<10240x64xf32, #tpu.memory_space<hbm>> -> memref<10240x64xf32, #tpu.memory_space<hbm>>
      tpu.wait_indirect_dma semaphore(%arg19 : memref<!tpu.dma_semaphore, #tpu.memory_space<semaphore_mem>>) src(%dma_wait3A_181 : memref<10240x64xf32, #tpu.memory_space<hbm>>) dst(%arg10 : memref<128x64xf32, #tpu.memory_space<vmem>>)
      %dma_start3A_182 = arith.constant 0 : i32
      %dma_start3A_183 = arith.constant 1 : i32
      %dma_start3A_184 = arith.constant 0 : i32
      %dma_start3A_185 = tpu.memref_slice %arg9[%dma_start3A_182, %dma_start3A_183, %dma_start3A_184] : memref<8x2x128xi32, #tpu.memory_space<vmem>> -> memref<1x1x128xi32, #tpu.memory_space<vmem>>
      %dma_start3A_186 = tpu.memref_squeeze %dma_start3A_185 : memref<1x1x128xi32, #tpu.memory_space<vmem>> -> memref<128xi32, #tpu.memory_space<vmem>>
      %dma_start3A_187 = arith.constant 0 : i32
      %dma_start3A_188 = arith.constant 0 : i32
      %dma_start3A_189 = tpu.memref_slice %arg18[%dma_start3A_187, %dma_start3A_188] : memref<10240x64xf32, #tpu.memory_space<vmem_shared>> -> memref<10240x64xf32, #tpu.memory_space<vmem_shared>>
      tpu.enqueue_indirect_dma source(%arg10 : memref<128x64xf32, #tpu.memory_space<vmem>>) target(%dma_start3A_189 : memref<10240x64xf32, #tpu.memory_space<vmem_shared>>) offsets(%dma_start3A_186 : memref<128xi32, #tpu.memory_space<vmem>>) semaphore(%arg27 : memref<!tpu.dma_semaphore, #tpu.memory_space<semaphore_mem>>) {add = true}
      %dma_start3A_190 = arith.constant 0 : i32
      %dma_start3A_191 = arith.constant 1 : i32
      %dma_start3A_192 = arith.constant 0 : i32
      %dma_start3A_193 = tpu.memref_slice %arg9[%dma_start3A_190, %dma_start3A_191, %dma_start3A_192] : memref<8x2x128xi32, #tpu.memory_space<vmem>> -> memref<1x1x128xi32, #tpu.memory_space<vmem>>
      %dma_start3A_194 = tpu.memref_squeeze %dma_start3A_193 : memref<1x1x128xi32, #tpu.memory_space<vmem>> -> memref<128xi32, #tpu.memory_space<vmem>>
      %dma_start3A_195 = arith.constant 0 : i32
      %dma_start3A_196 = arith.constant 0 : i32
      %dma_start3A_197 = tpu.memref_slice %arg37[%dma_start3A_195, %dma_start3A_196] : memref<10240x16xf32, #tpu.memory_space<vmem_shared>> -> memref<10240x16xf32, #tpu.memory_space<vmem_shared>>
      tpu.enqueue_indirect_dma source(%arg35 : memref<128x16xf32, #tpu.memory_space<vmem>>) target(%dma_start3A_197 : memref<10240x16xf32, #tpu.memory_space<vmem_shared>>) offsets(%dma_start3A_194 : memref<128xi32, #tpu.memory_space<vmem>>) semaphore(%arg38 : memref<!tpu.dma_semaphore, #tpu.memory_space<semaphore_mem>>) {add = true}
      %dma_wait3A_198 = arith.constant 1 : i32
      %dma_wait3A_199 = arith.constant 0 : i32
      %dma_wait3A_200 = arith.constant 0 : i32
      %dma_wait3A_201 = tpu.memref_slice %arg9[%dma_wait3A_198, %dma_wait3A_199, %dma_wait3A_200] : memref<8x2x128xi32, #tpu.memory_space<vmem>> -> memref<1x1x128xi32, #tpu.memory_space<vmem>>
      %dma_wait3A_202 = tpu.memref_squeeze %dma_wait3A_201 : memref<1x1x128xi32, #tpu.memory_space<vmem>> -> memref<128xi32, #tpu.memory_space<vmem>>
      %dma_wait3A_203 = arith.constant 0 : i32
      %dma_wait3A_204 = arith.constant 0 : i32
      %dma_wait3A_205 = tpu.memref_slice %arg2[%arg0, %dma_wait3A_203, %dma_wait3A_204] : memref<2x10240x64xf32, #tpu.memory_space<hbm>> -> memref<1x10240x64xf32, #tpu.memory_space<hbm>>
      %dma_wait3A_206 = tpu.memref_squeeze %dma_wait3A_205 : memref<1x10240x64xf32, #tpu.memory_space<hbm>> -> memref<10240x64xf32, #tpu.memory_space<hbm>>
      %dma_wait3A_207 = arith.constant 0 : i32
      %dma_wait3A_208 = arith.constant 0 : i32
      %dma_wait3A_209 = tpu.memref_slice %dma_wait3A_206[%dma_wait3A_207, %dma_wait3A_208] : memref<10240x64xf32, #tpu.memory_space<hbm>> -> memref<10240x64xf32, #tpu.memory_space<hbm>>
      tpu.wait_indirect_dma semaphore(%arg20 : memref<!tpu.dma_semaphore, #tpu.memory_space<semaphore_mem>>) src(%dma_wait3A_209 : memref<10240x64xf32, #tpu.memory_space<hbm>>) dst(%arg11 : memref<128x64xf32, #tpu.memory_space<vmem>>)
      %dma_start3A_210 = arith.constant 1 : i32
      %dma_start3A_211 = arith.constant 1 : i32
      %dma_start3A_212 = arith.constant 0 : i32
      %dma_start3A_213 = tpu.memref_slice %arg9[%dma_start3A_210, %dma_start3A_211, %dma_start3A_212] : memref<8x2x128xi32, #tpu.memory_space<vmem>> -> memref<1x1x128xi32, #tpu.memory_space<vmem>>
      %dma_start3A_214 = tpu.memref_squeeze %dma_start3A_213 : memref<1x1x128xi32, #tpu.memory_space<vmem>> -> memref<128xi32, #tpu.memory_space<vmem>>
      %dma_start3A_215 = arith.constant 0 : i32
      %dma_start3A_216 = arith.constant 0 : i32
      %dma_start3A_217 = tpu.memref_slice %arg18[%dma_start3A_215, %dma_start3A_216] : memref<10240x64xf32, #tpu.memory_space<vmem_shared>> -> memref<10240x64xf32, #tpu.memory_space<vmem_shared>>
      tpu.enqueue_indirect_dma source(%arg11 : memref<128x64xf32, #tpu.memory_space<vmem>>) target(%dma_start3A_217 : memref<10240x64xf32, #tpu.memory_space<vmem_shared>>) offsets(%dma_start3A_214 : memref<128xi32, #tpu.memory_space<vmem>>) semaphore(%arg28 : memref<!tpu.dma_semaphore, #tpu.memory_space<semaphore_mem>>) {add = true}
      %dma_start3A_218 = arith.constant 1 : i32
      %dma_start3A_219 = arith.constant 1 : i32
      %dma_start3A_220 = arith.constant 0 : i32
      %dma_start3A_221 = tpu.memref_slice %arg9[%dma_start3A_218, %dma_start3A_219, %dma_start3A_220] : memref<8x2x128xi32, #tpu.memory_space<vmem>> -> memref<1x1x128xi32, #tpu.memory_space<vmem>>
      %dma_start3A_222 = tpu.memref_squeeze %dma_start3A_221 : memref<1x1x128xi32, #tpu.memory_space<vmem>> -> memref<128xi32, #tpu.memory_space<vmem>>
      %dma_start3A_223 = arith.constant 0 : i32
      %dma_start3A_224 = arith.constant 0 : i32
      %dma_start3A_225 = tpu.memref_slice %arg37[%dma_start3A_223, %dma_start3A_224] : memref<10240x16xf32, #tpu.memory_space<vmem_shared>> -> memref<10240x16xf32, #tpu.memory_space<vmem_shared>>
      tpu.enqueue_indirect_dma source(%arg35 : memref<128x16xf32, #tpu.memory_space<vmem>>) target(%dma_start3A_225 : memref<10240x16xf32, #tpu.memory_space<vmem_shared>>) offsets(%dma_start3A_222 : memref<128xi32, #tpu.memory_space<vmem>>) semaphore(%arg39 : memref<!tpu.dma_semaphore, #tpu.memory_space<semaphore_mem>>) {add = true}
      %dma_wait3A_226 = arith.constant 2 : i32
      %dma_wait3A_227 = arith.constant 0 : i32
      %dma_wait3A_228 = arith.constant 0 : i32
      %dma_wait3A_229 = tpu.memref_slice %arg9[%dma_wait3A_226, %dma_wait3A_227, %dma_wait3A_228] : memref<8x2x128xi32, #tpu.memory_space<vmem>> -> memref<1x1x128xi32, #tpu.memory_space<vmem>>
      %dma_wait3A_230 = tpu.memref_squeeze %dma_wait3A_229 : memref<1x1x128xi32, #tpu.memory_space<vmem>> -> memref<128xi32, #tpu.memory_space<vmem>>
      %dma_wait3A_231 = arith.constant 0 : i32
      %dma_wait3A_232 = arith.constant 0 : i32
      %dma_wait3A_233 = tpu.memref_slice %arg2[%arg0, %dma_wait3A_231, %dma_wait3A_232] : memref<2x10240x64xf32, #tpu.memory_space<hbm>> -> memref<1x10240x64xf32, #tpu.memory_space<hbm>>
      %dma_wait3A_234 = tpu.memref_squeeze %dma_wait3A_233 : memref<1x10240x64xf32, #tpu.memory_space<hbm>> -> memref<10240x64xf32, #tpu.memory_space<hbm>>
      %dma_wait3A_235 = arith.constant 0 : i32
      %dma_wait3A_236 = arith.constant 0 : i32
      %dma_wait3A_237 = tpu.memref_slice %dma_wait3A_234[%dma_wait3A_235, %dma_wait3A_236] : memref<10240x64xf32, #tpu.memory_space<hbm>> -> memref<10240x64xf32, #tpu.memory_space<hbm>>
      tpu.wait_indirect_dma semaphore(%arg21 : memref<!tpu.dma_semaphore, #tpu.memory_space<semaphore_mem>>) src(%dma_wait3A_237 : memref<10240x64xf32, #tpu.memory_space<hbm>>) dst(%arg12 : memref<128x64xf32, #tpu.memory_space<vmem>>)
      %dma_start3A_238 = arith.constant 2 : i32
      %dma_start3A_239 = arith.constant 1 : i32
      %dma_start3A_240 = arith.constant 0 : i32
      %dma_start3A_241 = tpu.memref_slice %arg9[%dma_start3A_238, %dma_start3A_239, %dma_start3A_240] : memref<8x2x128xi32, #tpu.memory_space<vmem>> -> memref<1x1x128xi32, #tpu.memory_space<vmem>>
      %dma_start3A_242 = tpu.memref_squeeze %dma_start3A_241 : memref<1x1x128xi32, #tpu.memory_space<vmem>> -> memref<128xi32, #tpu.memory_space<vmem>>
      %dma_start3A_243 = arith.constant 0 : i32
      %dma_start3A_244 = arith.constant 0 : i32
      %dma_start3A_245 = tpu.memref_slice %arg18[%dma_start3A_243, %dma_start3A_244] : memref<10240x64xf32, #tpu.memory_space<vmem_shared>> -> memref<10240x64xf32, #tpu.memory_space<vmem_shared>>
      tpu.enqueue_indirect_dma source(%arg12 : memref<128x64xf32, #tpu.memory_space<vmem>>) target(%dma_start3A_245 : memref<10240x64xf32, #tpu.memory_space<vmem_shared>>) offsets(%dma_start3A_242 : memref<128xi32, #tpu.memory_space<vmem>>) semaphore(%arg29 : memref<!tpu.dma_semaphore, #tpu.memory_space<semaphore_mem>>) {add = true}
      %dma_start3A_246 = arith.constant 2 : i32
      %dma_start3A_247 = arith.constant 1 : i32
      %dma_start3A_248 = arith.constant 0 : i32
      %dma_start3A_249 = tpu.memref_slice %arg9[%dma_start3A_246, %dma_start3A_247, %dma_start3A_248] : memref<8x2x128xi32, #tpu.memory_space<vmem>> -> memref<1x1x128xi32, #tpu.memory_space<vmem>>
      %dma_start3A_250 = tpu.memref_squeeze %dma_start3A_249 : memref<1x1x128xi32, #tpu.memory_space<vmem>> -> memref<128xi32, #tpu.memory_space<vmem>>
      %dma_start3A_251 = arith.constant 0 : i32
      %dma_start3A_252 = arith.constant 0 : i32
      %dma_start3A_253 = tpu.memref_slice %arg37[%dma_start3A_251, %dma_start3A_252] : memref<10240x16xf32, #tpu.memory_space<vmem_shared>> -> memref<10240x16xf32, #tpu.memory_space<vmem_shared>>
      tpu.enqueue_indirect_dma source(%arg35 : memref<128x16xf32, #tpu.memory_space<vmem>>) target(%dma_start3A_253 : memref<10240x16xf32, #tpu.memory_space<vmem_shared>>) offsets(%dma_start3A_250 : memref<128xi32, #tpu.memory_space<vmem>>) semaphore(%arg40 : memref<!tpu.dma_semaphore, #tpu.memory_space<semaphore_mem>>) {add = true}
      %dma_wait3A_254 = arith.constant 3 : i32
      %dma_wait3A_255 = arith.constant 0 : i32
      %dma_wait3A_256 = arith.constant 0 : i32
      %dma_wait3A_257 = tpu.memref_slice %arg9[%dma_wait3A_254, %dma_wait3A_255, %dma_wait3A_256] : memref<8x2x128xi32, #tpu.memory_space<vmem>> -> memref<1x1x128xi32, #tpu.memory_space<vmem>>
      %dma_wait3A_258 = tpu.memref_squeeze %dma_wait3A_257 : memref<1x1x128xi32, #tpu.memory_space<vmem>> -> memref<128xi32, #tpu.memory_space<vmem>>
      %dma_wait3A_259 = arith.constant 0 : i32
      %dma_wait3A_260 = arith.constant 0 : i32
      %dma_wait3A_261 = tpu.memref_slice %arg2[%arg0, %dma_wait3A_259, %dma_wait3A_260] : memref<2x10240x64xf32, #tpu.memory_space<hbm>> -> memref<1x10240x64xf32, #tpu.memory_space<hbm>>
      %dma_wait3A_262 = tpu.memref_squeeze %dma_wait3A_261 : memref<1x10240x64xf32, #tpu.memory_space<hbm>> -> memref<10240x64xf32, #tpu.memory_space<hbm>>
      %dma_wait3A_263 = arith.constant 0 : i32
      %dma_wait3A_264 = arith.constant 0 : i32
      %dma_wait3A_265 = tpu.memref_slice %dma_wait3A_262[%dma_wait3A_263, %dma_wait3A_264] : memref<10240x64xf32, #tpu.memory_space<hbm>> -> memref<10240x64xf32, #tpu.memory_space<hbm>>
      tpu.wait_indirect_dma semaphore(%arg22 : memref<!tpu.dma_semaphore, #tpu.memory_space<semaphore_mem>>) src(%dma_wait3A_265 : memref<10240x64xf32, #tpu.memory_space<hbm>>) dst(%arg13 : memref<128x64xf32, #tpu.memory_space<vmem>>)
      %dma_start3A_266 = arith.constant 3 : i32
      %dma_start3A_267 = arith.constant 1 : i32
      %dma_start3A_268 = arith.constant 0 : i32
      %dma_start3A_269 = tpu.memref_slice %arg9[%dma_start3A_266, %dma_start3A_267, %dma_start3A_268] : memref<8x2x128xi32, #tpu.memory_space<vmem>> -> memref<1x1x128xi32, #tpu.memory_space<vmem>>
      %dma_start3A_270 = tpu.memref_squeeze %dma_start3A_269 : memref<1x1x128xi32, #tpu.memory_space<vmem>> -> memref<128xi32, #tpu.memory_space<vmem>>
      %dma_start3A_271 = arith.constant 0 : i32
      %dma_start3A_272 = arith.constant 0 : i32
      %dma_start3A_273 = tpu.memref_slice %arg18[%dma_start3A_271, %dma_start3A_272] : memref<10240x64xf32, #tpu.memory_space<vmem_shared>> -> memref<10240x64xf32, #tpu.memory_space<vmem_shared>>
      tpu.enqueue_indirect_dma source(%arg13 : memref<128x64xf32, #tpu.memory_space<vmem>>) target(%dma_start3A_273 : memref<10240x64xf32, #tpu.memory_space<vmem_shared>>) offsets(%dma_start3A_270 : memref<128xi32, #tpu.memory_space<vmem>>) semaphore(%arg30 : memref<!tpu.dma_semaphore, #tpu.memory_space<semaphore_mem>>) {add = true}
      %dma_start3A_274 = arith.constant 3 : i32
      %dma_start3A_275 = arith.constant 1 : i32
      %dma_start3A_276 = arith.constant 0 : i32
      %dma_start3A_277 = tpu.memref_slice %arg9[%dma_start3A_274, %dma_start3A_275, %dma_start3A_276] : memref<8x2x128xi32, #tpu.memory_space<vmem>> -> memref<1x1x128xi32, #tpu.memory_space<vmem>>
      %dma_start3A_278 = tpu.memref_squeeze %dma_start3A_277 : memref<1x1x128xi32, #tpu.memory_space<vmem>> -> memref<128xi32, #tpu.memory_space<vmem>>
      %dma_start3A_279 = arith.constant 0 : i32
      %dma_start3A_280 = arith.constant 0 : i32
      %dma_start3A_281 = tpu.memref_slice %arg37[%dma_start3A_279, %dma_start3A_280] : memref<10240x16xf32, #tpu.memory_space<vmem_shared>> -> memref<10240x16xf32, #tpu.memory_space<vmem_shared>>
      tpu.enqueue_indirect_dma source(%arg35 : memref<128x16xf32, #tpu.memory_space<vmem>>) target(%dma_start3A_281 : memref<10240x16xf32, #tpu.memory_space<vmem_shared>>) offsets(%dma_start3A_278 : memref<128xi32, #tpu.memory_space<vmem>>) semaphore(%arg41 : memref<!tpu.dma_semaphore, #tpu.memory_space<semaphore_mem>>) {add = true}
      %dma_wait3A_282 = arith.constant 4 : i32
      %dma_wait3A_283 = arith.constant 0 : i32
      %dma_wait3A_284 = arith.constant 0 : i32
      %dma_wait3A_285 = tpu.memref_slice %arg9[%dma_wait3A_282, %dma_wait3A_283, %dma_wait3A_284] : memref<8x2x128xi32, #tpu.memory_space<vmem>> -> memref<1x1x128xi32, #tpu.memory_space<vmem>>
      %dma_wait3A_286 = tpu.memref_squeeze %dma_wait3A_285 : memref<1x1x128xi32, #tpu.memory_space<vmem>> -> memref<128xi32, #tpu.memory_space<vmem>>
      %dma_wait3A_287 = arith.constant 0 : i32
      %dma_wait3A_288 = arith.constant 0 : i32
      %dma_wait3A_289 = tpu.memref_slice %arg2[%arg0, %dma_wait3A_287, %dma_wait3A_288] : memref<2x10240x64xf32, #tpu.memory_space<hbm>> -> memref<1x10240x64xf32, #tpu.memory_space<hbm>>
      %dma_wait3A_290 = tpu.memref_squeeze %dma_wait3A_289 : memref<1x10240x64xf32, #tpu.memory_space<hbm>> -> memref<10240x64xf32, #tpu.memory_space<hbm>>
      %dma_wait3A_291 = arith.constant 0 : i32
      %dma_wait3A_292 = arith.constant 0 : i32
      %dma_wait3A_293 = tpu.memref_slice %dma_wait3A_290[%dma_wait3A_291, %dma_wait3A_292] : memref<10240x64xf32, #tpu.memory_space<hbm>> -> memref<10240x64xf32, #tpu.memory_space<hbm>>
      tpu.wait_indirect_dma semaphore(%arg23 : memref<!tpu.dma_semaphore, #tpu.memory_space<semaphore_mem>>) src(%dma_wait3A_293 : memref<10240x64xf32, #tpu.memory_space<hbm>>) dst(%arg14 : memref<128x64xf32, #tpu.memory_space<vmem>>)
      %dma_start3A_294 = arith.constant 4 : i32
      %dma_start3A_295 = arith.constant 1 : i32
      %dma_start3A_296 = arith.constant 0 : i32
      %dma_start3A_297 = tpu.memref_slice %arg9[%dma_start3A_294, %dma_start3A_295, %dma_start3A_296] : memref<8x2x128xi32, #tpu.memory_space<vmem>> -> memref<1x1x128xi32, #tpu.memory_space<vmem>>
      %dma_start3A_298 = tpu.memref_squeeze %dma_start3A_297 : memref<1x1x128xi32, #tpu.memory_space<vmem>> -> memref<128xi32, #tpu.memory_space<vmem>>
      %dma_start3A_299 = arith.constant 0 : i32
      %dma_start3A_300 = arith.constant 0 : i32
      %dma_start3A_301 = tpu.memref_slice %arg18[%dma_start3A_299, %dma_start3A_300] : memref<10240x64xf32, #tpu.memory_space<vmem_shared>> -> memref<10240x64xf32, #tpu.memory_space<vmem_shared>>
      tpu.enqueue_indirect_dma source(%arg14 : memref<128x64xf32, #tpu.memory_space<vmem>>) target(%dma_start3A_301 : memref<10240x64xf32, #tpu.memory_space<vmem_shared>>) offsets(%dma_start3A_298 : memref<128xi32, #tpu.memory_space<vmem>>) semaphore(%arg31 : memref<!tpu.dma_semaphore, #tpu.memory_space<semaphore_mem>>) {add = true}
      %dma_start3A_302 = arith.constant 4 : i32
      %dma_start3A_303 = arith.constant 1 : i32
      %dma_start3A_304 = arith.constant 0 : i32
      %dma_start3A_305 = tpu.memref_slice %arg9[%dma_start3A_302, %dma_start3A_303, %dma_start3A_304] : memref<8x2x128xi32, #tpu.memory_space<vmem>> -> memref<1x1x128xi32, #tpu.memory_space<vmem>>
      %dma_start3A_306 = tpu.memref_squeeze %dma_start3A_305 : memref<1x1x128xi32, #tpu.memory_space<vmem>> -> memref<128xi32, #tpu.memory_space<vmem>>
      %dma_start3A_307 = arith.constant 0 : i32
      %dma_start3A_308 = arith.constant 0 : i32
      %dma_start3A_309 = tpu.memref_slice %arg37[%dma_start3A_307, %dma_start3A_308] : memref<10240x16xf32, #tpu.memory_space<vmem_shared>> -> memref<10240x16xf32, #tpu.memory_space<vmem_shared>>
      tpu.enqueue_indirect_dma source(%arg35 : memref<128x16xf32, #tpu.memory_space<vmem>>) target(%dma_start3A_309 : memref<10240x16xf32, #tpu.memory_space<vmem_shared>>) offsets(%dma_start3A_306 : memref<128xi32, #tpu.memory_space<vmem>>) semaphore(%arg42 : memref<!tpu.dma_semaphore, #tpu.memory_space<semaphore_mem>>) {add = true}
      %dma_wait3A_310 = arith.constant 5 : i32
      %dma_wait3A_311 = arith.constant 0 : i32
      %dma_wait3A_312 = arith.constant 0 : i32
      %dma_wait3A_313 = tpu.memref_slice %arg9[%dma_wait3A_310, %dma_wait3A_311, %dma_wait3A_312] : memref<8x2x128xi32, #tpu.memory_space<vmem>> -> memref<1x1x128xi32, #tpu.memory_space<vmem>>
      %dma_wait3A_314 = tpu.memref_squeeze %dma_wait3A_313 : memref<1x1x128xi32, #tpu.memory_space<vmem>> -> memref<128xi32, #tpu.memory_space<vmem>>
      %dma_wait3A_315 = arith.constant 0 : i32
      %dma_wait3A_316 = arith.constant 0 : i32
      %dma_wait3A_317 = tpu.memref_slice %arg2[%arg0, %dma_wait3A_315, %dma_wait3A_316] : memref<2x10240x64xf32, #tpu.memory_space<hbm>> -> memref<1x10240x64xf32, #tpu.memory_space<hbm>>
      %dma_wait3A_318 = tpu.memref_squeeze %dma_wait3A_317 : memref<1x10240x64xf32, #tpu.memory_space<hbm>> -> memref<10240x64xf32, #tpu.memory_space<hbm>>
      %dma_wait3A_319 = arith.constant 0 : i32
      %dma_wait3A_320 = arith.constant 0 : i32
      %dma_wait3A_321 = tpu.memref_slice %dma_wait3A_318[%dma_wait3A_319, %dma_wait3A_320] : memref<10240x64xf32, #tpu.memory_space<hbm>> -> memref<10240x64xf32, #tpu.memory_space<hbm>>
      tpu.wait_indirect_dma semaphore(%arg24 : memref<!tpu.dma_semaphore, #tpu.memory_space<semaphore_mem>>) src(%dma_wait3A_321 : memref<10240x64xf32, #tpu.memory_space<hbm>>) dst(%arg15 : memref<128x64xf32, #tpu.memory_space<vmem>>)
      %dma_start3A_322 = arith.constant 5 : i32
      %dma_start3A_323 = arith.constant 1 : i32
      %dma_start3A_324 = arith.constant 0 : i32
      %dma_start3A_325 = tpu.memref_slice %arg9[%dma_start3A_322, %dma_start3A_323, %dma_start3A_324] : memref<8x2x128xi32, #tpu.memory_space<vmem>> -> memref<1x1x128xi32, #tpu.memory_space<vmem>>
      %dma_start3A_326 = tpu.memref_squeeze %dma_start3A_325 : memref<1x1x128xi32, #tpu.memory_space<vmem>> -> memref<128xi32, #tpu.memory_space<vmem>>
      %dma_start3A_327 = arith.constant 0 : i32
      %dma_start3A_328 = arith.constant 0 : i32
      %dma_start3A_329 = tpu.memref_slice %arg18[%dma_start3A_327, %dma_start3A_328] : memref<10240x64xf32, #tpu.memory_space<vmem_shared>> -> memref<10240x64xf32, #tpu.memory_space<vmem_shared>>
      tpu.enqueue_indirect_dma source(%arg15 : memref<128x64xf32, #tpu.memory_space<vmem>>) target(%dma_start3A_329 : memref<10240x64xf32, #tpu.memory_space<vmem_shared>>) offsets(%dma_start3A_326 : memref<128xi32, #tpu.memory_space<vmem>>) semaphore(%arg32 : memref<!tpu.dma_semaphore, #tpu.memory_space<semaphore_mem>>) {add = true}
      %dma_start3A_330 = arith.constant 5 : i32
      %dma_start3A_331 = arith.constant 1 : i32
      %dma_start3A_332 = arith.constant 0 : i32
      %dma_start3A_333 = tpu.memref_slice %arg9[%dma_start3A_330, %dma_start3A_331, %dma_start3A_332] : memref<8x2x128xi32, #tpu.memory_space<vmem>> -> memref<1x1x128xi32, #tpu.memory_space<vmem>>
      %dma_start3A_334 = tpu.memref_squeeze %dma_start3A_333 : memref<1x1x128xi32, #tpu.memory_space<vmem>> -> memref<128xi32, #tpu.memory_space<vmem>>
      %dma_start3A_335 = arith.constant 0 : i32
      %dma_start3A_336 = arith.constant 0 : i32
      %dma_start3A_337 = tpu.memref_slice %arg37[%dma_start3A_335, %dma_start3A_336] : memref<10240x16xf32, #tpu.memory_space<vmem_shared>> -> memref<10240x16xf32, #tpu.memory_space<vmem_shared>>
      tpu.enqueue_indirect_dma source(%arg35 : memref<128x16xf32, #tpu.memory_space<vmem>>) target(%dma_start3A_337 : memref<10240x16xf32, #tpu.memory_space<vmem_shared>>) offsets(%dma_start3A_334 : memref<128xi32, #tpu.memory_space<vmem>>) semaphore(%arg43 : memref<!tpu.dma_semaphore, #tpu.memory_space<semaphore_mem>>) {add = true}
      %dma_wait3A_338 = arith.constant 6 : i32
      %dma_wait3A_339 = arith.constant 0 : i32
      %dma_wait3A_340 = arith.constant 0 : i32
      %dma_wait3A_341 = tpu.memref_slice %arg9[%dma_wait3A_338, %dma_wait3A_339, %dma_wait3A_340] : memref<8x2x128xi32, #tpu.memory_space<vmem>> -> memref<1x1x128xi32, #tpu.memory_space<vmem>>
      %dma_wait3A_342 = tpu.memref_squeeze %dma_wait3A_341 : memref<1x1x128xi32, #tpu.memory_space<vmem>> -> memref<128xi32, #tpu.memory_space<vmem>>
      %dma_wait3A_343 = arith.constant 0 : i32
      %dma_wait3A_344 = arith.constant 0 : i32
      %dma_wait3A_345 = tpu.memref_slice %arg2[%arg0, %dma_wait3A_343, %dma_wait3A_344] : memref<2x10240x64xf32, #tpu.memory_space<hbm>> -> memref<1x10240x64xf32, #tpu.memory_space<hbm>>
      %dma_wait3A_346 = tpu.memref_squeeze %dma_wait3A_345 : memref<1x10240x64xf32, #tpu.memory_space<hbm>> -> memref<10240x64xf32, #tpu.memory_space<hbm>>
      %dma_wait3A_347 = arith.constant 0 : i32
      %dma_wait3A_348 = arith.constant 0 : i32
      %dma_wait3A_349 = tpu.memref_slice %dma_wait3A_346[%dma_wait3A_347, %dma_wait3A_348] : memref<10240x64xf32, #tpu.memory_space<hbm>> -> memref<10240x64xf32, #tpu.memory_space<hbm>>
      tpu.wait_indirect_dma semaphore(%arg25 : memref<!tpu.dma_semaphore, #tpu.memory_space<semaphore_mem>>) src(%dma_wait3A_349 : memref<10240x64xf32, #tpu.memory_space<hbm>>) dst(%arg16 : memref<128x64xf32, #tpu.memory_space<vmem>>)
      %dma_start3A_350 = arith.constant 6 : i32
      %dma_start3A_351 = arith.constant 1 : i32
      %dma_start3A_352 = arith.constant 0 : i32
      %dma_start3A_353 = tpu.memref_slice %arg9[%dma_start3A_350, %dma_start3A_351, %dma_start3A_352] : memref<8x2x128xi32, #tpu.memory_space<vmem>> -> memref<1x1x128xi32, #tpu.memory_space<vmem>>
      %dma_start3A_354 = tpu.memref_squeeze %dma_start3A_353 : memref<1x1x128xi32, #tpu.memory_space<vmem>> -> memref<128xi32, #tpu.memory_space<vmem>>
      %dma_start3A_355 = arith.constant 0 : i32
      %dma_start3A_356 = arith.constant 0 : i32
      %dma_start3A_357 = tpu.memref_slice %arg18[%dma_start3A_355, %dma_start3A_356] : memref<10240x64xf32, #tpu.memory_space<vmem_shared>> -> memref<10240x64xf32, #tpu.memory_space<vmem_shared>>
      tpu.enqueue_indirect_dma source(%arg16 : memref<128x64xf32, #tpu.memory_space<vmem>>) target(%dma_start3A_357 : memref<10240x64xf32, #tpu.memory_space<vmem_shared>>) offsets(%dma_start3A_354 : memref<128xi32, #tpu.memory_space<vmem>>) semaphore(%arg33 : memref<!tpu.dma_semaphore, #tpu.memory_space<semaphore_mem>>) {add = true}
      %dma_start3A_358 = arith.constant 6 : i32
      %dma_start3A_359 = arith.constant 1 : i32
      %dma_start3A_360 = arith.constant 0 : i32
      %dma_start3A_361 = tpu.memref_slice %arg9[%dma_start3A_358, %dma_start3A_359, %dma_start3A_360] : memref<8x2x128xi32, #tpu.memory_space<vmem>> -> memref<1x1x128xi32, #tpu.memory_space<vmem>>
      %dma_start3A_362 = tpu.memref_squeeze %dma_start3A_361 : memref<1x1x128xi32, #tpu.memory_space<vmem>> -> memref<128xi32, #tpu.memory_space<vmem>>
      %dma_start3A_363 = arith.constant 0 : i32
      %dma_start3A_364 = arith.constant 0 : i32
      %dma_start3A_365 = tpu.memref_slice %arg37[%dma_start3A_363, %dma_start3A_364] : memref<10240x16xf32, #tpu.memory_space<vmem_shared>> -> memref<10240x16xf32, #tpu.memory_space<vmem_shared>>
      tpu.enqueue_indirect_dma source(%arg35 : memref<128x16xf32, #tpu.memory_space<vmem>>) target(%dma_start3A_365 : memref<10240x16xf32, #tpu.memory_space<vmem_shared>>) offsets(%dma_start3A_362 : memref<128xi32, #tpu.memory_space<vmem>>) semaphore(%arg44 : memref<!tpu.dma_semaphore, #tpu.memory_space<semaphore_mem>>) {add = true}
      %dma_wait3A_366 = arith.constant 7 : i32
      %dma_wait3A_367 = arith.constant 0 : i32
      %dma_wait3A_368 = arith.constant 0 : i32
      %dma_wait3A_369 = tpu.memref_slice %arg9[%dma_wait3A_366, %dma_wait3A_367, %dma_wait3A_368] : memref<8x2x128xi32, #tpu.memory_space<vmem>> -> memref<1x1x128xi32, #tpu.memory_space<vmem>>
      %dma_wait3A_370 = tpu.memref_squeeze %dma_wait3A_369 : memref<1x1x128xi32, #tpu.memory_space<vmem>> -> memref<128xi32, #tpu.memory_space<vmem>>
      %dma_wait3A_371 = arith.constant 0 : i32
      %dma_wait3A_372 = arith.constant 0 : i32
      %dma_wait3A_373 = tpu.memref_slice %arg2[%arg0, %dma_wait3A_371, %dma_wait3A_372] : memref<2x10240x64xf32, #tpu.memory_space<hbm>> -> memref<1x10240x64xf32, #tpu.memory_space<hbm>>
      %dma_wait3A_374 = tpu.memref_squeeze %dma_wait3A_373 : memref<1x10240x64xf32, #tpu.memory_space<hbm>> -> memref<10240x64xf32, #tpu.memory_space<hbm>>
      %dma_wait3A_375 = arith.constant 0 : i32
      %dma_wait3A_376 = arith.constant 0 : i32
      %dma_wait3A_377 = tpu.memref_slice %dma_wait3A_374[%dma_wait3A_375, %dma_wait3A_376] : memref<10240x64xf32, #tpu.memory_space<hbm>> -> memref<10240x64xf32, #tpu.memory_space<hbm>>
      tpu.wait_indirect_dma semaphore(%arg26 : memref<!tpu.dma_semaphore, #tpu.memory_space<semaphore_mem>>) src(%dma_wait3A_377 : memref<10240x64xf32, #tpu.memory_space<hbm>>) dst(%arg17 : memref<128x64xf32, #tpu.memory_space<vmem>>)
      %dma_start3A_378 = arith.constant 7 : i32
      %dma_start3A_379 = arith.constant 1 : i32
      %dma_start3A_380 = arith.constant 0 : i32
      %dma_start3A_381 = tpu.memref_slice %arg9[%dma_start3A_378, %dma_start3A_379, %dma_start3A_380] : memref<8x2x128xi32, #tpu.memory_space<vmem>> -> memref<1x1x128xi32, #tpu.memory_space<vmem>>
      %dma_start3A_382 = tpu.memref_squeeze %dma_start3A_381 : memref<1x1x128xi32, #tpu.memory_space<vmem>> -> memref<128xi32, #tpu.memory_space<vmem>>
      %dma_start3A_383 = arith.constant 0 : i32
      %dma_start3A_384 = arith.constant 0 : i32
      %dma_start3A_385 = tpu.memref_slice %arg18[%dma_start3A_383, %dma_start3A_384] : memref<10240x64xf32, #tpu.memory_space<vmem_shared>> -> memref<10240x64xf32, #tpu.memory_space<vmem_shared>>
      tpu.enqueue_indirect_dma source(%arg17 : memref<128x64xf32, #tpu.memory_space<vmem>>) target(%dma_start3A_385 : memref<10240x64xf32, #tpu.memory_space<vmem_shared>>) offsets(%dma_start3A_382 : memref<128xi32, #tpu.memory_space<vmem>>) semaphore(%arg34 : memref<!tpu.dma_semaphore, #tpu.memory_space<semaphore_mem>>) {add = true}
      %dma_start3A_386 = arith.constant 7 : i32
      %dma_start3A_387 = arith.constant 1 : i32
      %dma_start3A_388 = arith.constant 0 : i32
      %dma_start3A_389 = tpu.memref_slice %arg9[%dma_start3A_386, %dma_start3A_387, %dma_start3A_388] : memref<8x2x128xi32, #tpu.memory_space<vmem>> -> memref<1x1x128xi32, #tpu.memory_space<vmem>>
      %dma_start3A_390 = tpu.memref_squeeze %dma_start3A_389 : memref<1x1x128xi32, #tpu.memory_space<vmem>> -> memref<128xi32, #tpu.memory_space<vmem>>
      %dma_start3A_391 = arith.constant 0 : i32
      %dma_start3A_392 = arith.constant 0 : i32
      %dma_start3A_393 = tpu.memref_slice %arg37[%dma_start3A_391, %dma_start3A_392] : memref<10240x16xf32, #tpu.memory_space<vmem_shared>> -> memref<10240x16xf32, #tpu.memory_space<vmem_shared>>
      tpu.enqueue_indirect_dma source(%arg35 : memref<128x16xf32, #tpu.memory_space<vmem>>) target(%dma_start3A_393 : memref<10240x16xf32, #tpu.memory_space<vmem_shared>>) offsets(%dma_start3A_390 : memref<128xi32, #tpu.memory_space<vmem>>) semaphore(%arg45 : memref<!tpu.dma_semaphore, #tpu.memory_space<semaphore_mem>>) {add = true}
      %dma_wait3A_394 = arith.constant 0 : i32
      %dma_wait3A_395 = arith.constant 1 : i32
      %dma_wait3A_396 = arith.constant 0 : i32
      %dma_wait3A_397 = tpu.memref_slice %arg9[%dma_wait3A_394, %dma_wait3A_395, %dma_wait3A_396] : memref<8x2x128xi32, #tpu.memory_space<vmem>> -> memref<1x1x128xi32, #tpu.memory_space<vmem>>
      %dma_wait3A_398 = tpu.memref_squeeze %dma_wait3A_397 : memref<1x1x128xi32, #tpu.memory_space<vmem>> -> memref<128xi32, #tpu.memory_space<vmem>>
      %dma_wait3A_399 = arith.constant 0 : i32
      %dma_wait3A_400 = arith.constant 0 : i32
      %dma_wait3A_401 = tpu.memref_slice %arg18[%dma_wait3A_399, %dma_wait3A_400] : memref<10240x64xf32, #tpu.memory_space<vmem_shared>> -> memref<10240x64xf32, #tpu.memory_space<vmem_shared>>
      tpu.wait_indirect_dma semaphore(%arg27 : memref<!tpu.dma_semaphore, #tpu.memory_space<semaphore_mem>>) src(%arg10 : memref<128x64xf32, #tpu.memory_space<vmem>>) dst(%dma_wait3A_401 : memref<10240x64xf32, #tpu.memory_space<vmem_shared>>)
      %dma_wait3A_402 = arith.constant 0 : i32
      %dma_wait3A_403 = arith.constant 1 : i32
      %dma_wait3A_404 = arith.constant 0 : i32
      %dma_wait3A_405 = tpu.memref_slice %arg9[%dma_wait3A_402, %dma_wait3A_403, %dma_wait3A_404] : memref<8x2x128xi32, #tpu.memory_space<vmem>> -> memref<1x1x128xi32, #tpu.memory_space<vmem>>
      %dma_wait3A_406 = tpu.memref_squeeze %dma_wait3A_405 : memref<1x1x128xi32, #tpu.memory_space<vmem>> -> memref<128xi32, #tpu.memory_space<vmem>>
      %dma_wait3A_407 = arith.constant 0 : i32
      %dma_wait3A_408 = arith.constant 0 : i32
      %dma_wait3A_409 = tpu.memref_slice %arg37[%dma_wait3A_407, %dma_wait3A_408] : memref<10240x16xf32, #tpu.memory_space<vmem_shared>> -> memref<10240x16xf32, #tpu.memory_space<vmem_shared>>
      tpu.wait_indirect_dma semaphore(%arg38 : memref<!tpu.dma_semaphore, #tpu.memory_space<semaphore_mem>>) src(%arg35 : memref<128x16xf32, #tpu.memory_space<vmem>>) dst(%dma_wait3A_409 : memref<10240x16xf32, #tpu.memory_space<vmem_shared>>)
      %dma_wait3A_410 = arith.constant 1 : i32
      %dma_wait3A_411 = arith.constant 1 : i32
      %dma_wait3A_412 = arith.constant 0 : i32
      %dma_wait3A_413 = tpu.memref_slice %arg9[%dma_wait3A_410, %dma_wait3A_411, %dma_wait3A_412] : memref<8x2x128xi32, #tpu.memory_space<vmem>> -> memref<1x1x128xi32, #tpu.memory_space<vmem>>
      %dma_wait3A_414 = tpu.memref_squeeze %dma_wait3A_413 : memref<1x1x128xi32, #tpu.memory_space<vmem>> -> memref<128xi32, #tpu.memory_space<vmem>>
      %dma_wait3A_415 = arith.constant 0 : i32
      %dma_wait3A_416 = arith.constant 0 : i32
      %dma_wait3A_417 = tpu.memref_slice %arg18[%dma_wait3A_415, %dma_wait3A_416] : memref<10240x64xf32, #tpu.memory_space<vmem_shared>> -> memref<10240x64xf32, #tpu.memory_space<vmem_shared>>
      tpu.wait_indirect_dma semaphore(%arg28 : memref<!tpu.dma_semaphore, #tpu.memory_space<semaphore_mem>>) src(%arg11 : memref<128x64xf32, #tpu.memory_space<vmem>>) dst(%dma_wait3A_417 : memref<10240x64xf32, #tpu.memory_space<vmem_shared>>)
      %dma_wait3A_418 = arith.constant 1 : i32
      %dma_wait3A_419 = arith.constant 1 : i32
      %dma_wait3A_420 = arith.constant 0 : i32
      %dma_wait3A_421 = tpu.memref_slice %arg9[%dma_wait3A_418, %dma_wait3A_419, %dma_wait3A_420] : memref<8x2x128xi32, #tpu.memory_space<vmem>> -> memref<1x1x128xi32, #tpu.memory_space<vmem>>
      %dma_wait3A_422 = tpu.memref_squeeze %dma_wait3A_421 : memref<1x1x128xi32, #tpu.memory_space<vmem>> -> memref<128xi32, #tpu.memory_space<vmem>>
      %dma_wait3A_423 = arith.constant 0 : i32
      %dma_wait3A_424 = arith.constant 0 : i32
      %dma_wait3A_425 = tpu.memref_slice %arg37[%dma_wait3A_423, %dma_wait3A_424] : memref<10240x16xf32, #tpu.memory_space<vmem_shared>> -> memref<10240x16xf32, #tpu.memory_space<vmem_shared>>
      tpu.wait_indirect_dma semaphore(%arg39 : memref<!tpu.dma_semaphore, #tpu.memory_space<semaphore_mem>>) src(%arg35 : memref<128x16xf32, #tpu.memory_space<vmem>>) dst(%dma_wait3A_425 : memref<10240x16xf32, #tpu.memory_space<vmem_shared>>)
      %dma_wait3A_426 = arith.constant 2 : i32
      %dma_wait3A_427 = arith.constant 1 : i32
      %dma_wait3A_428 = arith.constant 0 : i32
      %dma_wait3A_429 = tpu.memref_slice %arg9[%dma_wait3A_426, %dma_wait3A_427, %dma_wait3A_428] : memref<8x2x128xi32, #tpu.memory_space<vmem>> -> memref<1x1x128xi32, #tpu.memory_space<vmem>>
      %dma_wait3A_430 = tpu.memref_squeeze %dma_wait3A_429 : memref<1x1x128xi32, #tpu.memory_space<vmem>> -> memref<128xi32, #tpu.memory_space<vmem>>
      %dma_wait3A_431 = arith.constant 0 : i32
      %dma_wait3A_432 = arith.constant 0 : i32
      %dma_wait3A_433 = tpu.memref_slice %arg18[%dma_wait3A_431, %dma_wait3A_432] : memref<10240x64xf32, #tpu.memory_space<vmem_shared>> -> memref<10240x64xf32, #tpu.memory_space<vmem_shared>>
      tpu.wait_indirect_dma semaphore(%arg29 : memref<!tpu.dma_semaphore, #tpu.memory_space<semaphore_mem>>) src(%arg12 : memref<128x64xf32, #tpu.memory_space<vmem>>) dst(%dma_wait3A_433 : memref<10240x64xf32, #tpu.memory_space<vmem_shared>>)
      %dma_wait3A_434 = arith.constant 2 : i32
      %dma_wait3A_435 = arith.constant 1 : i32
      %dma_wait3A_436 = arith.constant 0 : i32
      %dma_wait3A_437 = tpu.memref_slice %arg9[%dma_wait3A_434, %dma_wait3A_435, %dma_wait3A_436] : memref<8x2x128xi32, #tpu.memory_space<vmem>> -> memref<1x1x128xi32, #tpu.memory_space<vmem>>
      %dma_wait3A_438 = tpu.memref_squeeze %dma_wait3A_437 : memref<1x1x128xi32, #tpu.memory_space<vmem>> -> memref<128xi32, #tpu.memory_space<vmem>>
      %dma_wait3A_439 = arith.constant 0 : i32
      %dma_wait3A_440 = arith.constant 0 : i32
      %dma_wait3A_441 = tpu.memref_slice %arg37[%dma_wait3A_439, %dma_wait3A_440] : memref<10240x16xf32, #tpu.memory_space<vmem_shared>> -> memref<10240x16xf32, #tpu.memory_space<vmem_shared>>
      tpu.wait_indirect_dma semaphore(%arg40 : memref<!tpu.dma_semaphore, #tpu.memory_space<semaphore_mem>>) src(%arg35 : memref<128x16xf32, #tpu.memory_space<vmem>>) dst(%dma_wait3A_441 : memref<10240x16xf32, #tpu.memory_space<vmem_shared>>)
      %dma_wait3A_442 = arith.constant 3 : i32
      %dma_wait3A_443 = arith.constant 1 : i32
      %dma_wait3A_444 = arith.constant 0 : i32
      %dma_wait3A_445 = tpu.memref_slice %arg9[%dma_wait3A_442, %dma_wait3A_443, %dma_wait3A_444] : memref<8x2x128xi32, #tpu.memory_space<vmem>> -> memref<1x1x128xi32, #tpu.memory_space<vmem>>
      %dma_wait3A_446 = tpu.memref_squeeze %dma_wait3A_445 : memref<1x1x128xi32, #tpu.memory_space<vmem>> -> memref<128xi32, #tpu.memory_space<vmem>>
      %dma_wait3A_447 = arith.constant 0 : i32
      %dma_wait3A_448 = arith.constant 0 : i32
      %dma_wait3A_449 = tpu.memref_slice %arg18[%dma_wait3A_447, %dma_wait3A_448] : memref<10240x64xf32, #tpu.memory_space<vmem_shared>> -> memref<10240x64xf32, #tpu.memory_space<vmem_shared>>
      tpu.wait_indirect_dma semaphore(%arg30 : memref<!tpu.dma_semaphore, #tpu.memory_space<semaphore_mem>>) src(%arg13 : memref<128x64xf32, #tpu.memory_space<vmem>>) dst(%dma_wait3A_449 : memref<10240x64xf32, #tpu.memory_space<vmem_shared>>)
      %dma_wait3A_450 = arith.constant 3 : i32
      %dma_wait3A_451 = arith.constant 1 : i32
      %dma_wait3A_452 = arith.constant 0 : i32
      %dma_wait3A_453 = tpu.memref_slice %arg9[%dma_wait3A_450, %dma_wait3A_451, %dma_wait3A_452] : memref<8x2x128xi32, #tpu.memory_space<vmem>> -> memref<1x1x128xi32, #tpu.memory_space<vmem>>
      %dma_wait3A_454 = tpu.memref_squeeze %dma_wait3A_453 : memref<1x1x128xi32, #tpu.memory_space<vmem>> -> memref<128xi32, #tpu.memory_space<vmem>>
      %dma_wait3A_455 = arith.constant 0 : i32
      %dma_wait3A_456 = arith.constant 0 : i32
      %dma_wait3A_457 = tpu.memref_slice %arg37[%dma_wait3A_455, %dma_wait3A_456] : memref<10240x16xf32, #tpu.memory_space<vmem_shared>> -> memref<10240x16xf32, #tpu.memory_space<vmem_shared>>
      tpu.wait_indirect_dma semaphore(%arg41 : memref<!tpu.dma_semaphore, #tpu.memory_space<semaphore_mem>>) src(%arg35 : memref<128x16xf32, #tpu.memory_space<vmem>>) dst(%dma_wait3A_457 : memref<10240x16xf32, #tpu.memory_space<vmem_shared>>)
      %dma_wait3A_458 = arith.constant 4 : i32
      %dma_wait3A_459 = arith.constant 1 : i32
      %dma_wait3A_460 = arith.constant 0 : i32
      %dma_wait3A_461 = tpu.memref_slice %arg9[%dma_wait3A_458, %dma_wait3A_459, %dma_wait3A_460] : memref<8x2x128xi32, #tpu.memory_space<vmem>> -> memref<1x1x128xi32, #tpu.memory_space<vmem>>
      %dma_wait3A_462 = tpu.memref_squeeze %dma_wait3A_461 : memref<1x1x128xi32, #tpu.memory_space<vmem>> -> memref<128xi32, #tpu.memory_space<vmem>>
      %dma_wait3A_463 = arith.constant 0 : i32
      %dma_wait3A_464 = arith.constant 0 : i32
      %dma_wait3A_465 = tpu.memref_slice %arg18[%dma_wait3A_463, %dma_wait3A_464] : memref<10240x64xf32, #tpu.memory_space<vmem_shared>> -> memref<10240x64xf32, #tpu.memory_space<vmem_shared>>
      tpu.wait_indirect_dma semaphore(%arg31 : memref<!tpu.dma_semaphore, #tpu.memory_space<semaphore_mem>>) src(%arg14 : memref<128x64xf32, #tpu.memory_space<vmem>>) dst(%dma_wait3A_465 : memref<10240x64xf32, #tpu.memory_space<vmem_shared>>)
      %dma_wait3A_466 = arith.constant 4 : i32
      %dma_wait3A_467 = arith.constant 1 : i32
      %dma_wait3A_468 = arith.constant 0 : i32
      %dma_wait3A_469 = tpu.memref_slice %arg9[%dma_wait3A_466, %dma_wait3A_467, %dma_wait3A_468] : memref<8x2x128xi32, #tpu.memory_space<vmem>> -> memref<1x1x128xi32, #tpu.memory_space<vmem>>
      %dma_wait3A_470 = tpu.memref_squeeze %dma_wait3A_469 : memref<1x1x128xi32, #tpu.memory_space<vmem>> -> memref<128xi32, #tpu.memory_space<vmem>>
      %dma_wait3A_471 = arith.constant 0 : i32
      %dma_wait3A_472 = arith.constant 0 : i32
      %dma_wait3A_473 = tpu.memref_slice %arg37[%dma_wait3A_471, %dma_wait3A_472] : memref<10240x16xf32, #tpu.memory_space<vmem_shared>> -> memref<10240x16xf32, #tpu.memory_space<vmem_shared>>
      tpu.wait_indirect_dma semaphore(%arg42 : memref<!tpu.dma_semaphore, #tpu.memory_space<semaphore_mem>>) src(%arg35 : memref<128x16xf32, #tpu.memory_space<vmem>>) dst(%dma_wait3A_473 : memref<10240x16xf32, #tpu.memory_space<vmem_shared>>)
      %dma_wait3A_474 = arith.constant 5 : i32
      %dma_wait3A_475 = arith.constant 1 : i32
      %dma_wait3A_476 = arith.constant 0 : i32
      %dma_wait3A_477 = tpu.memref_slice %arg9[%dma_wait3A_474, %dma_wait3A_475, %dma_wait3A_476] : memref<8x2x128xi32, #tpu.memory_space<vmem>> -> memref<1x1x128xi32, #tpu.memory_space<vmem>>
      %dma_wait3A_478 = tpu.memref_squeeze %dma_wait3A_477 : memref<1x1x128xi32, #tpu.memory_space<vmem>> -> memref<128xi32, #tpu.memory_space<vmem>>
      %dma_wait3A_479 = arith.constant 0 : i32
      %dma_wait3A_480 = arith.constant 0 : i32
      %dma_wait3A_481 = tpu.memref_slice %arg18[%dma_wait3A_479, %dma_wait3A_480] : memref<10240x64xf32, #tpu.memory_space<vmem_shared>> -> memref<10240x64xf32, #tpu.memory_space<vmem_shared>>
      tpu.wait_indirect_dma semaphore(%arg32 : memref<!tpu.dma_semaphore, #tpu.memory_space<semaphore_mem>>) src(%arg15 : memref<128x64xf32, #tpu.memory_space<vmem>>) dst(%dma_wait3A_481 : memref<10240x64xf32, #tpu.memory_space<vmem_shared>>)
      %dma_wait3A_482 = arith.constant 5 : i32
      %dma_wait3A_483 = arith.constant 1 : i32
      %dma_wait3A_484 = arith.constant 0 : i32
      %dma_wait3A_485 = tpu.memref_slice %arg9[%dma_wait3A_482, %dma_wait3A_483, %dma_wait3A_484] : memref<8x2x128xi32, #tpu.memory_space<vmem>> -> memref<1x1x128xi32, #tpu.memory_space<vmem>>
      %dma_wait3A_486 = tpu.memref_squeeze %dma_wait3A_485 : memref<1x1x128xi32, #tpu.memory_space<vmem>> -> memref<128xi32, #tpu.memory_space<vmem>>
      %dma_wait3A_487 = arith.constant 0 : i32
      %dma_wait3A_488 = arith.constant 0 : i32
      %dma_wait3A_489 = tpu.memref_slice %arg37[%dma_wait3A_487, %dma_wait3A_488] : memref<10240x16xf32, #tpu.memory_space<vmem_shared>> -> memref<10240x16xf32, #tpu.memory_space<vmem_shared>>
      tpu.wait_indirect_dma semaphore(%arg43 : memref<!tpu.dma_semaphore, #tpu.memory_space<semaphore_mem>>) src(%arg35 : memref<128x16xf32, #tpu.memory_space<vmem>>) dst(%dma_wait3A_489 : memref<10240x16xf32, #tpu.memory_space<vmem_shared>>)
      %dma_wait3A_490 = arith.constant 6 : i32
      %dma_wait3A_491 = arith.constant 1 : i32
      %dma_wait3A_492 = arith.constant 0 : i32
      %dma_wait3A_493 = tpu.memref_slice %arg9[%dma_wait3A_490, %dma_wait3A_491, %dma_wait3A_492] : memref<8x2x128xi32, #tpu.memory_space<vmem>> -> memref<1x1x128xi32, #tpu.memory_space<vmem>>
      %dma_wait3A_494 = tpu.memref_squeeze %dma_wait3A_493 : memref<1x1x128xi32, #tpu.memory_space<vmem>> -> memref<128xi32, #tpu.memory_space<vmem>>
      %dma_wait3A_495 = arith.constant 0 : i32
      %dma_wait3A_496 = arith.constant 0 : i32
      %dma_wait3A_497 = tpu.memref_slice %arg18[%dma_wait3A_495, %dma_wait3A_496] : memref<10240x64xf32, #tpu.memory_space<vmem_shared>> -> memref<10240x64xf32, #tpu.memory_space<vmem_shared>>
      tpu.wait_indirect_dma semaphore(%arg33 : memref<!tpu.dma_semaphore, #tpu.memory_space<semaphore_mem>>) src(%arg16 : memref<128x64xf32, #tpu.memory_space<vmem>>) dst(%dma_wait3A_497 : memref<10240x64xf32, #tpu.memory_space<vmem_shared>>)
      %dma_wait3A_498 = arith.constant 6 : i32
      %dma_wait3A_499 = arith.constant 1 : i32
      %dma_wait3A_500 = arith.constant 0 : i32
      %dma_wait3A_501 = tpu.memref_slice %arg9[%dma_wait3A_498, %dma_wait3A_499, %dma_wait3A_500] : memref<8x2x128xi32, #tpu.memory_space<vmem>> -> memref<1x1x128xi32, #tpu.memory_space<vmem>>
      %dma_wait3A_502 = tpu.memref_squeeze %dma_wait3A_501 : memref<1x1x128xi32, #tpu.memory_space<vmem>> -> memref<128xi32, #tpu.memory_space<vmem>>
      %dma_wait3A_503 = arith.constant 0 : i32
      %dma_wait3A_504 = arith.constant 0 : i32
      %dma_wait3A_505 = tpu.memref_slice %arg37[%dma_wait3A_503, %dma_wait3A_504] : memref<10240x16xf32, #tpu.memory_space<vmem_shared>> -> memref<10240x16xf32, #tpu.memory_space<vmem_shared>>
      tpu.wait_indirect_dma semaphore(%arg44 : memref<!tpu.dma_semaphore, #tpu.memory_space<semaphore_mem>>) src(%arg35 : memref<128x16xf32, #tpu.memory_space<vmem>>) dst(%dma_wait3A_505 : memref<10240x16xf32, #tpu.memory_space<vmem_shared>>)
      %dma_wait3A_506 = arith.constant 7 : i32
      %dma_wait3A_507 = arith.constant 1 : i32
      %dma_wait3A_508 = arith.constant 0 : i32
      %dma_wait3A_509 = tpu.memref_slice %arg9[%dma_wait3A_506, %dma_wait3A_507, %dma_wait3A_508] : memref<8x2x128xi32, #tpu.memory_space<vmem>> -> memref<1x1x128xi32, #tpu.memory_space<vmem>>
      %dma_wait3A_510 = tpu.memref_squeeze %dma_wait3A_509 : memref<1x1x128xi32, #tpu.memory_space<vmem>> -> memref<128xi32, #tpu.memory_space<vmem>>
      %dma_wait3A_511 = arith.constant 0 : i32
      %dma_wait3A_512 = arith.constant 0 : i32
      %dma_wait3A_513 = tpu.memref_slice %arg18[%dma_wait3A_511, %dma_wait3A_512] : memref<10240x64xf32, #tpu.memory_space<vmem_shared>> -> memref<10240x64xf32, #tpu.memory_space<vmem_shared>>
      tpu.wait_indirect_dma semaphore(%arg34 : memref<!tpu.dma_semaphore, #tpu.memory_space<semaphore_mem>>) src(%arg17 : memref<128x64xf32, #tpu.memory_space<vmem>>) dst(%dma_wait3A_513 : memref<10240x64xf32, #tpu.memory_space<vmem_shared>>)
      %dma_wait3A_514 = arith.constant 7 : i32
      %dma_wait3A_515 = arith.constant 1 : i32
      %dma_wait3A_516 = arith.constant 0 : i32
      %dma_wait3A_517 = tpu.memref_slice %arg9[%dma_wait3A_514, %dma_wait3A_515, %dma_wait3A_516] : memref<8x2x128xi32, #tpu.memory_space<vmem>> -> memref<1x1x128xi32, #tpu.memory_space<vmem>>
      %dma_wait3A_518 = tpu.memref_squeeze %dma_wait3A_517 : memref<1x1x128xi32, #tpu.memory_space<vmem>> -> memref<128xi32, #tpu.memory_space<vmem>>
      %dma_wait3A_519 = arith.constant 0 : i32
      %dma_wait3A_520 = arith.constant 0 : i32
      %dma_wait3A_521 = tpu.memref_slice %arg37[%dma_wait3A_519, %dma_wait3A_520] : memref<10240x16xf32, #tpu.memory_space<vmem_shared>> -> memref<10240x16xf32, #tpu.memory_space<vmem_shared>>
      tpu.wait_indirect_dma semaphore(%arg45 : memref<!tpu.dma_semaphore, #tpu.memory_space<semaphore_mem>>) src(%arg35 : memref<128x16xf32, #tpu.memory_space<vmem>>) dst(%dma_wait3A_521 : memref<10240x16xf32, #tpu.memory_space<vmem_shared>>)
    }
    %scan3A_24 = arith.constant 20 : i32
    %barrier3A_25 = arith.constant 0 : index
    tpu.barrier barrier_id(%barrier3A_25)
    %mul3A_26 = arith.constant 640 : i32
    %mul3A_27 = arith.muli %arg1, %mul3A_26 : i32
    %add3A_28 = arith.constant 0 : i32
    %add3A_29 = arith.addi %mul3A_27, %add3A_28 : i32
    "tpu.region"() ({
      %run_scoped3A = tpu.sem_alloc : memref<!tpu.dma_semaphore, #tpu.memory_space<semaphore_mem>>
      %dma_start3A = arith.constant 0 : i32
      %dma_start3A_70 = tpu.memref_slice %arg18[%add3A_29, %dma_start3A] : memref<10240x64xf32, #tpu.memory_space<vmem_shared>> -> memref<128x64xf32, #tpu.memory_space<vmem_shared>>
      %dma_start3A_71 = arith.constant 0 : i32
      %dma_start3A_72 = tpu.memref_slice %arg18[%add3A_29, %dma_start3A_71] : memref<10240x64xf32, #tpu.memory_space<vmem_shared>> -> memref<128x64xf32, #tpu.memory_space<vmem_shared>>
      tpu.enqueue_dma source(%dma_start3A_72 : memref<128x64xf32, #tpu.memory_space<vmem_shared>>) target(%arg10 : memref<128x64xf32, #tpu.memory_space<vmem>>) target_semaphore(%run_scoped3A : memref<!tpu.dma_semaphore, #tpu.memory_space<semaphore_mem>>)
      %dma_wait3A = arith.constant 0 : i32
      %dma_wait3A_73 = tpu.memref_slice %arg18[%add3A_29, %dma_wait3A] : memref<10240x64xf32, #tpu.memory_space<vmem_shared>> -> memref<128x64xf32, #tpu.memory_space<vmem_shared>>
      %dma_wait3A_74 = arith.constant 0 : i32
      %dma_wait3A_75 = tpu.memref_slice %arg18[%add3A_29, %dma_wait3A_74] : memref<10240x64xf32, #tpu.memory_space<vmem_shared>> -> memref<128x64xf32, #tpu.memory_space<vmem_shared>>
      tpu.wait_dma2 semaphore(%run_scoped3A : memref<!tpu.dma_semaphore, #tpu.memory_space<semaphore_mem>>) src(%dma_wait3A_75 : memref<128x64xf32, #tpu.memory_space<vmem_shared>>) dst(%arg10 : memref<128x64xf32, #tpu.memory_space<vmem>>)
      tpu.yield
    }) : () -> ()
    %mul3A_30 = arith.constant 640 : i32
    %mul3A_31 = arith.muli %arg1, %mul3A_30 : i32
    %add3A_32 = arith.constant 0 : i32
    %add3A_33 = arith.addi %mul3A_31, %add3A_32 : i32
    "tpu.region"() ({
      %run_scoped3A = tpu.sem_alloc : memref<!tpu.dma_semaphore, #tpu.memory_space<semaphore_mem>>
      %dma_start3A = arith.constant 0 : i32
      %dma_start3A_70 = tpu.memref_slice %arg7[%arg0, %add3A_33, %dma_start3A] : memref<2x10240x64xf32, #tpu.memory_space<hbm>> -> memref<1x128x64xf32, #tpu.memory_space<hbm>>
      %dma_start3A_71 = tpu.memref_squeeze %dma_start3A_70 : memref<1x128x64xf32, #tpu.memory_space<hbm>> -> memref<128x64xf32, #tpu.memory_space<hbm>>
      %dma_start3A_72 = arith.constant 0 : i32
      %dma_start3A_73 = tpu.memref_slice %arg7[%arg0, %add3A_33, %dma_start3A_72] : memref<2x10240x64xf32, #tpu.memory_space<hbm>> -> memref<1x128x64xf32, #tpu.memory_space<hbm>>
      %dma_start3A_74 = tpu.memref_squeeze %dma_start3A_73 : memref<1x128x64xf32, #tpu.memory_space<hbm>> -> memref<128x64xf32, #tpu.memory_space<hbm>>
      tpu.enqueue_dma source(%arg10 : memref<128x64xf32, #tpu.memory_space<vmem>>) target(%dma_start3A_74 : memref<128x64xf32, #tpu.memory_space<hbm>>) target_semaphore(%run_scoped3A : memref<!tpu.dma_semaphore, #tpu.memory_space<semaphore_mem>>)
      %dma_wait3A = arith.constant 0 : i32
      %dma_wait3A_75 = tpu.memref_slice %arg7[%arg0, %add3A_33, %dma_wait3A] : memref<2x10240x64xf32, #tpu.memory_space<hbm>> -> memref<1x128x64xf32, #tpu.memory_space<hbm>>
      %dma_wait3A_76 = tpu.memref_squeeze %dma_wait3A_75 : memref<1x128x64xf32, #tpu.memory_space<hbm>> -> memref<128x64xf32, #tpu.memory_space<hbm>>
      %dma_wait3A_77 = arith.constant 0 : i32
      %dma_wait3A_78 = tpu.memref_slice %arg7[%arg0, %add3A_33, %dma_wait3A_77] : memref<2x10240x64xf32, #tpu.memory_space<hbm>> -> memref<1x128x64xf32, #tpu.memory_space<hbm>>
      %dma_wait3A_79 = tpu.memref_squeeze %dma_wait3A_78 : memref<1x128x64xf32, #tpu.memory_space<hbm>> -> memref<128x64xf32, #tpu.memory_space<hbm>>
      tpu.wait_dma2 semaphore(%run_scoped3A : memref<!tpu.dma_semaphore, #tpu.memory_space<semaphore_mem>>) src(%arg10 : memref<128x64xf32, #tpu.memory_space<vmem>>) dst(%dma_wait3A_79 : memref<128x64xf32, #tpu.memory_space<hbm>>)
      tpu.yield
    }) : () -> ()
    %mul3A_34 = arith.constant 640 : i32
    %mul3A_35 = arith.muli %arg1, %mul3A_34 : i32
    %add3A_36 = arith.constant 128 : i32
    %add3A_37 = arith.addi %mul3A_35, %add3A_36 : i32
    "tpu.region"() ({
      %run_scoped3A = tpu.sem_alloc : memref<!tpu.dma_semaphore, #tpu.memory_space<semaphore_mem>>
      %dma_start3A = arith.constant 0 : i32
      %dma_start3A_70 = tpu.memref_slice %arg18[%add3A_37, %dma_start3A] : memref<10240x64xf32, #tpu.memory_space<vmem_shared>> -> memref<128x64xf32, #tpu.memory_space<vmem_shared>>
      %dma_start3A_71 = arith.constant 0 : i32
      %dma_start3A_72 = tpu.memref_slice %arg18[%add3A_37, %dma_start3A_71] : memref<10240x64xf32, #tpu.memory_space<vmem_shared>> -> memref<128x64xf32, #tpu.memory_space<vmem_shared>>
      tpu.enqueue_dma source(%dma_start3A_72 : memref<128x64xf32, #tpu.memory_space<vmem_shared>>) target(%arg10 : memref<128x64xf32, #tpu.memory_space<vmem>>) target_semaphore(%run_scoped3A : memref<!tpu.dma_semaphore, #tpu.memory_space<semaphore_mem>>)
      %dma_wait3A = arith.constant 0 : i32
      %dma_wait3A_73 = tpu.memref_slice %arg18[%add3A_37, %dma_wait3A] : memref<10240x64xf32, #tpu.memory_space<vmem_shared>> -> memref<128x64xf32, #tpu.memory_space<vmem_shared>>
      %dma_wait3A_74 = arith.constant 0 : i32
      %dma_wait3A_75 = tpu.memref_slice %arg18[%add3A_37, %dma_wait3A_74] : memref<10240x64xf32, #tpu.memory_space<vmem_shared>> -> memref<128x64xf32, #tpu.memory_space<vmem_shared>>
      tpu.wait_dma2 semaphore(%run_scoped3A : memref<!tpu.dma_semaphore, #tpu.memory_space<semaphore_mem>>) src(%dma_wait3A_75 : memref<128x64xf32, #tpu.memory_space<vmem_shared>>) dst(%arg10 : memref<128x64xf32, #tpu.memory_space<vmem>>)
      tpu.yield
    }) : () -> ()
    %mul3A_38 = arith.constant 640 : i32
    %mul3A_39 = arith.muli %arg1, %mul3A_38 : i32
    %add3A_40 = arith.constant 128 : i32
    %add3A_41 = arith.addi %mul3A_39, %add3A_40 : i32
    "tpu.region"() ({
      %run_scoped3A = tpu.sem_alloc : memref<!tpu.dma_semaphore, #tpu.memory_space<semaphore_mem>>
      %dma_start3A = arith.constant 0 : i32
      %dma_start3A_70 = tpu.memref_slice %arg7[%arg0, %add3A_41, %dma_start3A] : memref<2x10240x64xf32, #tpu.memory_space<hbm>> -> memref<1x128x64xf32, #tpu.memory_space<hbm>>
      %dma_start3A_71 = tpu.memref_squeeze %dma_start3A_70 : memref<1x128x64xf32, #tpu.memory_space<hbm>> -> memref<128x64xf32, #tpu.memory_space<hbm>>
      %dma_start3A_72 = arith.constant 0 : i32
      %dma_start3A_73 = tpu.memref_slice %arg7[%arg0, %add3A_41, %dma_start3A_72] : memref<2x10240x64xf32, #tpu.memory_space<hbm>> -> memref<1x128x64xf32, #tpu.memory_space<hbm>>
      %dma_start3A_74 = tpu.memref_squeeze %dma_start3A_73 : memref<1x128x64xf32, #tpu.memory_space<hbm>> -> memref<128x64xf32, #tpu.memory_space<hbm>>
      tpu.enqueue_dma source(%arg10 : memref<128x64xf32, #tpu.memory_space<vmem>>) target(%dma_start3A_74 : memref<128x64xf32, #tpu.memory_space<hbm>>) target_semaphore(%run_scoped3A : memref<!tpu.dma_semaphore, #tpu.memory_space<semaphore_mem>>)
      %dma_wait3A = arith.constant 0 : i32
      %dma_wait3A_75 = tpu.memref_slice %arg7[%arg0, %add3A_41, %dma_wait3A] : memref<2x10240x64xf32, #tpu.memory_space<hbm>> -> memref<1x128x64xf32, #tpu.memory_space<hbm>>
      %dma_wait3A_76 = tpu.memref_squeeze %dma_wait3A_75 : memref<1x128x64xf32, #tpu.memory_space<hbm>> -> memref<128x64xf32, #tpu.memory_space<hbm>>
      %dma_wait3A_77 = arith.constant 0 : i32
      %dma_wait3A_78 = tpu.memref_slice %arg7[%arg0, %add3A_41, %dma_wait3A_77] : memref<2x10240x64xf32, #tpu.memory_space<hbm>> -> memref<1x128x64xf32, #tpu.memory_space<hbm>>
      %dma_wait3A_79 = tpu.memref_squeeze %dma_wait3A_78 : memref<1x128x64xf32, #tpu.memory_space<hbm>> -> memref<128x64xf32, #tpu.memory_space<hbm>>
      tpu.wait_dma2 semaphore(%run_scoped3A : memref<!tpu.dma_semaphore, #tpu.memory_space<semaphore_mem>>) src(%arg10 : memref<128x64xf32, #tpu.memory_space<vmem>>) dst(%dma_wait3A_79 : memref<128x64xf32, #tpu.memory_space<hbm>>)
      tpu.yield
    }) : () -> ()
    %mul3A_42 = arith.constant 640 : i32
    %mul3A_43 = arith.muli %arg1, %mul3A_42 : i32
    %add3A_44 = arith.constant 256 : i32
    %add3A_45 = arith.addi %mul3A_43, %add3A_44 : i32
    "tpu.region"() ({
      %run_scoped3A = tpu.sem_alloc : memref<!tpu.dma_semaphore, #tpu.memory_space<semaphore_mem>>
      %dma_start3A = arith.constant 0 : i32
      %dma_start3A_70 = tpu.memref_slice %arg18[%add3A_45, %dma_start3A] : memref<10240x64xf32, #tpu.memory_space<vmem_shared>> -> memref<128x64xf32, #tpu.memory_space<vmem_shared>>
      %dma_start3A_71 = arith.constant 0 : i32
      %dma_start3A_72 = tpu.memref_slice %arg18[%add3A_45, %dma_start3A_71] : memref<10240x64xf32, #tpu.memory_space<vmem_shared>> -> memref<128x64xf32, #tpu.memory_space<vmem_shared>>
      tpu.enqueue_dma source(%dma_start3A_72 : memref<128x64xf32, #tpu.memory_space<vmem_shared>>) target(%arg10 : memref<128x64xf32, #tpu.memory_space<vmem>>) target_semaphore(%run_scoped3A : memref<!tpu.dma_semaphore, #tpu.memory_space<semaphore_mem>>)
      %dma_wait3A = arith.constant 0 : i32
      %dma_wait3A_73 = tpu.memref_slice %arg18[%add3A_45, %dma_wait3A] : memref<10240x64xf32, #tpu.memory_space<vmem_shared>> -> memref<128x64xf32, #tpu.memory_space<vmem_shared>>
      %dma_wait3A_74 = arith.constant 0 : i32
      %dma_wait3A_75 = tpu.memref_slice %arg18[%add3A_45, %dma_wait3A_74] : memref<10240x64xf32, #tpu.memory_space<vmem_shared>> -> memref<128x64xf32, #tpu.memory_space<vmem_shared>>
      tpu.wait_dma2 semaphore(%run_scoped3A : memref<!tpu.dma_semaphore, #tpu.memory_space<semaphore_mem>>) src(%dma_wait3A_75 : memref<128x64xf32, #tpu.memory_space<vmem_shared>>) dst(%arg10 : memref<128x64xf32, #tpu.memory_space<vmem>>)
      tpu.yield
    }) : () -> ()
    %mul3A_46 = arith.constant 640 : i32
    %mul3A_47 = arith.muli %arg1, %mul3A_46 : i32
    %add3A_48 = arith.constant 256 : i32
    %add3A_49 = arith.addi %mul3A_47, %add3A_48 : i32
    "tpu.region"() ({
      %run_scoped3A = tpu.sem_alloc : memref<!tpu.dma_semaphore, #tpu.memory_space<semaphore_mem>>
      %dma_start3A = arith.constant 0 : i32
      %dma_start3A_70 = tpu.memref_slice %arg7[%arg0, %add3A_49, %dma_start3A] : memref<2x10240x64xf32, #tpu.memory_space<hbm>> -> memref<1x128x64xf32, #tpu.memory_space<hbm>>
      %dma_start3A_71 = tpu.memref_squeeze %dma_start3A_70 : memref<1x128x64xf32, #tpu.memory_space<hbm>> -> memref<128x64xf32, #tpu.memory_space<hbm>>
      %dma_start3A_72 = arith.constant 0 : i32
      %dma_start3A_73 = tpu.memref_slice %arg7[%arg0, %add3A_49, %dma_start3A_72] : memref<2x10240x64xf32, #tpu.memory_space<hbm>> -> memref<1x128x64xf32, #tpu.memory_space<hbm>>
      %dma_start3A_74 = tpu.memref_squeeze %dma_start3A_73 : memref<1x128x64xf32, #tpu.memory_space<hbm>> -> memref<128x64xf32, #tpu.memory_space<hbm>>
      tpu.enqueue_dma source(%arg10 : memref<128x64xf32, #tpu.memory_space<vmem>>) target(%dma_start3A_74 : memref<128x64xf32, #tpu.memory_space<hbm>>) target_semaphore(%run_scoped3A : memref<!tpu.dma_semaphore, #tpu.memory_space<semaphore_mem>>)
      %dma_wait3A = arith.constant 0 : i32
      %dma_wait3A_75 = tpu.memref_slice %arg7[%arg0, %add3A_49, %dma_wait3A] : memref<2x10240x64xf32, #tpu.memory_space<hbm>> -> memref<1x128x64xf32, #tpu.memory_space<hbm>>
      %dma_wait3A_76 = tpu.memref_squeeze %dma_wait3A_75 : memref<1x128x64xf32, #tpu.memory_space<hbm>> -> memref<128x64xf32, #tpu.memory_space<hbm>>
      %dma_wait3A_77 = arith.constant 0 : i32
      %dma_wait3A_78 = tpu.memref_slice %arg7[%arg0, %add3A_49, %dma_wait3A_77] : memref<2x10240x64xf32, #tpu.memory_space<hbm>> -> memref<1x128x64xf32, #tpu.memory_space<hbm>>
      %dma_wait3A_79 = tpu.memref_squeeze %dma_wait3A_78 : memref<1x128x64xf32, #tpu.memory_space<hbm>> -> memref<128x64xf32, #tpu.memory_space<hbm>>
      tpu.wait_dma2 semaphore(%run_scoped3A : memref<!tpu.dma_semaphore, #tpu.memory_space<semaphore_mem>>) src(%arg10 : memref<128x64xf32, #tpu.memory_space<vmem>>) dst(%dma_wait3A_79 : memref<128x64xf32, #tpu.memory_space<hbm>>)
      tpu.yield
    }) : () -> ()
    %mul3A_50 = arith.constant 640 : i32
    %mul3A_51 = arith.muli %arg1, %mul3A_50 : i32
    %add3A_52 = arith.constant 384 : i32
    %add3A_53 = arith.addi %mul3A_51, %add3A_52 : i32
    "tpu.region"() ({
      %run_scoped3A = tpu.sem_alloc : memref<!tpu.dma_semaphore, #tpu.memory_space<semaphore_mem>>
      %dma_start3A = arith.constant 0 : i32
      %dma_start3A_70 = tpu.memref_slice %arg18[%add3A_53, %dma_start3A] : memref<10240x64xf32, #tpu.memory_space<vmem_shared>> -> memref<128x64xf32, #tpu.memory_space<vmem_shared>>
      %dma_start3A_71 = arith.constant 0 : i32
      %dma_start3A_72 = tpu.memref_slice %arg18[%add3A_53, %dma_start3A_71] : memref<10240x64xf32, #tpu.memory_space<vmem_shared>> -> memref<128x64xf32, #tpu.memory_space<vmem_shared>>
      tpu.enqueue_dma source(%dma_start3A_72 : memref<128x64xf32, #tpu.memory_space<vmem_shared>>) target(%arg10 : memref<128x64xf32, #tpu.memory_space<vmem>>) target_semaphore(%run_scoped3A : memref<!tpu.dma_semaphore, #tpu.memory_space<semaphore_mem>>)
      %dma_wait3A = arith.constant 0 : i32
      %dma_wait3A_73 = tpu.memref_slice %arg18[%add3A_53, %dma_wait3A] : memref<10240x64xf32, #tpu.memory_space<vmem_shared>> -> memref<128x64xf32, #tpu.memory_space<vmem_shared>>
      %dma_wait3A_74 = arith.constant 0 : i32
      %dma_wait3A_75 = tpu.memref_slice %arg18[%add3A_53, %dma_wait3A_74] : memref<10240x64xf32, #tpu.memory_space<vmem_shared>> -> memref<128x64xf32, #tpu.memory_space<vmem_shared>>
      tpu.wait_dma2 semaphore(%run_scoped3A : memref<!tpu.dma_semaphore, #tpu.memory_space<semaphore_mem>>) src(%dma_wait3A_75 : memref<128x64xf32, #tpu.memory_space<vmem_shared>>) dst(%arg10 : memref<128x64xf32, #tpu.memory_space<vmem>>)
      tpu.yield
    }) : () -> ()
    %mul3A_54 = arith.constant 640 : i32
    %mul3A_55 = arith.muli %arg1, %mul3A_54 : i32
    %add3A_56 = arith.constant 384 : i32
    %add3A_57 = arith.addi %mul3A_55, %add3A_56 : i32
    "tpu.region"() ({
      %run_scoped3A = tpu.sem_alloc : memref<!tpu.dma_semaphore, #tpu.memory_space<semaphore_mem>>
      %dma_start3A = arith.constant 0 : i32
      %dma_start3A_70 = tpu.memref_slice %arg7[%arg0, %add3A_57, %dma_start3A] : memref<2x10240x64xf32, #tpu.memory_space<hbm>> -> memref<1x128x64xf32, #tpu.memory_space<hbm>>
      %dma_start3A_71 = tpu.memref_squeeze %dma_start3A_70 : memref<1x128x64xf32, #tpu.memory_space<hbm>> -> memref<128x64xf32, #tpu.memory_space<hbm>>
      %dma_start3A_72 = arith.constant 0 : i32
      %dma_start3A_73 = tpu.memref_slice %arg7[%arg0, %add3A_57, %dma_start3A_72] : memref<2x10240x64xf32, #tpu.memory_space<hbm>> -> memref<1x128x64xf32, #tpu.memory_space<hbm>>
      %dma_start3A_74 = tpu.memref_squeeze %dma_start3A_73 : memref<1x128x64xf32, #tpu.memory_space<hbm>> -> memref<128x64xf32, #tpu.memory_space<hbm>>
      tpu.enqueue_dma source(%arg10 : memref<128x64xf32, #tpu.memory_space<vmem>>) target(%dma_start3A_74 : memref<128x64xf32, #tpu.memory_space<hbm>>) target_semaphore(%run_scoped3A : memref<!tpu.dma_semaphore, #tpu.memory_space<semaphore_mem>>)
      %dma_wait3A = arith.constant 0 : i32
      %dma_wait3A_75 = tpu.memref_slice %arg7[%arg0, %add3A_57, %dma_wait3A] : memref<2x10240x64xf32, #tpu.memory_space<hbm>> -> memref<1x128x64xf32, #tpu.memory_space<hbm>>
      %dma_wait3A_76 = tpu.memref_squeeze %dma_wait3A_75 : memref<1x128x64xf32, #tpu.memory_space<hbm>> -> memref<128x64xf32, #tpu.memory_space<hbm>>
      %dma_wait3A_77 = arith.constant 0 : i32
      %dma_wait3A_78 = tpu.memref_slice %arg7[%arg0, %add3A_57, %dma_wait3A_77] : memref<2x10240x64xf32, #tpu.memory_space<hbm>> -> memref<1x128x64xf32, #tpu.memory_space<hbm>>
      %dma_wait3A_79 = tpu.memref_squeeze %dma_wait3A_78 : memref<1x128x64xf32, #tpu.memory_space<hbm>> -> memref<128x64xf32, #tpu.memory_space<hbm>>
      tpu.wait_dma2 semaphore(%run_scoped3A : memref<!tpu.dma_semaphore, #tpu.memory_space<semaphore_mem>>) src(%arg10 : memref<128x64xf32, #tpu.memory_space<vmem>>) dst(%dma_wait3A_79 : memref<128x64xf32, #tpu.memory_space<hbm>>)
      tpu.yield
    }) : () -> ()
    %mul3A_58 = arith.constant 640 : i32
    %mul3A_59 = arith.muli %arg1, %mul3A_58 : i32
    %add3A_60 = arith.constant 512 : i32
    %add3A_61 = arith.addi %mul3A_59, %add3A_60 : i32
    "tpu.region"() ({
      %run_scoped3A = tpu.sem_alloc : memref<!tpu.dma_semaphore, #tpu.memory_space<semaphore_mem>>
      %dma_start3A = arith.constant 0 : i32
      %dma_start3A_70 = tpu.memref_slice %arg18[%add3A_61, %dma_start3A] : memref<10240x64xf32, #tpu.memory_space<vmem_shared>> -> memref<128x64xf32, #tpu.memory_space<vmem_shared>>
      %dma_start3A_71 = arith.constant 0 : i32
      %dma_start3A_72 = tpu.memref_slice %arg18[%add3A_61, %dma_start3A_71] : memref<10240x64xf32, #tpu.memory_space<vmem_shared>> -> memref<128x64xf32, #tpu.memory_space<vmem_shared>>
      tpu.enqueue_dma source(%dma_start3A_72 : memref<128x64xf32, #tpu.memory_space<vmem_shared>>) target(%arg10 : memref<128x64xf32, #tpu.memory_space<vmem>>) target_semaphore(%run_scoped3A : memref<!tpu.dma_semaphore, #tpu.memory_space<semaphore_mem>>)
      %dma_wait3A = arith.constant 0 : i32
      %dma_wait3A_73 = tpu.memref_slice %arg18[%add3A_61, %dma_wait3A] : memref<10240x64xf32, #tpu.memory_space<vmem_shared>> -> memref<128x64xf32, #tpu.memory_space<vmem_shared>>
      %dma_wait3A_74 = arith.constant 0 : i32
      %dma_wait3A_75 = tpu.memref_slice %arg18[%add3A_61, %dma_wait3A_74] : memref<10240x64xf32, #tpu.memory_space<vmem_shared>> -> memref<128x64xf32, #tpu.memory_space<vmem_shared>>
      tpu.wait_dma2 semaphore(%run_scoped3A : memref<!tpu.dma_semaphore, #tpu.memory_space<semaphore_mem>>) src(%dma_wait3A_75 : memref<128x64xf32, #tpu.memory_space<vmem_shared>>) dst(%arg10 : memref<128x64xf32, #tpu.memory_space<vmem>>)
      tpu.yield
    }) : () -> ()
    %mul3A_62 = arith.constant 640 : i32
    %mul3A_63 = arith.muli %arg1, %mul3A_62 : i32
    %add3A_64 = arith.constant 512 : i32
    %add3A_65 = arith.addi %mul3A_63, %add3A_64 : i32
    "tpu.region"() ({
      %run_scoped3A = tpu.sem_alloc : memref<!tpu.dma_semaphore, #tpu.memory_space<semaphore_mem>>
      %dma_start3A = arith.constant 0 : i32
      %dma_start3A_70 = tpu.memref_slice %arg7[%arg0, %add3A_65, %dma_start3A] : memref<2x10240x64xf32, #tpu.memory_space<hbm>> -> memref<1x128x64xf32, #tpu.memory_space<hbm>>
      %dma_start3A_71 = tpu.memref_squeeze %dma_start3A_70 : memref<1x128x64xf32, #tpu.memory_space<hbm>> -> memref<128x64xf32, #tpu.memory_space<hbm>>
      %dma_start3A_72 = arith.constant 0 : i32
      %dma_start3A_73 = tpu.memref_slice %arg7[%arg0, %add3A_65, %dma_start3A_72] : memref<2x10240x64xf32, #tpu.memory_space<hbm>> -> memref<1x128x64xf32, #tpu.memory_space<hbm>>
      %dma_start3A_74 = tpu.memref_squeeze %dma_start3A_73 : memref<1x128x64xf32, #tpu.memory_space<hbm>> -> memref<128x64xf32, #tpu.memory_space<hbm>>
      tpu.enqueue_dma source(%arg10 : memref<128x64xf32, #tpu.memory_space<vmem>>) target(%dma_start3A_74 : memref<128x64xf32, #tpu.memory_space<hbm>>) target_semaphore(%run_scoped3A : memref<!tpu.dma_semaphore, #tpu.memory_space<semaphore_mem>>)
      %dma_wait3A = arith.constant 0 : i32
      %dma_wait3A_75 = tpu.memref_slice %arg7[%arg0, %add3A_65, %dma_wait3A] : memref<2x10240x64xf32, #tpu.memory_space<hbm>> -> memref<1x128x64xf32, #tpu.memory_space<hbm>>
      %dma_wait3A_76 = tpu.memref_squeeze %dma_wait3A_75 : memref<1x128x64xf32, #tpu.memory_space<hbm>> -> memref<128x64xf32, #tpu.memory_space<hbm>>
      %dma_wait3A_77 = arith.constant 0 : i32
      %dma_wait3A_78 = tpu.memref_slice %arg7[%arg0, %add3A_65, %dma_wait3A_77] : memref<2x10240x64xf32, #tpu.memory_space<hbm>> -> memref<1x128x64xf32, #tpu.memory_space<hbm>>
      %dma_wait3A_79 = tpu.memref_squeeze %dma_wait3A_78 : memref<1x128x64xf32, #tpu.memory_space<hbm>> -> memref<128x64xf32, #tpu.memory_space<hbm>>
      tpu.wait_dma2 semaphore(%run_scoped3A : memref<!tpu.dma_semaphore, #tpu.memory_space<semaphore_mem>>) src(%arg10 : memref<128x64xf32, #tpu.memory_space<vmem>>) dst(%dma_wait3A_79 : memref<128x64xf32, #tpu.memory_space<hbm>>)
      tpu.yield
    }) : () -> ()
    %mul3A_66 = arith.constant 640 : i32
    %mul3A_67 = arith.muli %arg1, %mul3A_66 : i32
    "tpu.region"() ({
      %run_scoped3A = tpu.sem_alloc : memref<!tpu.dma_semaphore, #tpu.memory_space<semaphore_mem>>
      %dma_start3A = arith.constant 0 : i32
      %dma_start3A_70 = tpu.memref_slice %arg37[%mul3A_67, %dma_start3A] : memref<10240x16xf32, #tpu.memory_space<vmem_shared>> -> memref<640x16xf32, #tpu.memory_space<vmem_shared>>
      %dma_start3A_71 = arith.constant 0 : i32
      %dma_start3A_72 = tpu.memref_slice %arg37[%mul3A_67, %dma_start3A_71] : memref<10240x16xf32, #tpu.memory_space<vmem_shared>> -> memref<640x16xf32, #tpu.memory_space<vmem_shared>>
      tpu.enqueue_dma source(%dma_start3A_72 : memref<640x16xf32, #tpu.memory_space<vmem_shared>>) target(%arg36 : memref<640x16xf32, #tpu.memory_space<vmem>>) target_semaphore(%run_scoped3A : memref<!tpu.dma_semaphore, #tpu.memory_space<semaphore_mem>>)
      %dma_wait3A = arith.constant 0 : i32
      %dma_wait3A_73 = tpu.memref_slice %arg37[%mul3A_67, %dma_wait3A] : memref<10240x16xf32, #tpu.memory_space<vmem_shared>> -> memref<640x16xf32, #tpu.memory_space<vmem_shared>>
      %dma_wait3A_74 = arith.constant 0 : i32
      %dma_wait3A_75 = tpu.memref_slice %arg37[%mul3A_67, %dma_wait3A_74] : memref<10240x16xf32, #tpu.memory_space<vmem_shared>> -> memref<640x16xf32, #tpu.memory_space<vmem_shared>>
      tpu.wait_dma2 semaphore(%run_scoped3A : memref<!tpu.dma_semaphore, #tpu.memory_space<semaphore_mem>>) src(%dma_wait3A_75 : memref<640x16xf32, #tpu.memory_space<vmem_shared>>) dst(%arg36 : memref<640x16xf32, #tpu.memory_space<vmem>>)
      tpu.yield
    }) : () -> ()
    %mul3A_68 = arith.constant 640 : i32
    %mul3A_69 = arith.muli %arg1, %mul3A_68 : i32
    "tpu.region"() ({
      %run_scoped3A = tpu.sem_alloc : memref<!tpu.dma_semaphore, #tpu.memory_space<semaphore_mem>>
      %dma_start3A = arith.constant 0 : i32
      %dma_start3A_70 = tpu.memref_slice %arg8[%arg0, %mul3A_69, %dma_start3A] : memref<2x10240x16xf32, #tpu.memory_space<hbm>> -> memref<1x640x16xf32, #tpu.memory_space<hbm>>
      %dma_start3A_71 = tpu.memref_squeeze %dma_start3A_70 : memref<1x640x16xf32, #tpu.memory_space<hbm>> -> memref<640x16xf32, #tpu.memory_space<hbm>>
      %dma_start3A_72 = arith.constant 0 : i32
      %dma_start3A_73 = tpu.memref_slice %arg8[%arg0, %mul3A_69, %dma_start3A_72] : memref<2x10240x16xf32, #tpu.memory_space<hbm>> -> memref<1x640x16xf32, #tpu.memory_space<hbm>>
      %dma_start3A_74 = tpu.memref_squeeze %dma_start3A_73 : memref<1x640x16xf32, #tpu.memory_space<hbm>> -> memref<640x16xf32, #tpu.memory_space<hbm>>
      tpu.enqueue_dma source(%arg36 : memref<640x16xf32, #tpu.memory_space<vmem>>) target(%dma_start3A_74 : memref<640x16xf32, #tpu.memory_space<hbm>>) target_semaphore(%run_scoped3A : memref<!tpu.dma_semaphore, #tpu.memory_space<semaphore_mem>>)
      %dma_wait3A = arith.constant 0 : i32
      %dma_wait3A_75 = tpu.memref_slice %arg8[%arg0, %mul3A_69, %dma_wait3A] : memref<2x10240x16xf32, #tpu.memory_space<hbm>> -> memref<1x640x16xf32, #tpu.memory_space<hbm>>
      %dma_wait3A_76 = tpu.memref_squeeze %dma_wait3A_75 : memref<1x640x16xf32, #tpu.memory_space<hbm>> -> memref<640x16xf32, #tpu.memory_space<hbm>>
      %dma_wait3A_77 = arith.constant 0 : i32
      %dma_wait3A_78 = tpu.memref_slice %arg8[%arg0, %mul3A_69, %dma_wait3A_77] : memref<2x10240x16xf32, #tpu.memory_space<hbm>> -> memref<1x640x16xf32, #tpu.memory_space<hbm>>
      %dma_wait3A_79 = tpu.memref_squeeze %dma_wait3A_78 : memref<1x640x16xf32, #tpu.memory_space<hbm>> -> memref<640x16xf32, #tpu.memory_space<hbm>>
      tpu.wait_dma2 semaphore(%run_scoped3A : memref<!tpu.dma_semaphore, #tpu.memory_space<semaphore_mem>>) src(%arg36 : memref<640x16xf32, #tpu.memory_space<vmem>>) dst(%dma_wait3A_79 : memref<640x16xf32, #tpu.memory_space<hbm>>)
      tpu.yield
    }) : () -> ()
    return
  }
}

#map = affine_map<(d0, d1) -> (0, 0, 0)>
#map1 = affine_map<(d0, d1) -> (0, 0)>
module attributes {stable_mosaic.version = 14 : i64} {
  func.func @_sc_aggregate(%arg0: i32, %arg1: i32, %arg2: memref<2x10240x64xf32, #tpu.memory_space<hbm>>, %arg3: memref<2560x2x128xi32, #tpu.memory_space<hbm>>, %arg4: memref<128x64xf32, #tpu.memory_space<hbm>>, %arg5: memref<640x16xf32, #tpu.memory_space<hbm>>, %arg6: memref<128x16xf32, #tpu.memory_space<hbm>>, %arg7: memref<2x10240x64xf32, #tpu.memory_space<hbm>>, %arg8: memref<8x2x128xi32, #tpu.memory_space<vmem>>, %arg9: memref<128x64xf32, #tpu.memory_space<vmem>>, %arg10: memref<128x64xf32, #tpu.memory_space<vmem>>, %arg11: memref<128x64xf32, #tpu.memory_space<vmem>>, %arg12: memref<128x64xf32, #tpu.memory_space<vmem>>, %arg13: memref<128x64xf32, #tpu.memory_space<vmem>>, %arg14: memref<128x64xf32, #tpu.memory_space<vmem>>, %arg15: memref<128x64xf32, #tpu.memory_space<vmem>>, %arg16: memref<128x64xf32, #tpu.memory_space<vmem>>, %arg17: memref<10240x64xf32, #tpu.memory_space<vmem_shared>>, %arg18: memref<!tpu.dma_semaphore, #tpu.memory_space<semaphore_mem>>, %arg19: memref<!tpu.dma_semaphore, #tpu.memory_space<semaphore_mem>>, %arg20: memref<!tpu.dma_semaphore, #tpu.memory_space<semaphore_mem>>, %arg21: memref<!tpu.dma_semaphore, #tpu.memory_space<semaphore_mem>>, %arg22: memref<!tpu.dma_semaphore, #tpu.memory_space<semaphore_mem>>, %arg23: memref<!tpu.dma_semaphore, #tpu.memory_space<semaphore_mem>>, %arg24: memref<!tpu.dma_semaphore, #tpu.memory_space<semaphore_mem>>, %arg25: memref<!tpu.dma_semaphore, #tpu.memory_space<semaphore_mem>>, %arg26: memref<!tpu.dma_semaphore, #tpu.memory_space<semaphore_mem>>, %arg27: memref<!tpu.dma_semaphore, #tpu.memory_space<semaphore_mem>>, %arg28: memref<!tpu.dma_semaphore, #tpu.memory_space<semaphore_mem>>, %arg29: memref<!tpu.dma_semaphore, #tpu.memory_space<semaphore_mem>>, %arg30: memref<!tpu.dma_semaphore, #tpu.memory_space<semaphore_mem>>, %arg31: memref<!tpu.dma_semaphore, #tpu.memory_space<semaphore_mem>>, %arg32: memref<!tpu.dma_semaphore, #tpu.memory_space<semaphore_mem>>, %arg33: memref<!tpu.dma_semaphore, #tpu.memory_space<semaphore_mem>>) attributes {dimension_semantics = [#tpu.dimension_semantics<core_parallel>, #tpu.dimension_semantics<subcore_parallel>], iteration_bounds = array<i64: 2, 16>, scalar_prefetch = 0 : i64, scratch_operands = 26 : i64, tpu.core_type = #tpu.core_type<sc_vector_subcore>, window_params = [{transform_indices = #map}, {transform_indices = #map}, {transform_indices = #map1}, {transform_indices = #map1}, {transform_indices = #map1}, {transform_indices = #map}]} {
    "tpu.region"() ({
      %run_scoped3A = tpu.sem_alloc : memref<!tpu.dma_semaphore, #tpu.memory_space<semaphore_mem>>
      tpu.enqueue_dma source(%arg4 : memref<128x64xf32, #tpu.memory_space<hbm>>) target(%arg9 : memref<128x64xf32, #tpu.memory_space<vmem>>) target_semaphore(%run_scoped3A : memref<!tpu.dma_semaphore, #tpu.memory_space<semaphore_mem>>)
      tpu.wait_dma2 semaphore(%run_scoped3A : memref<!tpu.dma_semaphore, #tpu.memory_space<semaphore_mem>>) src(%arg4 : memref<128x64xf32, #tpu.memory_space<hbm>>) dst(%arg9 : memref<128x64xf32, #tpu.memory_space<vmem>>)
      tpu.yield
    }) : () -> ()
    %mul3A = arith.constant 640 : i32
    %mul3A_0 = arith.muli %arg1, %mul3A : i32
    %add3A = arith.constant 0 : i32
    %add3A_1 = arith.addi %mul3A_0, %add3A : i32
    "tpu.region"() ({
      %run_scoped3A = tpu.sem_alloc : memref<!tpu.dma_semaphore, #tpu.memory_space<semaphore_mem>>
      %dma_start3A = arith.constant 0 : i32
      %dma_start3A_64 = tpu.memref_slice %arg17[%add3A_1, %dma_start3A] : memref<10240x64xf32, #tpu.memory_space<vmem_shared>> -> memref<128x64xf32, #tpu.memory_space<vmem_shared>>
      %dma_start3A_65 = arith.constant 0 : i32
      %dma_start3A_66 = tpu.memref_slice %arg17[%add3A_1, %dma_start3A_65] : memref<10240x64xf32, #tpu.memory_space<vmem_shared>> -> memref<128x64xf32, #tpu.memory_space<vmem_shared>>
      tpu.enqueue_dma source(%arg9 : memref<128x64xf32, #tpu.memory_space<vmem>>) target(%dma_start3A_66 : memref<128x64xf32, #tpu.memory_space<vmem_shared>>) target_semaphore(%run_scoped3A : memref<!tpu.dma_semaphore, #tpu.memory_space<semaphore_mem>>)
      %dma_wait3A = arith.constant 0 : i32
      %dma_wait3A_67 = tpu.memref_slice %arg17[%add3A_1, %dma_wait3A] : memref<10240x64xf32, #tpu.memory_space<vmem_shared>> -> memref<128x64xf32, #tpu.memory_space<vmem_shared>>
      %dma_wait3A_68 = arith.constant 0 : i32
      %dma_wait3A_69 = tpu.memref_slice %arg17[%add3A_1, %dma_wait3A_68] : memref<10240x64xf32, #tpu.memory_space<vmem_shared>> -> memref<128x64xf32, #tpu.memory_space<vmem_shared>>
      tpu.wait_dma2 semaphore(%run_scoped3A : memref<!tpu.dma_semaphore, #tpu.memory_space<semaphore_mem>>) src(%arg9 : memref<128x64xf32, #tpu.memory_space<vmem>>) dst(%dma_wait3A_69 : memref<128x64xf32, #tpu.memory_space<vmem_shared>>)
      tpu.yield
    }) : () -> ()
    %mul3A_2 = arith.constant 640 : i32
    %mul3A_3 = arith.muli %arg1, %mul3A_2 : i32
    %add3A_4 = arith.constant 128 : i32
    %add3A_5 = arith.addi %mul3A_3, %add3A_4 : i32
    "tpu.region"() ({
      %run_scoped3A = tpu.sem_alloc : memref<!tpu.dma_semaphore, #tpu.memory_space<semaphore_mem>>
      %dma_start3A = arith.constant 0 : i32
      %dma_start3A_64 = tpu.memref_slice %arg17[%add3A_5, %dma_start3A] : memref<10240x64xf32, #tpu.memory_space<vmem_shared>> -> memref<128x64xf32, #tpu.memory_space<vmem_shared>>
      %dma_start3A_65 = arith.constant 0 : i32
      %dma_start3A_66 = tpu.memref_slice %arg17[%add3A_5, %dma_start3A_65] : memref<10240x64xf32, #tpu.memory_space<vmem_shared>> -> memref<128x64xf32, #tpu.memory_space<vmem_shared>>
      tpu.enqueue_dma source(%arg9 : memref<128x64xf32, #tpu.memory_space<vmem>>) target(%dma_start3A_66 : memref<128x64xf32, #tpu.memory_space<vmem_shared>>) target_semaphore(%run_scoped3A : memref<!tpu.dma_semaphore, #tpu.memory_space<semaphore_mem>>)
      %dma_wait3A = arith.constant 0 : i32
      %dma_wait3A_67 = tpu.memref_slice %arg17[%add3A_5, %dma_wait3A] : memref<10240x64xf32, #tpu.memory_space<vmem_shared>> -> memref<128x64xf32, #tpu.memory_space<vmem_shared>>
      %dma_wait3A_68 = arith.constant 0 : i32
      %dma_wait3A_69 = tpu.memref_slice %arg17[%add3A_5, %dma_wait3A_68] : memref<10240x64xf32, #tpu.memory_space<vmem_shared>> -> memref<128x64xf32, #tpu.memory_space<vmem_shared>>
      tpu.wait_dma2 semaphore(%run_scoped3A : memref<!tpu.dma_semaphore, #tpu.memory_space<semaphore_mem>>) src(%arg9 : memref<128x64xf32, #tpu.memory_space<vmem>>) dst(%dma_wait3A_69 : memref<128x64xf32, #tpu.memory_space<vmem_shared>>)
      tpu.yield
    }) : () -> ()
    %mul3A_6 = arith.constant 640 : i32
    %mul3A_7 = arith.muli %arg1, %mul3A_6 : i32
    %add3A_8 = arith.constant 256 : i32
    %add3A_9 = arith.addi %mul3A_7, %add3A_8 : i32
    "tpu.region"() ({
      %run_scoped3A = tpu.sem_alloc : memref<!tpu.dma_semaphore, #tpu.memory_space<semaphore_mem>>
      %dma_start3A = arith.constant 0 : i32
      %dma_start3A_64 = tpu.memref_slice %arg17[%add3A_9, %dma_start3A] : memref<10240x64xf32, #tpu.memory_space<vmem_shared>> -> memref<128x64xf32, #tpu.memory_space<vmem_shared>>
      %dma_start3A_65 = arith.constant 0 : i32
      %dma_start3A_66 = tpu.memref_slice %arg17[%add3A_9, %dma_start3A_65] : memref<10240x64xf32, #tpu.memory_space<vmem_shared>> -> memref<128x64xf32, #tpu.memory_space<vmem_shared>>
      tpu.enqueue_dma source(%arg9 : memref<128x64xf32, #tpu.memory_space<vmem>>) target(%dma_start3A_66 : memref<128x64xf32, #tpu.memory_space<vmem_shared>>) target_semaphore(%run_scoped3A : memref<!tpu.dma_semaphore, #tpu.memory_space<semaphore_mem>>)
      %dma_wait3A = arith.constant 0 : i32
      %dma_wait3A_67 = tpu.memref_slice %arg17[%add3A_9, %dma_wait3A] : memref<10240x64xf32, #tpu.memory_space<vmem_shared>> -> memref<128x64xf32, #tpu.memory_space<vmem_shared>>
      %dma_wait3A_68 = arith.constant 0 : i32
      %dma_wait3A_69 = tpu.memref_slice %arg17[%add3A_9, %dma_wait3A_68] : memref<10240x64xf32, #tpu.memory_space<vmem_shared>> -> memref<128x64xf32, #tpu.memory_space<vmem_shared>>
      tpu.wait_dma2 semaphore(%run_scoped3A : memref<!tpu.dma_semaphore, #tpu.memory_space<semaphore_mem>>) src(%arg9 : memref<128x64xf32, #tpu.memory_space<vmem>>) dst(%dma_wait3A_69 : memref<128x64xf32, #tpu.memory_space<vmem_shared>>)
      tpu.yield
    }) : () -> ()
    %mul3A_10 = arith.constant 640 : i32
    %mul3A_11 = arith.muli %arg1, %mul3A_10 : i32
    %add3A_12 = arith.constant 384 : i32
    %add3A_13 = arith.addi %mul3A_11, %add3A_12 : i32
    "tpu.region"() ({
      %run_scoped3A = tpu.sem_alloc : memref<!tpu.dma_semaphore, #tpu.memory_space<semaphore_mem>>
      %dma_start3A = arith.constant 0 : i32
      %dma_start3A_64 = tpu.memref_slice %arg17[%add3A_13, %dma_start3A] : memref<10240x64xf32, #tpu.memory_space<vmem_shared>> -> memref<128x64xf32, #tpu.memory_space<vmem_shared>>
      %dma_start3A_65 = arith.constant 0 : i32
      %dma_start3A_66 = tpu.memref_slice %arg17[%add3A_13, %dma_start3A_65] : memref<10240x64xf32, #tpu.memory_space<vmem_shared>> -> memref<128x64xf32, #tpu.memory_space<vmem_shared>>
      tpu.enqueue_dma source(%arg9 : memref<128x64xf32, #tpu.memory_space<vmem>>) target(%dma_start3A_66 : memref<128x64xf32, #tpu.memory_space<vmem_shared>>) target_semaphore(%run_scoped3A : memref<!tpu.dma_semaphore, #tpu.memory_space<semaphore_mem>>)
      %dma_wait3A = arith.constant 0 : i32
      %dma_wait3A_67 = tpu.memref_slice %arg17[%add3A_13, %dma_wait3A] : memref<10240x64xf32, #tpu.memory_space<vmem_shared>> -> memref<128x64xf32, #tpu.memory_space<vmem_shared>>
      %dma_wait3A_68 = arith.constant 0 : i32
      %dma_wait3A_69 = tpu.memref_slice %arg17[%add3A_13, %dma_wait3A_68] : memref<10240x64xf32, #tpu.memory_space<vmem_shared>> -> memref<128x64xf32, #tpu.memory_space<vmem_shared>>
      tpu.wait_dma2 semaphore(%run_scoped3A : memref<!tpu.dma_semaphore, #tpu.memory_space<semaphore_mem>>) src(%arg9 : memref<128x64xf32, #tpu.memory_space<vmem>>) dst(%dma_wait3A_69 : memref<128x64xf32, #tpu.memory_space<vmem_shared>>)
      tpu.yield
    }) : () -> ()
    %mul3A_14 = arith.constant 640 : i32
    %mul3A_15 = arith.muli %arg1, %mul3A_14 : i32
    %add3A_16 = arith.constant 512 : i32
    %add3A_17 = arith.addi %mul3A_15, %add3A_16 : i32
    "tpu.region"() ({
      %run_scoped3A = tpu.sem_alloc : memref<!tpu.dma_semaphore, #tpu.memory_space<semaphore_mem>>
      %dma_start3A = arith.constant 0 : i32
      %dma_start3A_64 = tpu.memref_slice %arg17[%add3A_17, %dma_start3A] : memref<10240x64xf32, #tpu.memory_space<vmem_shared>> -> memref<128x64xf32, #tpu.memory_space<vmem_shared>>
      %dma_start3A_65 = arith.constant 0 : i32
      %dma_start3A_66 = tpu.memref_slice %arg17[%add3A_17, %dma_start3A_65] : memref<10240x64xf32, #tpu.memory_space<vmem_shared>> -> memref<128x64xf32, #tpu.memory_space<vmem_shared>>
      tpu.enqueue_dma source(%arg9 : memref<128x64xf32, #tpu.memory_space<vmem>>) target(%dma_start3A_66 : memref<128x64xf32, #tpu.memory_space<vmem_shared>>) target_semaphore(%run_scoped3A : memref<!tpu.dma_semaphore, #tpu.memory_space<semaphore_mem>>)
      %dma_wait3A = arith.constant 0 : i32
      %dma_wait3A_67 = tpu.memref_slice %arg17[%add3A_17, %dma_wait3A] : memref<10240x64xf32, #tpu.memory_space<vmem_shared>> -> memref<128x64xf32, #tpu.memory_space<vmem_shared>>
      %dma_wait3A_68 = arith.constant 0 : i32
      %dma_wait3A_69 = tpu.memref_slice %arg17[%add3A_17, %dma_wait3A_68] : memref<10240x64xf32, #tpu.memory_space<vmem_shared>> -> memref<128x64xf32, #tpu.memory_space<vmem_shared>>
      tpu.wait_dma2 semaphore(%run_scoped3A : memref<!tpu.dma_semaphore, #tpu.memory_space<semaphore_mem>>) src(%arg9 : memref<128x64xf32, #tpu.memory_space<vmem>>) dst(%dma_wait3A_69 : memref<128x64xf32, #tpu.memory_space<vmem_shared>>)
      tpu.yield
    }) : () -> ()
    %barrier3A = arith.constant 0 : index
    tpu.barrier barrier_id(%barrier3A)
    %scan3A = arith.constant 0 : i32
    %scan3A_18 = arith.constant 0 : i32
    %scan3A_19 = arith.constant 20 : i32
    %scan3A_20 = arith.addi %scan3A_18, %scan3A_19 : i32
    %scan3A_21 = arith.constant 1 : i32
    scf.for %scan3A_64 = %scan3A_18 to %scan3A_20 step %scan3A_21  : i32 {
      %mul3A_65 = arith.constant 160 : i32
      %mul3A_66 = arith.muli %arg1, %mul3A_65 : i32
      %mul3A_67 = arith.constant 8 : i32
      %mul3A_68 = arith.muli %scan3A_64, %mul3A_67 : i32
      %add3A_69 = arith.addi %mul3A_66, %mul3A_68 : i32
      "tpu.region"() ({
        %run_scoped3A = tpu.sem_alloc : memref<!tpu.dma_semaphore, #tpu.memory_space<semaphore_mem>>
        %dma_start3A_388 = arith.constant 0 : i32
        %dma_start3A_389 = arith.constant 0 : i32
        %dma_start3A_390 = tpu.memref_slice %arg3[%add3A_69, %dma_start3A_388, %dma_start3A_389] : memref<2560x2x128xi32, #tpu.memory_space<hbm>> -> memref<8x2x128xi32, #tpu.memory_space<hbm>>
        %dma_start3A_391 = arith.constant 0 : i32
        %dma_start3A_392 = arith.constant 0 : i32
        %dma_start3A_393 = tpu.memref_slice %arg3[%add3A_69, %dma_start3A_391, %dma_start3A_392] : memref<2560x2x128xi32, #tpu.memory_space<hbm>> -> memref<8x2x128xi32, #tpu.memory_space<hbm>>
        tpu.enqueue_dma source(%dma_start3A_393 : memref<8x2x128xi32, #tpu.memory_space<hbm>>) target(%arg8 : memref<8x2x128xi32, #tpu.memory_space<vmem>>) target_semaphore(%run_scoped3A : memref<!tpu.dma_semaphore, #tpu.memory_space<semaphore_mem>>)
        %dma_wait3A_394 = arith.constant 0 : i32
        %dma_wait3A_395 = arith.constant 0 : i32
        %dma_wait3A_396 = tpu.memref_slice %arg3[%add3A_69, %dma_wait3A_394, %dma_wait3A_395] : memref<2560x2x128xi32, #tpu.memory_space<hbm>> -> memref<8x2x128xi32, #tpu.memory_space<hbm>>
        %dma_wait3A_397 = arith.constant 0 : i32
        %dma_wait3A_398 = arith.constant 0 : i32
        %dma_wait3A_399 = tpu.memref_slice %arg3[%add3A_69, %dma_wait3A_397, %dma_wait3A_398] : memref<2560x2x128xi32, #tpu.memory_space<hbm>> -> memref<8x2x128xi32, #tpu.memory_space<hbm>>
        tpu.wait_dma2 semaphore(%run_scoped3A : memref<!tpu.dma_semaphore, #tpu.memory_space<semaphore_mem>>) src(%dma_wait3A_399 : memref<8x2x128xi32, #tpu.memory_space<hbm>>) dst(%arg8 : memref<8x2x128xi32, #tpu.memory_space<vmem>>)
        tpu.yield
      }) : () -> ()
      %dma_start3A = arith.constant 0 : i32
      %dma_start3A_70 = arith.constant 0 : i32
      %dma_start3A_71 = arith.constant 0 : i32
      %dma_start3A_72 = tpu.memref_slice %arg8[%dma_start3A, %dma_start3A_70, %dma_start3A_71] : memref<8x2x128xi32, #tpu.memory_space<vmem>> -> memref<1x1x128xi32, #tpu.memory_space<vmem>>
      %dma_start3A_73 = tpu.memref_squeeze %dma_start3A_72 : memref<1x1x128xi32, #tpu.memory_space<vmem>> -> memref<128xi32, #tpu.memory_space<vmem>>
      %dma_start3A_74 = arith.constant 0 : i32
      %dma_start3A_75 = arith.constant 0 : i32
      %dma_start3A_76 = tpu.memref_slice %arg2[%arg0, %dma_start3A_74, %dma_start3A_75] : memref<2x10240x64xf32, #tpu.memory_space<hbm>> -> memref<1x10240x64xf32, #tpu.memory_space<hbm>>
      %dma_start3A_77 = tpu.memref_squeeze %dma_start3A_76 : memref<1x10240x64xf32, #tpu.memory_space<hbm>> -> memref<10240x64xf32, #tpu.memory_space<hbm>>
      %dma_start3A_78 = arith.constant 0 : i32
      %dma_start3A_79 = arith.constant 0 : i32
      %dma_start3A_80 = tpu.memref_slice %dma_start3A_77[%dma_start3A_78, %dma_start3A_79] : memref<10240x64xf32, #tpu.memory_space<hbm>> -> memref<10240x64xf32, #tpu.memory_space<hbm>>
      tpu.enqueue_indirect_dma source(%dma_start3A_80 : memref<10240x64xf32, #tpu.memory_space<hbm>>) target(%arg9 : memref<128x64xf32, #tpu.memory_space<vmem>>) offsets(%dma_start3A_73 : memref<128xi32, #tpu.memory_space<vmem>>) semaphore(%arg18 : memref<!tpu.dma_semaphore, #tpu.memory_space<semaphore_mem>>)
      %dma_start3A_81 = arith.constant 1 : i32
      %dma_start3A_82 = arith.constant 0 : i32
      %dma_start3A_83 = arith.constant 0 : i32
      %dma_start3A_84 = tpu.memref_slice %arg8[%dma_start3A_81, %dma_start3A_82, %dma_start3A_83] : memref<8x2x128xi32, #tpu.memory_space<vmem>> -> memref<1x1x128xi32, #tpu.memory_space<vmem>>
      %dma_start3A_85 = tpu.memref_squeeze %dma_start3A_84 : memref<1x1x128xi32, #tpu.memory_space<vmem>> -> memref<128xi32, #tpu.memory_space<vmem>>
      %dma_start3A_86 = arith.constant 0 : i32
      %dma_start3A_87 = arith.constant 0 : i32
      %dma_start3A_88 = tpu.memref_slice %arg2[%arg0, %dma_start3A_86, %dma_start3A_87] : memref<2x10240x64xf32, #tpu.memory_space<hbm>> -> memref<1x10240x64xf32, #tpu.memory_space<hbm>>
      %dma_start3A_89 = tpu.memref_squeeze %dma_start3A_88 : memref<1x10240x64xf32, #tpu.memory_space<hbm>> -> memref<10240x64xf32, #tpu.memory_space<hbm>>
      %dma_start3A_90 = arith.constant 0 : i32
      %dma_start3A_91 = arith.constant 0 : i32
      %dma_start3A_92 = tpu.memref_slice %dma_start3A_89[%dma_start3A_90, %dma_start3A_91] : memref<10240x64xf32, #tpu.memory_space<hbm>> -> memref<10240x64xf32, #tpu.memory_space<hbm>>
      tpu.enqueue_indirect_dma source(%dma_start3A_92 : memref<10240x64xf32, #tpu.memory_space<hbm>>) target(%arg10 : memref<128x64xf32, #tpu.memory_space<vmem>>) offsets(%dma_start3A_85 : memref<128xi32, #tpu.memory_space<vmem>>) semaphore(%arg19 : memref<!tpu.dma_semaphore, #tpu.memory_space<semaphore_mem>>)
      %dma_start3A_93 = arith.constant 2 : i32
      %dma_start3A_94 = arith.constant 0 : i32
      %dma_start3A_95 = arith.constant 0 : i32
      %dma_start3A_96 = tpu.memref_slice %arg8[%dma_start3A_93, %dma_start3A_94, %dma_start3A_95] : memref<8x2x128xi32, #tpu.memory_space<vmem>> -> memref<1x1x128xi32, #tpu.memory_space<vmem>>
      %dma_start3A_97 = tpu.memref_squeeze %dma_start3A_96 : memref<1x1x128xi32, #tpu.memory_space<vmem>> -> memref<128xi32, #tpu.memory_space<vmem>>
      %dma_start3A_98 = arith.constant 0 : i32
      %dma_start3A_99 = arith.constant 0 : i32
      %dma_start3A_100 = tpu.memref_slice %arg2[%arg0, %dma_start3A_98, %dma_start3A_99] : memref<2x10240x64xf32, #tpu.memory_space<hbm>> -> memref<1x10240x64xf32, #tpu.memory_space<hbm>>
      %dma_start3A_101 = tpu.memref_squeeze %dma_start3A_100 : memref<1x10240x64xf32, #tpu.memory_space<hbm>> -> memref<10240x64xf32, #tpu.memory_space<hbm>>
      %dma_start3A_102 = arith.constant 0 : i32
      %dma_start3A_103 = arith.constant 0 : i32
      %dma_start3A_104 = tpu.memref_slice %dma_start3A_101[%dma_start3A_102, %dma_start3A_103] : memref<10240x64xf32, #tpu.memory_space<hbm>> -> memref<10240x64xf32, #tpu.memory_space<hbm>>
      tpu.enqueue_indirect_dma source(%dma_start3A_104 : memref<10240x64xf32, #tpu.memory_space<hbm>>) target(%arg11 : memref<128x64xf32, #tpu.memory_space<vmem>>) offsets(%dma_start3A_97 : memref<128xi32, #tpu.memory_space<vmem>>) semaphore(%arg20 : memref<!tpu.dma_semaphore, #tpu.memory_space<semaphore_mem>>)
      %dma_start3A_105 = arith.constant 3 : i32
      %dma_start3A_106 = arith.constant 0 : i32
      %dma_start3A_107 = arith.constant 0 : i32
      %dma_start3A_108 = tpu.memref_slice %arg8[%dma_start3A_105, %dma_start3A_106, %dma_start3A_107] : memref<8x2x128xi32, #tpu.memory_space<vmem>> -> memref<1x1x128xi32, #tpu.memory_space<vmem>>
      %dma_start3A_109 = tpu.memref_squeeze %dma_start3A_108 : memref<1x1x128xi32, #tpu.memory_space<vmem>> -> memref<128xi32, #tpu.memory_space<vmem>>
      %dma_start3A_110 = arith.constant 0 : i32
      %dma_start3A_111 = arith.constant 0 : i32
      %dma_start3A_112 = tpu.memref_slice %arg2[%arg0, %dma_start3A_110, %dma_start3A_111] : memref<2x10240x64xf32, #tpu.memory_space<hbm>> -> memref<1x10240x64xf32, #tpu.memory_space<hbm>>
      %dma_start3A_113 = tpu.memref_squeeze %dma_start3A_112 : memref<1x10240x64xf32, #tpu.memory_space<hbm>> -> memref<10240x64xf32, #tpu.memory_space<hbm>>
      %dma_start3A_114 = arith.constant 0 : i32
      %dma_start3A_115 = arith.constant 0 : i32
      %dma_start3A_116 = tpu.memref_slice %dma_start3A_113[%dma_start3A_114, %dma_start3A_115] : memref<10240x64xf32, #tpu.memory_space<hbm>> -> memref<10240x64xf32, #tpu.memory_space<hbm>>
      tpu.enqueue_indirect_dma source(%dma_start3A_116 : memref<10240x64xf32, #tpu.memory_space<hbm>>) target(%arg12 : memref<128x64xf32, #tpu.memory_space<vmem>>) offsets(%dma_start3A_109 : memref<128xi32, #tpu.memory_space<vmem>>) semaphore(%arg21 : memref<!tpu.dma_semaphore, #tpu.memory_space<semaphore_mem>>)
      %dma_start3A_117 = arith.constant 4 : i32
      %dma_start3A_118 = arith.constant 0 : i32
      %dma_start3A_119 = arith.constant 0 : i32
      %dma_start3A_120 = tpu.memref_slice %arg8[%dma_start3A_117, %dma_start3A_118, %dma_start3A_119] : memref<8x2x128xi32, #tpu.memory_space<vmem>> -> memref<1x1x128xi32, #tpu.memory_space<vmem>>
      %dma_start3A_121 = tpu.memref_squeeze %dma_start3A_120 : memref<1x1x128xi32, #tpu.memory_space<vmem>> -> memref<128xi32, #tpu.memory_space<vmem>>
      %dma_start3A_122 = arith.constant 0 : i32
      %dma_start3A_123 = arith.constant 0 : i32
      %dma_start3A_124 = tpu.memref_slice %arg2[%arg0, %dma_start3A_122, %dma_start3A_123] : memref<2x10240x64xf32, #tpu.memory_space<hbm>> -> memref<1x10240x64xf32, #tpu.memory_space<hbm>>
      %dma_start3A_125 = tpu.memref_squeeze %dma_start3A_124 : memref<1x10240x64xf32, #tpu.memory_space<hbm>> -> memref<10240x64xf32, #tpu.memory_space<hbm>>
      %dma_start3A_126 = arith.constant 0 : i32
      %dma_start3A_127 = arith.constant 0 : i32
      %dma_start3A_128 = tpu.memref_slice %dma_start3A_125[%dma_start3A_126, %dma_start3A_127] : memref<10240x64xf32, #tpu.memory_space<hbm>> -> memref<10240x64xf32, #tpu.memory_space<hbm>>
      tpu.enqueue_indirect_dma source(%dma_start3A_128 : memref<10240x64xf32, #tpu.memory_space<hbm>>) target(%arg13 : memref<128x64xf32, #tpu.memory_space<vmem>>) offsets(%dma_start3A_121 : memref<128xi32, #tpu.memory_space<vmem>>) semaphore(%arg22 : memref<!tpu.dma_semaphore, #tpu.memory_space<semaphore_mem>>)
      %dma_start3A_129 = arith.constant 5 : i32
      %dma_start3A_130 = arith.constant 0 : i32
      %dma_start3A_131 = arith.constant 0 : i32
      %dma_start3A_132 = tpu.memref_slice %arg8[%dma_start3A_129, %dma_start3A_130, %dma_start3A_131] : memref<8x2x128xi32, #tpu.memory_space<vmem>> -> memref<1x1x128xi32, #tpu.memory_space<vmem>>
      %dma_start3A_133 = tpu.memref_squeeze %dma_start3A_132 : memref<1x1x128xi32, #tpu.memory_space<vmem>> -> memref<128xi32, #tpu.memory_space<vmem>>
      %dma_start3A_134 = arith.constant 0 : i32
      %dma_start3A_135 = arith.constant 0 : i32
      %dma_start3A_136 = tpu.memref_slice %arg2[%arg0, %dma_start3A_134, %dma_start3A_135] : memref<2x10240x64xf32, #tpu.memory_space<hbm>> -> memref<1x10240x64xf32, #tpu.memory_space<hbm>>
      %dma_start3A_137 = tpu.memref_squeeze %dma_start3A_136 : memref<1x10240x64xf32, #tpu.memory_space<hbm>> -> memref<10240x64xf32, #tpu.memory_space<hbm>>
      %dma_start3A_138 = arith.constant 0 : i32
      %dma_start3A_139 = arith.constant 0 : i32
      %dma_start3A_140 = tpu.memref_slice %dma_start3A_137[%dma_start3A_138, %dma_start3A_139] : memref<10240x64xf32, #tpu.memory_space<hbm>> -> memref<10240x64xf32, #tpu.memory_space<hbm>>
      tpu.enqueue_indirect_dma source(%dma_start3A_140 : memref<10240x64xf32, #tpu.memory_space<hbm>>) target(%arg14 : memref<128x64xf32, #tpu.memory_space<vmem>>) offsets(%dma_start3A_133 : memref<128xi32, #tpu.memory_space<vmem>>) semaphore(%arg23 : memref<!tpu.dma_semaphore, #tpu.memory_space<semaphore_mem>>)
      %dma_start3A_141 = arith.constant 6 : i32
      %dma_start3A_142 = arith.constant 0 : i32
      %dma_start3A_143 = arith.constant 0 : i32
      %dma_start3A_144 = tpu.memref_slice %arg8[%dma_start3A_141, %dma_start3A_142, %dma_start3A_143] : memref<8x2x128xi32, #tpu.memory_space<vmem>> -> memref<1x1x128xi32, #tpu.memory_space<vmem>>
      %dma_start3A_145 = tpu.memref_squeeze %dma_start3A_144 : memref<1x1x128xi32, #tpu.memory_space<vmem>> -> memref<128xi32, #tpu.memory_space<vmem>>
      %dma_start3A_146 = arith.constant 0 : i32
      %dma_start3A_147 = arith.constant 0 : i32
      %dma_start3A_148 = tpu.memref_slice %arg2[%arg0, %dma_start3A_146, %dma_start3A_147] : memref<2x10240x64xf32, #tpu.memory_space<hbm>> -> memref<1x10240x64xf32, #tpu.memory_space<hbm>>
      %dma_start3A_149 = tpu.memref_squeeze %dma_start3A_148 : memref<1x10240x64xf32, #tpu.memory_space<hbm>> -> memref<10240x64xf32, #tpu.memory_space<hbm>>
      %dma_start3A_150 = arith.constant 0 : i32
      %dma_start3A_151 = arith.constant 0 : i32
      %dma_start3A_152 = tpu.memref_slice %dma_start3A_149[%dma_start3A_150, %dma_start3A_151] : memref<10240x64xf32, #tpu.memory_space<hbm>> -> memref<10240x64xf32, #tpu.memory_space<hbm>>
      tpu.enqueue_indirect_dma source(%dma_start3A_152 : memref<10240x64xf32, #tpu.memory_space<hbm>>) target(%arg15 : memref<128x64xf32, #tpu.memory_space<vmem>>) offsets(%dma_start3A_145 : memref<128xi32, #tpu.memory_space<vmem>>) semaphore(%arg24 : memref<!tpu.dma_semaphore, #tpu.memory_space<semaphore_mem>>)
      %dma_start3A_153 = arith.constant 7 : i32
      %dma_start3A_154 = arith.constant 0 : i32
      %dma_start3A_155 = arith.constant 0 : i32
      %dma_start3A_156 = tpu.memref_slice %arg8[%dma_start3A_153, %dma_start3A_154, %dma_start3A_155] : memref<8x2x128xi32, #tpu.memory_space<vmem>> -> memref<1x1x128xi32, #tpu.memory_space<vmem>>
      %dma_start3A_157 = tpu.memref_squeeze %dma_start3A_156 : memref<1x1x128xi32, #tpu.memory_space<vmem>> -> memref<128xi32, #tpu.memory_space<vmem>>
      %dma_start3A_158 = arith.constant 0 : i32
      %dma_start3A_159 = arith.constant 0 : i32
      %dma_start3A_160 = tpu.memref_slice %arg2[%arg0, %dma_start3A_158, %dma_start3A_159] : memref<2x10240x64xf32, #tpu.memory_space<hbm>> -> memref<1x10240x64xf32, #tpu.memory_space<hbm>>
      %dma_start3A_161 = tpu.memref_squeeze %dma_start3A_160 : memref<1x10240x64xf32, #tpu.memory_space<hbm>> -> memref<10240x64xf32, #tpu.memory_space<hbm>>
      %dma_start3A_162 = arith.constant 0 : i32
      %dma_start3A_163 = arith.constant 0 : i32
      %dma_start3A_164 = tpu.memref_slice %dma_start3A_161[%dma_start3A_162, %dma_start3A_163] : memref<10240x64xf32, #tpu.memory_space<hbm>> -> memref<10240x64xf32, #tpu.memory_space<hbm>>
      tpu.enqueue_indirect_dma source(%dma_start3A_164 : memref<10240x64xf32, #tpu.memory_space<hbm>>) target(%arg16 : memref<128x64xf32, #tpu.memory_space<vmem>>) offsets(%dma_start3A_157 : memref<128xi32, #tpu.memory_space<vmem>>) semaphore(%arg25 : memref<!tpu.dma_semaphore, #tpu.memory_space<semaphore_mem>>)
      %dma_wait3A = arith.constant 0 : i32
      %dma_wait3A_165 = arith.constant 0 : i32
      %dma_wait3A_166 = arith.constant 0 : i32
      %dma_wait3A_167 = tpu.memref_slice %arg8[%dma_wait3A, %dma_wait3A_165, %dma_wait3A_166] : memref<8x2x128xi32, #tpu.memory_space<vmem>> -> memref<1x1x128xi32, #tpu.memory_space<vmem>>
      %dma_wait3A_168 = tpu.memref_squeeze %dma_wait3A_167 : memref<1x1x128xi32, #tpu.memory_space<vmem>> -> memref<128xi32, #tpu.memory_space<vmem>>
      %dma_wait3A_169 = arith.constant 0 : i32
      %dma_wait3A_170 = arith.constant 0 : i32
      %dma_wait3A_171 = tpu.memref_slice %arg2[%arg0, %dma_wait3A_169, %dma_wait3A_170] : memref<2x10240x64xf32, #tpu.memory_space<hbm>> -> memref<1x10240x64xf32, #tpu.memory_space<hbm>>
      %dma_wait3A_172 = tpu.memref_squeeze %dma_wait3A_171 : memref<1x10240x64xf32, #tpu.memory_space<hbm>> -> memref<10240x64xf32, #tpu.memory_space<hbm>>
      %dma_wait3A_173 = arith.constant 0 : i32
      %dma_wait3A_174 = arith.constant 0 : i32
      %dma_wait3A_175 = tpu.memref_slice %dma_wait3A_172[%dma_wait3A_173, %dma_wait3A_174] : memref<10240x64xf32, #tpu.memory_space<hbm>> -> memref<10240x64xf32, #tpu.memory_space<hbm>>
      tpu.wait_indirect_dma semaphore(%arg18 : memref<!tpu.dma_semaphore, #tpu.memory_space<semaphore_mem>>) src(%dma_wait3A_175 : memref<10240x64xf32, #tpu.memory_space<hbm>>) dst(%arg9 : memref<128x64xf32, #tpu.memory_space<vmem>>)
      %dma_start3A_176 = arith.constant 0 : i32
      %dma_start3A_177 = arith.constant 1 : i32
      %dma_start3A_178 = arith.constant 0 : i32
      %dma_start3A_179 = tpu.memref_slice %arg8[%dma_start3A_176, %dma_start3A_177, %dma_start3A_178] : memref<8x2x128xi32, #tpu.memory_space<vmem>> -> memref<1x1x128xi32, #tpu.memory_space<vmem>>
      %dma_start3A_180 = tpu.memref_squeeze %dma_start3A_179 : memref<1x1x128xi32, #tpu.memory_space<vmem>> -> memref<128xi32, #tpu.memory_space<vmem>>
      %dma_start3A_181 = arith.constant 0 : i32
      %dma_start3A_182 = arith.constant 0 : i32
      %dma_start3A_183 = tpu.memref_slice %arg17[%dma_start3A_181, %dma_start3A_182] : memref<10240x64xf32, #tpu.memory_space<vmem_shared>> -> memref<10240x64xf32, #tpu.memory_space<vmem_shared>>
      tpu.enqueue_indirect_dma source(%arg9 : memref<128x64xf32, #tpu.memory_space<vmem>>) target(%dma_start3A_183 : memref<10240x64xf32, #tpu.memory_space<vmem_shared>>) offsets(%dma_start3A_180 : memref<128xi32, #tpu.memory_space<vmem>>) semaphore(%arg26 : memref<!tpu.dma_semaphore, #tpu.memory_space<semaphore_mem>>) {add = true}
      %dma_wait3A_184 = arith.constant 1 : i32
      %dma_wait3A_185 = arith.constant 0 : i32
      %dma_wait3A_186 = arith.constant 0 : i32
      %dma_wait3A_187 = tpu.memref_slice %arg8[%dma_wait3A_184, %dma_wait3A_185, %dma_wait3A_186] : memref<8x2x128xi32, #tpu.memory_space<vmem>> -> memref<1x1x128xi32, #tpu.memory_space<vmem>>
      %dma_wait3A_188 = tpu.memref_squeeze %dma_wait3A_187 : memref<1x1x128xi32, #tpu.memory_space<vmem>> -> memref<128xi32, #tpu.memory_space<vmem>>
      %dma_wait3A_189 = arith.constant 0 : i32
      %dma_wait3A_190 = arith.constant 0 : i32
      %dma_wait3A_191 = tpu.memref_slice %arg2[%arg0, %dma_wait3A_189, %dma_wait3A_190] : memref<2x10240x64xf32, #tpu.memory_space<hbm>> -> memref<1x10240x64xf32, #tpu.memory_space<hbm>>
      %dma_wait3A_192 = tpu.memref_squeeze %dma_wait3A_191 : memref<1x10240x64xf32, #tpu.memory_space<hbm>> -> memref<10240x64xf32, #tpu.memory_space<hbm>>
      %dma_wait3A_193 = arith.constant 0 : i32
      %dma_wait3A_194 = arith.constant 0 : i32
      %dma_wait3A_195 = tpu.memref_slice %dma_wait3A_192[%dma_wait3A_193, %dma_wait3A_194] : memref<10240x64xf32, #tpu.memory_space<hbm>> -> memref<10240x64xf32, #tpu.memory_space<hbm>>
      tpu.wait_indirect_dma semaphore(%arg19 : memref<!tpu.dma_semaphore, #tpu.memory_space<semaphore_mem>>) src(%dma_wait3A_195 : memref<10240x64xf32, #tpu.memory_space<hbm>>) dst(%arg10 : memref<128x64xf32, #tpu.memory_space<vmem>>)
      %dma_start3A_196 = arith.constant 1 : i32
      %dma_start3A_197 = arith.constant 1 : i32
      %dma_start3A_198 = arith.constant 0 : i32
      %dma_start3A_199 = tpu.memref_slice %arg8[%dma_start3A_196, %dma_start3A_197, %dma_start3A_198] : memref<8x2x128xi32, #tpu.memory_space<vmem>> -> memref<1x1x128xi32, #tpu.memory_space<vmem>>
      %dma_start3A_200 = tpu.memref_squeeze %dma_start3A_199 : memref<1x1x128xi32, #tpu.memory_space<vmem>> -> memref<128xi32, #tpu.memory_space<vmem>>
      %dma_start3A_201 = arith.constant 0 : i32
      %dma_start3A_202 = arith.constant 0 : i32
      %dma_start3A_203 = tpu.memref_slice %arg17[%dma_start3A_201, %dma_start3A_202] : memref<10240x64xf32, #tpu.memory_space<vmem_shared>> -> memref<10240x64xf32, #tpu.memory_space<vmem_shared>>
      tpu.enqueue_indirect_dma source(%arg10 : memref<128x64xf32, #tpu.memory_space<vmem>>) target(%dma_start3A_203 : memref<10240x64xf32, #tpu.memory_space<vmem_shared>>) offsets(%dma_start3A_200 : memref<128xi32, #tpu.memory_space<vmem>>) semaphore(%arg27 : memref<!tpu.dma_semaphore, #tpu.memory_space<semaphore_mem>>) {add = true}
      %dma_wait3A_204 = arith.constant 2 : i32
      %dma_wait3A_205 = arith.constant 0 : i32
      %dma_wait3A_206 = arith.constant 0 : i32
      %dma_wait3A_207 = tpu.memref_slice %arg8[%dma_wait3A_204, %dma_wait3A_205, %dma_wait3A_206] : memref<8x2x128xi32, #tpu.memory_space<vmem>> -> memref<1x1x128xi32, #tpu.memory_space<vmem>>
      %dma_wait3A_208 = tpu.memref_squeeze %dma_wait3A_207 : memref<1x1x128xi32, #tpu.memory_space<vmem>> -> memref<128xi32, #tpu.memory_space<vmem>>
      %dma_wait3A_209 = arith.constant 0 : i32
      %dma_wait3A_210 = arith.constant 0 : i32
      %dma_wait3A_211 = tpu.memref_slice %arg2[%arg0, %dma_wait3A_209, %dma_wait3A_210] : memref<2x10240x64xf32, #tpu.memory_space<hbm>> -> memref<1x10240x64xf32, #tpu.memory_space<hbm>>
      %dma_wait3A_212 = tpu.memref_squeeze %dma_wait3A_211 : memref<1x10240x64xf32, #tpu.memory_space<hbm>> -> memref<10240x64xf32, #tpu.memory_space<hbm>>
      %dma_wait3A_213 = arith.constant 0 : i32
      %dma_wait3A_214 = arith.constant 0 : i32
      %dma_wait3A_215 = tpu.memref_slice %dma_wait3A_212[%dma_wait3A_213, %dma_wait3A_214] : memref<10240x64xf32, #tpu.memory_space<hbm>> -> memref<10240x64xf32, #tpu.memory_space<hbm>>
      tpu.wait_indirect_dma semaphore(%arg20 : memref<!tpu.dma_semaphore, #tpu.memory_space<semaphore_mem>>) src(%dma_wait3A_215 : memref<10240x64xf32, #tpu.memory_space<hbm>>) dst(%arg11 : memref<128x64xf32, #tpu.memory_space<vmem>>)
      %dma_start3A_216 = arith.constant 2 : i32
      %dma_start3A_217 = arith.constant 1 : i32
      %dma_start3A_218 = arith.constant 0 : i32
      %dma_start3A_219 = tpu.memref_slice %arg8[%dma_start3A_216, %dma_start3A_217, %dma_start3A_218] : memref<8x2x128xi32, #tpu.memory_space<vmem>> -> memref<1x1x128xi32, #tpu.memory_space<vmem>>
      %dma_start3A_220 = tpu.memref_squeeze %dma_start3A_219 : memref<1x1x128xi32, #tpu.memory_space<vmem>> -> memref<128xi32, #tpu.memory_space<vmem>>
      %dma_start3A_221 = arith.constant 0 : i32
      %dma_start3A_222 = arith.constant 0 : i32
      %dma_start3A_223 = tpu.memref_slice %arg17[%dma_start3A_221, %dma_start3A_222] : memref<10240x64xf32, #tpu.memory_space<vmem_shared>> -> memref<10240x64xf32, #tpu.memory_space<vmem_shared>>
      tpu.enqueue_indirect_dma source(%arg11 : memref<128x64xf32, #tpu.memory_space<vmem>>) target(%dma_start3A_223 : memref<10240x64xf32, #tpu.memory_space<vmem_shared>>) offsets(%dma_start3A_220 : memref<128xi32, #tpu.memory_space<vmem>>) semaphore(%arg28 : memref<!tpu.dma_semaphore, #tpu.memory_space<semaphore_mem>>) {add = true}
      %dma_wait3A_224 = arith.constant 3 : i32
      %dma_wait3A_225 = arith.constant 0 : i32
      %dma_wait3A_226 = arith.constant 0 : i32
      %dma_wait3A_227 = tpu.memref_slice %arg8[%dma_wait3A_224, %dma_wait3A_225, %dma_wait3A_226] : memref<8x2x128xi32, #tpu.memory_space<vmem>> -> memref<1x1x128xi32, #tpu.memory_space<vmem>>
      %dma_wait3A_228 = tpu.memref_squeeze %dma_wait3A_227 : memref<1x1x128xi32, #tpu.memory_space<vmem>> -> memref<128xi32, #tpu.memory_space<vmem>>
      %dma_wait3A_229 = arith.constant 0 : i32
      %dma_wait3A_230 = arith.constant 0 : i32
      %dma_wait3A_231 = tpu.memref_slice %arg2[%arg0, %dma_wait3A_229, %dma_wait3A_230] : memref<2x10240x64xf32, #tpu.memory_space<hbm>> -> memref<1x10240x64xf32, #tpu.memory_space<hbm>>
      %dma_wait3A_232 = tpu.memref_squeeze %dma_wait3A_231 : memref<1x10240x64xf32, #tpu.memory_space<hbm>> -> memref<10240x64xf32, #tpu.memory_space<hbm>>
      %dma_wait3A_233 = arith.constant 0 : i32
      %dma_wait3A_234 = arith.constant 0 : i32
      %dma_wait3A_235 = tpu.memref_slice %dma_wait3A_232[%dma_wait3A_233, %dma_wait3A_234] : memref<10240x64xf32, #tpu.memory_space<hbm>> -> memref<10240x64xf32, #tpu.memory_space<hbm>>
      tpu.wait_indirect_dma semaphore(%arg21 : memref<!tpu.dma_semaphore, #tpu.memory_space<semaphore_mem>>) src(%dma_wait3A_235 : memref<10240x64xf32, #tpu.memory_space<hbm>>) dst(%arg12 : memref<128x64xf32, #tpu.memory_space<vmem>>)
      %dma_start3A_236 = arith.constant 3 : i32
      %dma_start3A_237 = arith.constant 1 : i32
      %dma_start3A_238 = arith.constant 0 : i32
      %dma_start3A_239 = tpu.memref_slice %arg8[%dma_start3A_236, %dma_start3A_237, %dma_start3A_238] : memref<8x2x128xi32, #tpu.memory_space<vmem>> -> memref<1x1x128xi32, #tpu.memory_space<vmem>>
      %dma_start3A_240 = tpu.memref_squeeze %dma_start3A_239 : memref<1x1x128xi32, #tpu.memory_space<vmem>> -> memref<128xi32, #tpu.memory_space<vmem>>
      %dma_start3A_241 = arith.constant 0 : i32
      %dma_start3A_242 = arith.constant 0 : i32
      %dma_start3A_243 = tpu.memref_slice %arg17[%dma_start3A_241, %dma_start3A_242] : memref<10240x64xf32, #tpu.memory_space<vmem_shared>> -> memref<10240x64xf32, #tpu.memory_space<vmem_shared>>
      tpu.enqueue_indirect_dma source(%arg12 : memref<128x64xf32, #tpu.memory_space<vmem>>) target(%dma_start3A_243 : memref<10240x64xf32, #tpu.memory_space<vmem_shared>>) offsets(%dma_start3A_240 : memref<128xi32, #tpu.memory_space<vmem>>) semaphore(%arg29 : memref<!tpu.dma_semaphore, #tpu.memory_space<semaphore_mem>>) {add = true}
      %dma_wait3A_244 = arith.constant 4 : i32
      %dma_wait3A_245 = arith.constant 0 : i32
      %dma_wait3A_246 = arith.constant 0 : i32
      %dma_wait3A_247 = tpu.memref_slice %arg8[%dma_wait3A_244, %dma_wait3A_245, %dma_wait3A_246] : memref<8x2x128xi32, #tpu.memory_space<vmem>> -> memref<1x1x128xi32, #tpu.memory_space<vmem>>
      %dma_wait3A_248 = tpu.memref_squeeze %dma_wait3A_247 : memref<1x1x128xi32, #tpu.memory_space<vmem>> -> memref<128xi32, #tpu.memory_space<vmem>>
      %dma_wait3A_249 = arith.constant 0 : i32
      %dma_wait3A_250 = arith.constant 0 : i32
      %dma_wait3A_251 = tpu.memref_slice %arg2[%arg0, %dma_wait3A_249, %dma_wait3A_250] : memref<2x10240x64xf32, #tpu.memory_space<hbm>> -> memref<1x10240x64xf32, #tpu.memory_space<hbm>>
      %dma_wait3A_252 = tpu.memref_squeeze %dma_wait3A_251 : memref<1x10240x64xf32, #tpu.memory_space<hbm>> -> memref<10240x64xf32, #tpu.memory_space<hbm>>
      %dma_wait3A_253 = arith.constant 0 : i32
      %dma_wait3A_254 = arith.constant 0 : i32
      %dma_wait3A_255 = tpu.memref_slice %dma_wait3A_252[%dma_wait3A_253, %dma_wait3A_254] : memref<10240x64xf32, #tpu.memory_space<hbm>> -> memref<10240x64xf32, #tpu.memory_space<hbm>>
      tpu.wait_indirect_dma semaphore(%arg22 : memref<!tpu.dma_semaphore, #tpu.memory_space<semaphore_mem>>) src(%dma_wait3A_255 : memref<10240x64xf32, #tpu.memory_space<hbm>>) dst(%arg13 : memref<128x64xf32, #tpu.memory_space<vmem>>)
      %dma_start3A_256 = arith.constant 4 : i32
      %dma_start3A_257 = arith.constant 1 : i32
      %dma_start3A_258 = arith.constant 0 : i32
      %dma_start3A_259 = tpu.memref_slice %arg8[%dma_start3A_256, %dma_start3A_257, %dma_start3A_258] : memref<8x2x128xi32, #tpu.memory_space<vmem>> -> memref<1x1x128xi32, #tpu.memory_space<vmem>>
      %dma_start3A_260 = tpu.memref_squeeze %dma_start3A_259 : memref<1x1x128xi32, #tpu.memory_space<vmem>> -> memref<128xi32, #tpu.memory_space<vmem>>
      %dma_start3A_261 = arith.constant 0 : i32
      %dma_start3A_262 = arith.constant 0 : i32
      %dma_start3A_263 = tpu.memref_slice %arg17[%dma_start3A_261, %dma_start3A_262] : memref<10240x64xf32, #tpu.memory_space<vmem_shared>> -> memref<10240x64xf32, #tpu.memory_space<vmem_shared>>
      tpu.enqueue_indirect_dma source(%arg13 : memref<128x64xf32, #tpu.memory_space<vmem>>) target(%dma_start3A_263 : memref<10240x64xf32, #tpu.memory_space<vmem_shared>>) offsets(%dma_start3A_260 : memref<128xi32, #tpu.memory_space<vmem>>) semaphore(%arg30 : memref<!tpu.dma_semaphore, #tpu.memory_space<semaphore_mem>>) {add = true}
      %dma_wait3A_264 = arith.constant 5 : i32
      %dma_wait3A_265 = arith.constant 0 : i32
      %dma_wait3A_266 = arith.constant 0 : i32
      %dma_wait3A_267 = tpu.memref_slice %arg8[%dma_wait3A_264, %dma_wait3A_265, %dma_wait3A_266] : memref<8x2x128xi32, #tpu.memory_space<vmem>> -> memref<1x1x128xi32, #tpu.memory_space<vmem>>
      %dma_wait3A_268 = tpu.memref_squeeze %dma_wait3A_267 : memref<1x1x128xi32, #tpu.memory_space<vmem>> -> memref<128xi32, #tpu.memory_space<vmem>>
      %dma_wait3A_269 = arith.constant 0 : i32
      %dma_wait3A_270 = arith.constant 0 : i32
      %dma_wait3A_271 = tpu.memref_slice %arg2[%arg0, %dma_wait3A_269, %dma_wait3A_270] : memref<2x10240x64xf32, #tpu.memory_space<hbm>> -> memref<1x10240x64xf32, #tpu.memory_space<hbm>>
      %dma_wait3A_272 = tpu.memref_squeeze %dma_wait3A_271 : memref<1x10240x64xf32, #tpu.memory_space<hbm>> -> memref<10240x64xf32, #tpu.memory_space<hbm>>
      %dma_wait3A_273 = arith.constant 0 : i32
      %dma_wait3A_274 = arith.constant 0 : i32
      %dma_wait3A_275 = tpu.memref_slice %dma_wait3A_272[%dma_wait3A_273, %dma_wait3A_274] : memref<10240x64xf32, #tpu.memory_space<hbm>> -> memref<10240x64xf32, #tpu.memory_space<hbm>>
      tpu.wait_indirect_dma semaphore(%arg23 : memref<!tpu.dma_semaphore, #tpu.memory_space<semaphore_mem>>) src(%dma_wait3A_275 : memref<10240x64xf32, #tpu.memory_space<hbm>>) dst(%arg14 : memref<128x64xf32, #tpu.memory_space<vmem>>)
      %dma_start3A_276 = arith.constant 5 : i32
      %dma_start3A_277 = arith.constant 1 : i32
      %dma_start3A_278 = arith.constant 0 : i32
      %dma_start3A_279 = tpu.memref_slice %arg8[%dma_start3A_276, %dma_start3A_277, %dma_start3A_278] : memref<8x2x128xi32, #tpu.memory_space<vmem>> -> memref<1x1x128xi32, #tpu.memory_space<vmem>>
      %dma_start3A_280 = tpu.memref_squeeze %dma_start3A_279 : memref<1x1x128xi32, #tpu.memory_space<vmem>> -> memref<128xi32, #tpu.memory_space<vmem>>
      %dma_start3A_281 = arith.constant 0 : i32
      %dma_start3A_282 = arith.constant 0 : i32
      %dma_start3A_283 = tpu.memref_slice %arg17[%dma_start3A_281, %dma_start3A_282] : memref<10240x64xf32, #tpu.memory_space<vmem_shared>> -> memref<10240x64xf32, #tpu.memory_space<vmem_shared>>
      tpu.enqueue_indirect_dma source(%arg14 : memref<128x64xf32, #tpu.memory_space<vmem>>) target(%dma_start3A_283 : memref<10240x64xf32, #tpu.memory_space<vmem_shared>>) offsets(%dma_start3A_280 : memref<128xi32, #tpu.memory_space<vmem>>) semaphore(%arg31 : memref<!tpu.dma_semaphore, #tpu.memory_space<semaphore_mem>>) {add = true}
      %dma_wait3A_284 = arith.constant 6 : i32
      %dma_wait3A_285 = arith.constant 0 : i32
      %dma_wait3A_286 = arith.constant 0 : i32
      %dma_wait3A_287 = tpu.memref_slice %arg8[%dma_wait3A_284, %dma_wait3A_285, %dma_wait3A_286] : memref<8x2x128xi32, #tpu.memory_space<vmem>> -> memref<1x1x128xi32, #tpu.memory_space<vmem>>
      %dma_wait3A_288 = tpu.memref_squeeze %dma_wait3A_287 : memref<1x1x128xi32, #tpu.memory_space<vmem>> -> memref<128xi32, #tpu.memory_space<vmem>>
      %dma_wait3A_289 = arith.constant 0 : i32
      %dma_wait3A_290 = arith.constant 0 : i32
      %dma_wait3A_291 = tpu.memref_slice %arg2[%arg0, %dma_wait3A_289, %dma_wait3A_290] : memref<2x10240x64xf32, #tpu.memory_space<hbm>> -> memref<1x10240x64xf32, #tpu.memory_space<hbm>>
      %dma_wait3A_292 = tpu.memref_squeeze %dma_wait3A_291 : memref<1x10240x64xf32, #tpu.memory_space<hbm>> -> memref<10240x64xf32, #tpu.memory_space<hbm>>
      %dma_wait3A_293 = arith.constant 0 : i32
      %dma_wait3A_294 = arith.constant 0 : i32
      %dma_wait3A_295 = tpu.memref_slice %dma_wait3A_292[%dma_wait3A_293, %dma_wait3A_294] : memref<10240x64xf32, #tpu.memory_space<hbm>> -> memref<10240x64xf32, #tpu.memory_space<hbm>>
      tpu.wait_indirect_dma semaphore(%arg24 : memref<!tpu.dma_semaphore, #tpu.memory_space<semaphore_mem>>) src(%dma_wait3A_295 : memref<10240x64xf32, #tpu.memory_space<hbm>>) dst(%arg15 : memref<128x64xf32, #tpu.memory_space<vmem>>)
      %dma_start3A_296 = arith.constant 6 : i32
      %dma_start3A_297 = arith.constant 1 : i32
      %dma_start3A_298 = arith.constant 0 : i32
      %dma_start3A_299 = tpu.memref_slice %arg8[%dma_start3A_296, %dma_start3A_297, %dma_start3A_298] : memref<8x2x128xi32, #tpu.memory_space<vmem>> -> memref<1x1x128xi32, #tpu.memory_space<vmem>>
      %dma_start3A_300 = tpu.memref_squeeze %dma_start3A_299 : memref<1x1x128xi32, #tpu.memory_space<vmem>> -> memref<128xi32, #tpu.memory_space<vmem>>
      %dma_start3A_301 = arith.constant 0 : i32
      %dma_start3A_302 = arith.constant 0 : i32
      %dma_start3A_303 = tpu.memref_slice %arg17[%dma_start3A_301, %dma_start3A_302] : memref<10240x64xf32, #tpu.memory_space<vmem_shared>> -> memref<10240x64xf32, #tpu.memory_space<vmem_shared>>
      tpu.enqueue_indirect_dma source(%arg15 : memref<128x64xf32, #tpu.memory_space<vmem>>) target(%dma_start3A_303 : memref<10240x64xf32, #tpu.memory_space<vmem_shared>>) offsets(%dma_start3A_300 : memref<128xi32, #tpu.memory_space<vmem>>) semaphore(%arg32 : memref<!tpu.dma_semaphore, #tpu.memory_space<semaphore_mem>>) {add = true}
      %dma_wait3A_304 = arith.constant 7 : i32
      %dma_wait3A_305 = arith.constant 0 : i32
      %dma_wait3A_306 = arith.constant 0 : i32
      %dma_wait3A_307 = tpu.memref_slice %arg8[%dma_wait3A_304, %dma_wait3A_305, %dma_wait3A_306] : memref<8x2x128xi32, #tpu.memory_space<vmem>> -> memref<1x1x128xi32, #tpu.memory_space<vmem>>
      %dma_wait3A_308 = tpu.memref_squeeze %dma_wait3A_307 : memref<1x1x128xi32, #tpu.memory_space<vmem>> -> memref<128xi32, #tpu.memory_space<vmem>>
      %dma_wait3A_309 = arith.constant 0 : i32
      %dma_wait3A_310 = arith.constant 0 : i32
      %dma_wait3A_311 = tpu.memref_slice %arg2[%arg0, %dma_wait3A_309, %dma_wait3A_310] : memref<2x10240x64xf32, #tpu.memory_space<hbm>> -> memref<1x10240x64xf32, #tpu.memory_space<hbm>>
      %dma_wait3A_312 = tpu.memref_squeeze %dma_wait3A_311 : memref<1x10240x64xf32, #tpu.memory_space<hbm>> -> memref<10240x64xf32, #tpu.memory_space<hbm>>
      %dma_wait3A_313 = arith.constant 0 : i32
      %dma_wait3A_314 = arith.constant 0 : i32
      %dma_wait3A_315 = tpu.memref_slice %dma_wait3A_312[%dma_wait3A_313, %dma_wait3A_314] : memref<10240x64xf32, #tpu.memory_space<hbm>> -> memref<10240x64xf32, #tpu.memory_space<hbm>>
      tpu.wait_indirect_dma semaphore(%arg25 : memref<!tpu.dma_semaphore, #tpu.memory_space<semaphore_mem>>) src(%dma_wait3A_315 : memref<10240x64xf32, #tpu.memory_space<hbm>>) dst(%arg16 : memref<128x64xf32, #tpu.memory_space<vmem>>)
      %dma_start3A_316 = arith.constant 7 : i32
      %dma_start3A_317 = arith.constant 1 : i32
      %dma_start3A_318 = arith.constant 0 : i32
      %dma_start3A_319 = tpu.memref_slice %arg8[%dma_start3A_316, %dma_start3A_317, %dma_start3A_318] : memref<8x2x128xi32, #tpu.memory_space<vmem>> -> memref<1x1x128xi32, #tpu.memory_space<vmem>>
      %dma_start3A_320 = tpu.memref_squeeze %dma_start3A_319 : memref<1x1x128xi32, #tpu.memory_space<vmem>> -> memref<128xi32, #tpu.memory_space<vmem>>
      %dma_start3A_321 = arith.constant 0 : i32
      %dma_start3A_322 = arith.constant 0 : i32
      %dma_start3A_323 = tpu.memref_slice %arg17[%dma_start3A_321, %dma_start3A_322] : memref<10240x64xf32, #tpu.memory_space<vmem_shared>> -> memref<10240x64xf32, #tpu.memory_space<vmem_shared>>
      tpu.enqueue_indirect_dma source(%arg16 : memref<128x64xf32, #tpu.memory_space<vmem>>) target(%dma_start3A_323 : memref<10240x64xf32, #tpu.memory_space<vmem_shared>>) offsets(%dma_start3A_320 : memref<128xi32, #tpu.memory_space<vmem>>) semaphore(%arg33 : memref<!tpu.dma_semaphore, #tpu.memory_space<semaphore_mem>>) {add = true}
      %dma_wait3A_324 = arith.constant 0 : i32
      %dma_wait3A_325 = arith.constant 1 : i32
      %dma_wait3A_326 = arith.constant 0 : i32
      %dma_wait3A_327 = tpu.memref_slice %arg8[%dma_wait3A_324, %dma_wait3A_325, %dma_wait3A_326] : memref<8x2x128xi32, #tpu.memory_space<vmem>> -> memref<1x1x128xi32, #tpu.memory_space<vmem>>
      %dma_wait3A_328 = tpu.memref_squeeze %dma_wait3A_327 : memref<1x1x128xi32, #tpu.memory_space<vmem>> -> memref<128xi32, #tpu.memory_space<vmem>>
      %dma_wait3A_329 = arith.constant 0 : i32
      %dma_wait3A_330 = arith.constant 0 : i32
      %dma_wait3A_331 = tpu.memref_slice %arg17[%dma_wait3A_329, %dma_wait3A_330] : memref<10240x64xf32, #tpu.memory_space<vmem_shared>> -> memref<10240x64xf32, #tpu.memory_space<vmem_shared>>
      tpu.wait_indirect_dma semaphore(%arg26 : memref<!tpu.dma_semaphore, #tpu.memory_space<semaphore_mem>>) src(%arg9 : memref<128x64xf32, #tpu.memory_space<vmem>>) dst(%dma_wait3A_331 : memref<10240x64xf32, #tpu.memory_space<vmem_shared>>)
      %dma_wait3A_332 = arith.constant 1 : i32
      %dma_wait3A_333 = arith.constant 1 : i32
      %dma_wait3A_334 = arith.constant 0 : i32
      %dma_wait3A_335 = tpu.memref_slice %arg8[%dma_wait3A_332, %dma_wait3A_333, %dma_wait3A_334] : memref<8x2x128xi32, #tpu.memory_space<vmem>> -> memref<1x1x128xi32, #tpu.memory_space<vmem>>
      %dma_wait3A_336 = tpu.memref_squeeze %dma_wait3A_335 : memref<1x1x128xi32, #tpu.memory_space<vmem>> -> memref<128xi32, #tpu.memory_space<vmem>>
      %dma_wait3A_337 = arith.constant 0 : i32
      %dma_wait3A_338 = arith.constant 0 : i32
      %dma_wait3A_339 = tpu.memref_slice %arg17[%dma_wait3A_337, %dma_wait3A_338] : memref<10240x64xf32, #tpu.memory_space<vmem_shared>> -> memref<10240x64xf32, #tpu.memory_space<vmem_shared>>
      tpu.wait_indirect_dma semaphore(%arg27 : memref<!tpu.dma_semaphore, #tpu.memory_space<semaphore_mem>>) src(%arg10 : memref<128x64xf32, #tpu.memory_space<vmem>>) dst(%dma_wait3A_339 : memref<10240x64xf32, #tpu.memory_space<vmem_shared>>)
      %dma_wait3A_340 = arith.constant 2 : i32
      %dma_wait3A_341 = arith.constant 1 : i32
      %dma_wait3A_342 = arith.constant 0 : i32
      %dma_wait3A_343 = tpu.memref_slice %arg8[%dma_wait3A_340, %dma_wait3A_341, %dma_wait3A_342] : memref<8x2x128xi32, #tpu.memory_space<vmem>> -> memref<1x1x128xi32, #tpu.memory_space<vmem>>
      %dma_wait3A_344 = tpu.memref_squeeze %dma_wait3A_343 : memref<1x1x128xi32, #tpu.memory_space<vmem>> -> memref<128xi32, #tpu.memory_space<vmem>>
      %dma_wait3A_345 = arith.constant 0 : i32
      %dma_wait3A_346 = arith.constant 0 : i32
      %dma_wait3A_347 = tpu.memref_slice %arg17[%dma_wait3A_345, %dma_wait3A_346] : memref<10240x64xf32, #tpu.memory_space<vmem_shared>> -> memref<10240x64xf32, #tpu.memory_space<vmem_shared>>
      tpu.wait_indirect_dma semaphore(%arg28 : memref<!tpu.dma_semaphore, #tpu.memory_space<semaphore_mem>>) src(%arg11 : memref<128x64xf32, #tpu.memory_space<vmem>>) dst(%dma_wait3A_347 : memref<10240x64xf32, #tpu.memory_space<vmem_shared>>)
      %dma_wait3A_348 = arith.constant 3 : i32
      %dma_wait3A_349 = arith.constant 1 : i32
      %dma_wait3A_350 = arith.constant 0 : i32
      %dma_wait3A_351 = tpu.memref_slice %arg8[%dma_wait3A_348, %dma_wait3A_349, %dma_wait3A_350] : memref<8x2x128xi32, #tpu.memory_space<vmem>> -> memref<1x1x128xi32, #tpu.memory_space<vmem>>
      %dma_wait3A_352 = tpu.memref_squeeze %dma_wait3A_351 : memref<1x1x128xi32, #tpu.memory_space<vmem>> -> memref<128xi32, #tpu.memory_space<vmem>>
      %dma_wait3A_353 = arith.constant 0 : i32
      %dma_wait3A_354 = arith.constant 0 : i32
      %dma_wait3A_355 = tpu.memref_slice %arg17[%dma_wait3A_353, %dma_wait3A_354] : memref<10240x64xf32, #tpu.memory_space<vmem_shared>> -> memref<10240x64xf32, #tpu.memory_space<vmem_shared>>
      tpu.wait_indirect_dma semaphore(%arg29 : memref<!tpu.dma_semaphore, #tpu.memory_space<semaphore_mem>>) src(%arg12 : memref<128x64xf32, #tpu.memory_space<vmem>>) dst(%dma_wait3A_355 : memref<10240x64xf32, #tpu.memory_space<vmem_shared>>)
      %dma_wait3A_356 = arith.constant 4 : i32
      %dma_wait3A_357 = arith.constant 1 : i32
      %dma_wait3A_358 = arith.constant 0 : i32
      %dma_wait3A_359 = tpu.memref_slice %arg8[%dma_wait3A_356, %dma_wait3A_357, %dma_wait3A_358] : memref<8x2x128xi32, #tpu.memory_space<vmem>> -> memref<1x1x128xi32, #tpu.memory_space<vmem>>
      %dma_wait3A_360 = tpu.memref_squeeze %dma_wait3A_359 : memref<1x1x128xi32, #tpu.memory_space<vmem>> -> memref<128xi32, #tpu.memory_space<vmem>>
      %dma_wait3A_361 = arith.constant 0 : i32
      %dma_wait3A_362 = arith.constant 0 : i32
      %dma_wait3A_363 = tpu.memref_slice %arg17[%dma_wait3A_361, %dma_wait3A_362] : memref<10240x64xf32, #tpu.memory_space<vmem_shared>> -> memref<10240x64xf32, #tpu.memory_space<vmem_shared>>
      tpu.wait_indirect_dma semaphore(%arg30 : memref<!tpu.dma_semaphore, #tpu.memory_space<semaphore_mem>>) src(%arg13 : memref<128x64xf32, #tpu.memory_space<vmem>>) dst(%dma_wait3A_363 : memref<10240x64xf32, #tpu.memory_space<vmem_shared>>)
      %dma_wait3A_364 = arith.constant 5 : i32
      %dma_wait3A_365 = arith.constant 1 : i32
      %dma_wait3A_366 = arith.constant 0 : i32
      %dma_wait3A_367 = tpu.memref_slice %arg8[%dma_wait3A_364, %dma_wait3A_365, %dma_wait3A_366] : memref<8x2x128xi32, #tpu.memory_space<vmem>> -> memref<1x1x128xi32, #tpu.memory_space<vmem>>
      %dma_wait3A_368 = tpu.memref_squeeze %dma_wait3A_367 : memref<1x1x128xi32, #tpu.memory_space<vmem>> -> memref<128xi32, #tpu.memory_space<vmem>>
      %dma_wait3A_369 = arith.constant 0 : i32
      %dma_wait3A_370 = arith.constant 0 : i32
      %dma_wait3A_371 = tpu.memref_slice %arg17[%dma_wait3A_369, %dma_wait3A_370] : memref<10240x64xf32, #tpu.memory_space<vmem_shared>> -> memref<10240x64xf32, #tpu.memory_space<vmem_shared>>
      tpu.wait_indirect_dma semaphore(%arg31 : memref<!tpu.dma_semaphore, #tpu.memory_space<semaphore_mem>>) src(%arg14 : memref<128x64xf32, #tpu.memory_space<vmem>>) dst(%dma_wait3A_371 : memref<10240x64xf32, #tpu.memory_space<vmem_shared>>)
      %dma_wait3A_372 = arith.constant 6 : i32
      %dma_wait3A_373 = arith.constant 1 : i32
      %dma_wait3A_374 = arith.constant 0 : i32
      %dma_wait3A_375 = tpu.memref_slice %arg8[%dma_wait3A_372, %dma_wait3A_373, %dma_wait3A_374] : memref<8x2x128xi32, #tpu.memory_space<vmem>> -> memref<1x1x128xi32, #tpu.memory_space<vmem>>
      %dma_wait3A_376 = tpu.memref_squeeze %dma_wait3A_375 : memref<1x1x128xi32, #tpu.memory_space<vmem>> -> memref<128xi32, #tpu.memory_space<vmem>>
      %dma_wait3A_377 = arith.constant 0 : i32
      %dma_wait3A_378 = arith.constant 0 : i32
      %dma_wait3A_379 = tpu.memref_slice %arg17[%dma_wait3A_377, %dma_wait3A_378] : memref<10240x64xf32, #tpu.memory_space<vmem_shared>> -> memref<10240x64xf32, #tpu.memory_space<vmem_shared>>
      tpu.wait_indirect_dma semaphore(%arg32 : memref<!tpu.dma_semaphore, #tpu.memory_space<semaphore_mem>>) src(%arg15 : memref<128x64xf32, #tpu.memory_space<vmem>>) dst(%dma_wait3A_379 : memref<10240x64xf32, #tpu.memory_space<vmem_shared>>)
      %dma_wait3A_380 = arith.constant 7 : i32
      %dma_wait3A_381 = arith.constant 1 : i32
      %dma_wait3A_382 = arith.constant 0 : i32
      %dma_wait3A_383 = tpu.memref_slice %arg8[%dma_wait3A_380, %dma_wait3A_381, %dma_wait3A_382] : memref<8x2x128xi32, #tpu.memory_space<vmem>> -> memref<1x1x128xi32, #tpu.memory_space<vmem>>
      %dma_wait3A_384 = tpu.memref_squeeze %dma_wait3A_383 : memref<1x1x128xi32, #tpu.memory_space<vmem>> -> memref<128xi32, #tpu.memory_space<vmem>>
      %dma_wait3A_385 = arith.constant 0 : i32
      %dma_wait3A_386 = arith.constant 0 : i32
      %dma_wait3A_387 = tpu.memref_slice %arg17[%dma_wait3A_385, %dma_wait3A_386] : memref<10240x64xf32, #tpu.memory_space<vmem_shared>> -> memref<10240x64xf32, #tpu.memory_space<vmem_shared>>
      tpu.wait_indirect_dma semaphore(%arg33 : memref<!tpu.dma_semaphore, #tpu.memory_space<semaphore_mem>>) src(%arg16 : memref<128x64xf32, #tpu.memory_space<vmem>>) dst(%dma_wait3A_387 : memref<10240x64xf32, #tpu.memory_space<vmem_shared>>)
    }
    %scan3A_22 = arith.constant 20 : i32
    %barrier3A_23 = arith.constant 0 : index
    tpu.barrier barrier_id(%barrier3A_23)
    %mul3A_24 = arith.constant 640 : i32
    %mul3A_25 = arith.muli %arg1, %mul3A_24 : i32
    %add3A_26 = arith.constant 0 : i32
    %add3A_27 = arith.addi %mul3A_25, %add3A_26 : i32
    "tpu.region"() ({
      %run_scoped3A = tpu.sem_alloc : memref<!tpu.dma_semaphore, #tpu.memory_space<semaphore_mem>>
      %dma_start3A = arith.constant 0 : i32
      %dma_start3A_64 = tpu.memref_slice %arg17[%add3A_27, %dma_start3A] : memref<10240x64xf32, #tpu.memory_space<vmem_shared>> -> memref<128x64xf32, #tpu.memory_space<vmem_shared>>
      %dma_start3A_65 = arith.constant 0 : i32
      %dma_start3A_66 = tpu.memref_slice %arg17[%add3A_27, %dma_start3A_65] : memref<10240x64xf32, #tpu.memory_space<vmem_shared>> -> memref<128x64xf32, #tpu.memory_space<vmem_shared>>
      tpu.enqueue_dma source(%dma_start3A_66 : memref<128x64xf32, #tpu.memory_space<vmem_shared>>) target(%arg9 : memref<128x64xf32, #tpu.memory_space<vmem>>) target_semaphore(%run_scoped3A : memref<!tpu.dma_semaphore, #tpu.memory_space<semaphore_mem>>)
      %dma_wait3A = arith.constant 0 : i32
      %dma_wait3A_67 = tpu.memref_slice %arg17[%add3A_27, %dma_wait3A] : memref<10240x64xf32, #tpu.memory_space<vmem_shared>> -> memref<128x64xf32, #tpu.memory_space<vmem_shared>>
      %dma_wait3A_68 = arith.constant 0 : i32
      %dma_wait3A_69 = tpu.memref_slice %arg17[%add3A_27, %dma_wait3A_68] : memref<10240x64xf32, #tpu.memory_space<vmem_shared>> -> memref<128x64xf32, #tpu.memory_space<vmem_shared>>
      tpu.wait_dma2 semaphore(%run_scoped3A : memref<!tpu.dma_semaphore, #tpu.memory_space<semaphore_mem>>) src(%dma_wait3A_69 : memref<128x64xf32, #tpu.memory_space<vmem_shared>>) dst(%arg9 : memref<128x64xf32, #tpu.memory_space<vmem>>)
      tpu.yield
    }) : () -> ()
    %mul3A_28 = arith.constant 640 : i32
    %mul3A_29 = arith.muli %arg1, %mul3A_28 : i32
    %add3A_30 = arith.constant 0 : i32
    %add3A_31 = arith.addi %mul3A_29, %add3A_30 : i32
    "tpu.region"() ({
      %run_scoped3A = tpu.sem_alloc : memref<!tpu.dma_semaphore, #tpu.memory_space<semaphore_mem>>
      %dma_start3A = arith.constant 0 : i32
      %dma_start3A_64 = tpu.memref_slice %arg7[%arg0, %add3A_31, %dma_start3A] : memref<2x10240x64xf32, #tpu.memory_space<hbm>> -> memref<1x128x64xf32, #tpu.memory_space<hbm>>
      %dma_start3A_65 = tpu.memref_squeeze %dma_start3A_64 : memref<1x128x64xf32, #tpu.memory_space<hbm>> -> memref<128x64xf32, #tpu.memory_space<hbm>>
      %dma_start3A_66 = arith.constant 0 : i32
      %dma_start3A_67 = tpu.memref_slice %arg7[%arg0, %add3A_31, %dma_start3A_66] : memref<2x10240x64xf32, #tpu.memory_space<hbm>> -> memref<1x128x64xf32, #tpu.memory_space<hbm>>
      %dma_start3A_68 = tpu.memref_squeeze %dma_start3A_67 : memref<1x128x64xf32, #tpu.memory_space<hbm>> -> memref<128x64xf32, #tpu.memory_space<hbm>>
      tpu.enqueue_dma source(%arg9 : memref<128x64xf32, #tpu.memory_space<vmem>>) target(%dma_start3A_68 : memref<128x64xf32, #tpu.memory_space<hbm>>) target_semaphore(%run_scoped3A : memref<!tpu.dma_semaphore, #tpu.memory_space<semaphore_mem>>)
      %dma_wait3A = arith.constant 0 : i32
      %dma_wait3A_69 = tpu.memref_slice %arg7[%arg0, %add3A_31, %dma_wait3A] : memref<2x10240x64xf32, #tpu.memory_space<hbm>> -> memref<1x128x64xf32, #tpu.memory_space<hbm>>
      %dma_wait3A_70 = tpu.memref_squeeze %dma_wait3A_69 : memref<1x128x64xf32, #tpu.memory_space<hbm>> -> memref<128x64xf32, #tpu.memory_space<hbm>>
      %dma_wait3A_71 = arith.constant 0 : i32
      %dma_wait3A_72 = tpu.memref_slice %arg7[%arg0, %add3A_31, %dma_wait3A_71] : memref<2x10240x64xf32, #tpu.memory_space<hbm>> -> memref<1x128x64xf32, #tpu.memory_space<hbm>>
      %dma_wait3A_73 = tpu.memref_squeeze %dma_wait3A_72 : memref<1x128x64xf32, #tpu.memory_space<hbm>> -> memref<128x64xf32, #tpu.memory_space<hbm>>
      tpu.wait_dma2 semaphore(%run_scoped3A : memref<!tpu.dma_semaphore, #tpu.memory_space<semaphore_mem>>) src(%arg9 : memref<128x64xf32, #tpu.memory_space<vmem>>) dst(%dma_wait3A_73 : memref<128x64xf32, #tpu.memory_space<hbm>>)
      tpu.yield
    }) : () -> ()
    %mul3A_32 = arith.constant 640 : i32
    %mul3A_33 = arith.muli %arg1, %mul3A_32 : i32
    %add3A_34 = arith.constant 128 : i32
    %add3A_35 = arith.addi %mul3A_33, %add3A_34 : i32
    "tpu.region"() ({
      %run_scoped3A = tpu.sem_alloc : memref<!tpu.dma_semaphore, #tpu.memory_space<semaphore_mem>>
      %dma_start3A = arith.constant 0 : i32
      %dma_start3A_64 = tpu.memref_slice %arg17[%add3A_35, %dma_start3A] : memref<10240x64xf32, #tpu.memory_space<vmem_shared>> -> memref<128x64xf32, #tpu.memory_space<vmem_shared>>
      %dma_start3A_65 = arith.constant 0 : i32
      %dma_start3A_66 = tpu.memref_slice %arg17[%add3A_35, %dma_start3A_65] : memref<10240x64xf32, #tpu.memory_space<vmem_shared>> -> memref<128x64xf32, #tpu.memory_space<vmem_shared>>
      tpu.enqueue_dma source(%dma_start3A_66 : memref<128x64xf32, #tpu.memory_space<vmem_shared>>) target(%arg9 : memref<128x64xf32, #tpu.memory_space<vmem>>) target_semaphore(%run_scoped3A : memref<!tpu.dma_semaphore, #tpu.memory_space<semaphore_mem>>)
      %dma_wait3A = arith.constant 0 : i32
      %dma_wait3A_67 = tpu.memref_slice %arg17[%add3A_35, %dma_wait3A] : memref<10240x64xf32, #tpu.memory_space<vmem_shared>> -> memref<128x64xf32, #tpu.memory_space<vmem_shared>>
      %dma_wait3A_68 = arith.constant 0 : i32
      %dma_wait3A_69 = tpu.memref_slice %arg17[%add3A_35, %dma_wait3A_68] : memref<10240x64xf32, #tpu.memory_space<vmem_shared>> -> memref<128x64xf32, #tpu.memory_space<vmem_shared>>
      tpu.wait_dma2 semaphore(%run_scoped3A : memref<!tpu.dma_semaphore, #tpu.memory_space<semaphore_mem>>) src(%dma_wait3A_69 : memref<128x64xf32, #tpu.memory_space<vmem_shared>>) dst(%arg9 : memref<128x64xf32, #tpu.memory_space<vmem>>)
      tpu.yield
    }) : () -> ()
    %mul3A_36 = arith.constant 640 : i32
    %mul3A_37 = arith.muli %arg1, %mul3A_36 : i32
    %add3A_38 = arith.constant 128 : i32
    %add3A_39 = arith.addi %mul3A_37, %add3A_38 : i32
    "tpu.region"() ({
      %run_scoped3A = tpu.sem_alloc : memref<!tpu.dma_semaphore, #tpu.memory_space<semaphore_mem>>
      %dma_start3A = arith.constant 0 : i32
      %dma_start3A_64 = tpu.memref_slice %arg7[%arg0, %add3A_39, %dma_start3A] : memref<2x10240x64xf32, #tpu.memory_space<hbm>> -> memref<1x128x64xf32, #tpu.memory_space<hbm>>
      %dma_start3A_65 = tpu.memref_squeeze %dma_start3A_64 : memref<1x128x64xf32, #tpu.memory_space<hbm>> -> memref<128x64xf32, #tpu.memory_space<hbm>>
      %dma_start3A_66 = arith.constant 0 : i32
      %dma_start3A_67 = tpu.memref_slice %arg7[%arg0, %add3A_39, %dma_start3A_66] : memref<2x10240x64xf32, #tpu.memory_space<hbm>> -> memref<1x128x64xf32, #tpu.memory_space<hbm>>
      %dma_start3A_68 = tpu.memref_squeeze %dma_start3A_67 : memref<1x128x64xf32, #tpu.memory_space<hbm>> -> memref<128x64xf32, #tpu.memory_space<hbm>>
      tpu.enqueue_dma source(%arg9 : memref<128x64xf32, #tpu.memory_space<vmem>>) target(%dma_start3A_68 : memref<128x64xf32, #tpu.memory_space<hbm>>) target_semaphore(%run_scoped3A : memref<!tpu.dma_semaphore, #tpu.memory_space<semaphore_mem>>)
      %dma_wait3A = arith.constant 0 : i32
      %dma_wait3A_69 = tpu.memref_slice %arg7[%arg0, %add3A_39, %dma_wait3A] : memref<2x10240x64xf32, #tpu.memory_space<hbm>> -> memref<1x128x64xf32, #tpu.memory_space<hbm>>
      %dma_wait3A_70 = tpu.memref_squeeze %dma_wait3A_69 : memref<1x128x64xf32, #tpu.memory_space<hbm>> -> memref<128x64xf32, #tpu.memory_space<hbm>>
      %dma_wait3A_71 = arith.constant 0 : i32
      %dma_wait3A_72 = tpu.memref_slice %arg7[%arg0, %add3A_39, %dma_wait3A_71] : memref<2x10240x64xf32, #tpu.memory_space<hbm>> -> memref<1x128x64xf32, #tpu.memory_space<hbm>>
      %dma_wait3A_73 = tpu.memref_squeeze %dma_wait3A_72 : memref<1x128x64xf32, #tpu.memory_space<hbm>> -> memref<128x64xf32, #tpu.memory_space<hbm>>
      tpu.wait_dma2 semaphore(%run_scoped3A : memref<!tpu.dma_semaphore, #tpu.memory_space<semaphore_mem>>) src(%arg9 : memref<128x64xf32, #tpu.memory_space<vmem>>) dst(%dma_wait3A_73 : memref<128x64xf32, #tpu.memory_space<hbm>>)
      tpu.yield
    }) : () -> ()
    %mul3A_40 = arith.constant 640 : i32
    %mul3A_41 = arith.muli %arg1, %mul3A_40 : i32
    %add3A_42 = arith.constant 256 : i32
    %add3A_43 = arith.addi %mul3A_41, %add3A_42 : i32
    "tpu.region"() ({
      %run_scoped3A = tpu.sem_alloc : memref<!tpu.dma_semaphore, #tpu.memory_space<semaphore_mem>>
      %dma_start3A = arith.constant 0 : i32
      %dma_start3A_64 = tpu.memref_slice %arg17[%add3A_43, %dma_start3A] : memref<10240x64xf32, #tpu.memory_space<vmem_shared>> -> memref<128x64xf32, #tpu.memory_space<vmem_shared>>
      %dma_start3A_65 = arith.constant 0 : i32
      %dma_start3A_66 = tpu.memref_slice %arg17[%add3A_43, %dma_start3A_65] : memref<10240x64xf32, #tpu.memory_space<vmem_shared>> -> memref<128x64xf32, #tpu.memory_space<vmem_shared>>
      tpu.enqueue_dma source(%dma_start3A_66 : memref<128x64xf32, #tpu.memory_space<vmem_shared>>) target(%arg9 : memref<128x64xf32, #tpu.memory_space<vmem>>) target_semaphore(%run_scoped3A : memref<!tpu.dma_semaphore, #tpu.memory_space<semaphore_mem>>)
      %dma_wait3A = arith.constant 0 : i32
      %dma_wait3A_67 = tpu.memref_slice %arg17[%add3A_43, %dma_wait3A] : memref<10240x64xf32, #tpu.memory_space<vmem_shared>> -> memref<128x64xf32, #tpu.memory_space<vmem_shared>>
      %dma_wait3A_68 = arith.constant 0 : i32
      %dma_wait3A_69 = tpu.memref_slice %arg17[%add3A_43, %dma_wait3A_68] : memref<10240x64xf32, #tpu.memory_space<vmem_shared>> -> memref<128x64xf32, #tpu.memory_space<vmem_shared>>
      tpu.wait_dma2 semaphore(%run_scoped3A : memref<!tpu.dma_semaphore, #tpu.memory_space<semaphore_mem>>) src(%dma_wait3A_69 : memref<128x64xf32, #tpu.memory_space<vmem_shared>>) dst(%arg9 : memref<128x64xf32, #tpu.memory_space<vmem>>)
      tpu.yield
    }) : () -> ()
    %mul3A_44 = arith.constant 640 : i32
    %mul3A_45 = arith.muli %arg1, %mul3A_44 : i32
    %add3A_46 = arith.constant 256 : i32
    %add3A_47 = arith.addi %mul3A_45, %add3A_46 : i32
    "tpu.region"() ({
      %run_scoped3A = tpu.sem_alloc : memref<!tpu.dma_semaphore, #tpu.memory_space<semaphore_mem>>
      %dma_start3A = arith.constant 0 : i32
      %dma_start3A_64 = tpu.memref_slice %arg7[%arg0, %add3A_47, %dma_start3A] : memref<2x10240x64xf32, #tpu.memory_space<hbm>> -> memref<1x128x64xf32, #tpu.memory_space<hbm>>
      %dma_start3A_65 = tpu.memref_squeeze %dma_start3A_64 : memref<1x128x64xf32, #tpu.memory_space<hbm>> -> memref<128x64xf32, #tpu.memory_space<hbm>>
      %dma_start3A_66 = arith.constant 0 : i32
      %dma_start3A_67 = tpu.memref_slice %arg7[%arg0, %add3A_47, %dma_start3A_66] : memref<2x10240x64xf32, #tpu.memory_space<hbm>> -> memref<1x128x64xf32, #tpu.memory_space<hbm>>
      %dma_start3A_68 = tpu.memref_squeeze %dma_start3A_67 : memref<1x128x64xf32, #tpu.memory_space<hbm>> -> memref<128x64xf32, #tpu.memory_space<hbm>>
      tpu.enqueue_dma source(%arg9 : memref<128x64xf32, #tpu.memory_space<vmem>>) target(%dma_start3A_68 : memref<128x64xf32, #tpu.memory_space<hbm>>) target_semaphore(%run_scoped3A : memref<!tpu.dma_semaphore, #tpu.memory_space<semaphore_mem>>)
      %dma_wait3A = arith.constant 0 : i32
      %dma_wait3A_69 = tpu.memref_slice %arg7[%arg0, %add3A_47, %dma_wait3A] : memref<2x10240x64xf32, #tpu.memory_space<hbm>> -> memref<1x128x64xf32, #tpu.memory_space<hbm>>
      %dma_wait3A_70 = tpu.memref_squeeze %dma_wait3A_69 : memref<1x128x64xf32, #tpu.memory_space<hbm>> -> memref<128x64xf32, #tpu.memory_space<hbm>>
      %dma_wait3A_71 = arith.constant 0 : i32
      %dma_wait3A_72 = tpu.memref_slice %arg7[%arg0, %add3A_47, %dma_wait3A_71] : memref<2x10240x64xf32, #tpu.memory_space<hbm>> -> memref<1x128x64xf32, #tpu.memory_space<hbm>>
      %dma_wait3A_73 = tpu.memref_squeeze %dma_wait3A_72 : memref<1x128x64xf32, #tpu.memory_space<hbm>> -> memref<128x64xf32, #tpu.memory_space<hbm>>
      tpu.wait_dma2 semaphore(%run_scoped3A : memref<!tpu.dma_semaphore, #tpu.memory_space<semaphore_mem>>) src(%arg9 : memref<128x64xf32, #tpu.memory_space<vmem>>) dst(%dma_wait3A_73 : memref<128x64xf32, #tpu.memory_space<hbm>>)
      tpu.yield
    }) : () -> ()
    %mul3A_48 = arith.constant 640 : i32
    %mul3A_49 = arith.muli %arg1, %mul3A_48 : i32
    %add3A_50 = arith.constant 384 : i32
    %add3A_51 = arith.addi %mul3A_49, %add3A_50 : i32
    "tpu.region"() ({
      %run_scoped3A = tpu.sem_alloc : memref<!tpu.dma_semaphore, #tpu.memory_space<semaphore_mem>>
      %dma_start3A = arith.constant 0 : i32
      %dma_start3A_64 = tpu.memref_slice %arg17[%add3A_51, %dma_start3A] : memref<10240x64xf32, #tpu.memory_space<vmem_shared>> -> memref<128x64xf32, #tpu.memory_space<vmem_shared>>
      %dma_start3A_65 = arith.constant 0 : i32
      %dma_start3A_66 = tpu.memref_slice %arg17[%add3A_51, %dma_start3A_65] : memref<10240x64xf32, #tpu.memory_space<vmem_shared>> -> memref<128x64xf32, #tpu.memory_space<vmem_shared>>
      tpu.enqueue_dma source(%dma_start3A_66 : memref<128x64xf32, #tpu.memory_space<vmem_shared>>) target(%arg9 : memref<128x64xf32, #tpu.memory_space<vmem>>) target_semaphore(%run_scoped3A : memref<!tpu.dma_semaphore, #tpu.memory_space<semaphore_mem>>)
      %dma_wait3A = arith.constant 0 : i32
      %dma_wait3A_67 = tpu.memref_slice %arg17[%add3A_51, %dma_wait3A] : memref<10240x64xf32, #tpu.memory_space<vmem_shared>> -> memref<128x64xf32, #tpu.memory_space<vmem_shared>>
      %dma_wait3A_68 = arith.constant 0 : i32
      %dma_wait3A_69 = tpu.memref_slice %arg17[%add3A_51, %dma_wait3A_68] : memref<10240x64xf32, #tpu.memory_space<vmem_shared>> -> memref<128x64xf32, #tpu.memory_space<vmem_shared>>
      tpu.wait_dma2 semaphore(%run_scoped3A : memref<!tpu.dma_semaphore, #tpu.memory_space<semaphore_mem>>) src(%dma_wait3A_69 : memref<128x64xf32, #tpu.memory_space<vmem_shared>>) dst(%arg9 : memref<128x64xf32, #tpu.memory_space<vmem>>)
      tpu.yield
    }) : () -> ()
    %mul3A_52 = arith.constant 640 : i32
    %mul3A_53 = arith.muli %arg1, %mul3A_52 : i32
    %add3A_54 = arith.constant 384 : i32
    %add3A_55 = arith.addi %mul3A_53, %add3A_54 : i32
    "tpu.region"() ({
      %run_scoped3A = tpu.sem_alloc : memref<!tpu.dma_semaphore, #tpu.memory_space<semaphore_mem>>
      %dma_start3A = arith.constant 0 : i32
      %dma_start3A_64 = tpu.memref_slice %arg7[%arg0, %add3A_55, %dma_start3A] : memref<2x10240x64xf32, #tpu.memory_space<hbm>> -> memref<1x128x64xf32, #tpu.memory_space<hbm>>
      %dma_start3A_65 = tpu.memref_squeeze %dma_start3A_64 : memref<1x128x64xf32, #tpu.memory_space<hbm>> -> memref<128x64xf32, #tpu.memory_space<hbm>>
      %dma_start3A_66 = arith.constant 0 : i32
      %dma_start3A_67 = tpu.memref_slice %arg7[%arg0, %add3A_55, %dma_start3A_66] : memref<2x10240x64xf32, #tpu.memory_space<hbm>> -> memref<1x128x64xf32, #tpu.memory_space<hbm>>
      %dma_start3A_68 = tpu.memref_squeeze %dma_start3A_67 : memref<1x128x64xf32, #tpu.memory_space<hbm>> -> memref<128x64xf32, #tpu.memory_space<hbm>>
      tpu.enqueue_dma source(%arg9 : memref<128x64xf32, #tpu.memory_space<vmem>>) target(%dma_start3A_68 : memref<128x64xf32, #tpu.memory_space<hbm>>) target_semaphore(%run_scoped3A : memref<!tpu.dma_semaphore, #tpu.memory_space<semaphore_mem>>)
      %dma_wait3A = arith.constant 0 : i32
      %dma_wait3A_69 = tpu.memref_slice %arg7[%arg0, %add3A_55, %dma_wait3A] : memref<2x10240x64xf32, #tpu.memory_space<hbm>> -> memref<1x128x64xf32, #tpu.memory_space<hbm>>
      %dma_wait3A_70 = tpu.memref_squeeze %dma_wait3A_69 : memref<1x128x64xf32, #tpu.memory_space<hbm>> -> memref<128x64xf32, #tpu.memory_space<hbm>>
      %dma_wait3A_71 = arith.constant 0 : i32
      %dma_wait3A_72 = tpu.memref_slice %arg7[%arg0, %add3A_55, %dma_wait3A_71] : memref<2x10240x64xf32, #tpu.memory_space<hbm>> -> memref<1x128x64xf32, #tpu.memory_space<hbm>>
      %dma_wait3A_73 = tpu.memref_squeeze %dma_wait3A_72 : memref<1x128x64xf32, #tpu.memory_space<hbm>> -> memref<128x64xf32, #tpu.memory_space<hbm>>
      tpu.wait_dma2 semaphore(%run_scoped3A : memref<!tpu.dma_semaphore, #tpu.memory_space<semaphore_mem>>) src(%arg9 : memref<128x64xf32, #tpu.memory_space<vmem>>) dst(%dma_wait3A_73 : memref<128x64xf32, #tpu.memory_space<hbm>>)
      tpu.yield
    }) : () -> ()
    %mul3A_56 = arith.constant 640 : i32
    %mul3A_57 = arith.muli %arg1, %mul3A_56 : i32
    %add3A_58 = arith.constant 512 : i32
    %add3A_59 = arith.addi %mul3A_57, %add3A_58 : i32
    "tpu.region"() ({
      %run_scoped3A = tpu.sem_alloc : memref<!tpu.dma_semaphore, #tpu.memory_space<semaphore_mem>>
      %dma_start3A = arith.constant 0 : i32
      %dma_start3A_64 = tpu.memref_slice %arg17[%add3A_59, %dma_start3A] : memref<10240x64xf32, #tpu.memory_space<vmem_shared>> -> memref<128x64xf32, #tpu.memory_space<vmem_shared>>
      %dma_start3A_65 = arith.constant 0 : i32
      %dma_start3A_66 = tpu.memref_slice %arg17[%add3A_59, %dma_start3A_65] : memref<10240x64xf32, #tpu.memory_space<vmem_shared>> -> memref<128x64xf32, #tpu.memory_space<vmem_shared>>
      tpu.enqueue_dma source(%dma_start3A_66 : memref<128x64xf32, #tpu.memory_space<vmem_shared>>) target(%arg9 : memref<128x64xf32, #tpu.memory_space<vmem>>) target_semaphore(%run_scoped3A : memref<!tpu.dma_semaphore, #tpu.memory_space<semaphore_mem>>)
      %dma_wait3A = arith.constant 0 : i32
      %dma_wait3A_67 = tpu.memref_slice %arg17[%add3A_59, %dma_wait3A] : memref<10240x64xf32, #tpu.memory_space<vmem_shared>> -> memref<128x64xf32, #tpu.memory_space<vmem_shared>>
      %dma_wait3A_68 = arith.constant 0 : i32
      %dma_wait3A_69 = tpu.memref_slice %arg17[%add3A_59, %dma_wait3A_68] : memref<10240x64xf32, #tpu.memory_space<vmem_shared>> -> memref<128x64xf32, #tpu.memory_space<vmem_shared>>
      tpu.wait_dma2 semaphore(%run_scoped3A : memref<!tpu.dma_semaphore, #tpu.memory_space<semaphore_mem>>) src(%dma_wait3A_69 : memref<128x64xf32, #tpu.memory_space<vmem_shared>>) dst(%arg9 : memref<128x64xf32, #tpu.memory_space<vmem>>)
      tpu.yield
    }) : () -> ()
    %mul3A_60 = arith.constant 640 : i32
    %mul3A_61 = arith.muli %arg1, %mul3A_60 : i32
    %add3A_62 = arith.constant 512 : i32
    %add3A_63 = arith.addi %mul3A_61, %add3A_62 : i32
    "tpu.region"() ({
      %run_scoped3A = tpu.sem_alloc : memref<!tpu.dma_semaphore, #tpu.memory_space<semaphore_mem>>
      %dma_start3A = arith.constant 0 : i32
      %dma_start3A_64 = tpu.memref_slice %arg7[%arg0, %add3A_63, %dma_start3A] : memref<2x10240x64xf32, #tpu.memory_space<hbm>> -> memref<1x128x64xf32, #tpu.memory_space<hbm>>
      %dma_start3A_65 = tpu.memref_squeeze %dma_start3A_64 : memref<1x128x64xf32, #tpu.memory_space<hbm>> -> memref<128x64xf32, #tpu.memory_space<hbm>>
      %dma_start3A_66 = arith.constant 0 : i32
      %dma_start3A_67 = tpu.memref_slice %arg7[%arg0, %add3A_63, %dma_start3A_66] : memref<2x10240x64xf32, #tpu.memory_space<hbm>> -> memref<1x128x64xf32, #tpu.memory_space<hbm>>
      %dma_start3A_68 = tpu.memref_squeeze %dma_start3A_67 : memref<1x128x64xf32, #tpu.memory_space<hbm>> -> memref<128x64xf32, #tpu.memory_space<hbm>>
      tpu.enqueue_dma source(%arg9 : memref<128x64xf32, #tpu.memory_space<vmem>>) target(%dma_start3A_68 : memref<128x64xf32, #tpu.memory_space<hbm>>) target_semaphore(%run_scoped3A : memref<!tpu.dma_semaphore, #tpu.memory_space<semaphore_mem>>)
      %dma_wait3A = arith.constant 0 : i32
      %dma_wait3A_69 = tpu.memref_slice %arg7[%arg0, %add3A_63, %dma_wait3A] : memref<2x10240x64xf32, #tpu.memory_space<hbm>> -> memref<1x128x64xf32, #tpu.memory_space<hbm>>
      %dma_wait3A_70 = tpu.memref_squeeze %dma_wait3A_69 : memref<1x128x64xf32, #tpu.memory_space<hbm>> -> memref<128x64xf32, #tpu.memory_space<hbm>>
      %dma_wait3A_71 = arith.constant 0 : i32
      %dma_wait3A_72 = tpu.memref_slice %arg7[%arg0, %add3A_63, %dma_wait3A_71] : memref<2x10240x64xf32, #tpu.memory_space<hbm>> -> memref<1x128x64xf32, #tpu.memory_space<hbm>>
      %dma_wait3A_73 = tpu.memref_squeeze %dma_wait3A_72 : memref<1x128x64xf32, #tpu.memory_space<hbm>> -> memref<128x64xf32, #tpu.memory_space<hbm>>
      tpu.wait_dma2 semaphore(%run_scoped3A : memref<!tpu.dma_semaphore, #tpu.memory_space<semaphore_mem>>) src(%arg9 : memref<128x64xf32, #tpu.memory_space<vmem>>) dst(%dma_wait3A_73 : memref<128x64xf32, #tpu.memory_space<hbm>>)
      tpu.yield
    }) : () -> ()
    return
  }
}

module attributes {stable_mosaic.version = 14 : i64} {
  func.func @_combine_body(%arg0: i32, %arg1: memref<2x512x64xf32, #tpu.memory_space<vmem>>, %arg2: memref<2x512x16xf32, #tpu.memory_space<vmem>>, %arg3: memref<2x512x64xf32, #tpu.memory_space<vmem>>, %arg4: memref<128x128xf32, #tpu.memory_space<vmem>>, %arg5: memref<128x128xf32, #tpu.memory_space<vmem>>, %arg6: memref<1x128xf32, #tpu.memory_space<vmem>>, %arg7: memref<512x128xf32, #tpu.memory_space<vmem>>, %arg8: memref<2x512x64xf32, #tpu.memory_space<vmem>>) attributes {dimension_semantics = [#tpu.dimension_semantics<arbitrary>], iteration_bounds = array<i64: 20>, scalar_prefetch = 0 : i64, scratch_operands = 0 : i64, tpu.core_type = #tpu.core_type<tc>, window_params = [{transform_indices = @transform_0, window_bounds = array<i64: 2, 512, 64>}, {transform_indices = @transform_1, window_bounds = array<i64: 2, 512, 16>}, {transform_indices = @transform_2, window_bounds = array<i64: 2, 512, 64>}, {pipeline_mode = #tpu.pipeline_mode<synchronous>, transform_indices = @transform_3, window_bounds = array<i64: 128, 128>}, {pipeline_mode = #tpu.pipeline_mode<synchronous>, transform_indices = @transform_4, window_bounds = array<i64: 128, 128>}, {pipeline_mode = #tpu.pipeline_mode<synchronous>, transform_indices = @transform_5, window_bounds = array<i64: 1, 128>}, {transform_indices = @transform_6, window_bounds = array<i64: 512, 128>}, {transform_indices = @transform_7, window_bounds = array<i64: 2, 512, 64>}]} {
    %get3A = arith.constant 0 : index
    %get3A_0 = arith.constant 0 : index
    %get3A_1 = arith.constant 0 : index
    %get3A_2 = vector.load %arg2[%get3A, %get3A_0, %get3A_1] : memref<2x512x16xf32, #tpu.memory_space<vmem>>, vector<1x512x1xf32>
    %get3A_3 = vector.shape_cast %get3A_2 : vector<1x512x1xf32> to vector<512xf32>
    %max3A = arith.constant 1.000000e+00 : f32
    %max3A_4 = vector.broadcast %max3A : f32 to vector<512xf32>
    %max3A_5 = arith.maximumf %get3A_3, %max3A_4 : vector<512xf32>
    %div3A = arith.constant 1.000000e+00 : f32
    %div3A_6 = vector.broadcast %div3A : f32 to vector<512xf32>
    %div3A_7 = arith.divf %div3A_6, %max3A_5 : vector<512xf32>
    %get3A_8 = arith.constant 0 : index
    %get3A_9 = arith.constant 0 : index
    %get3A_10 = arith.constant 0 : index
    %get3A_11 = vector.load %arg1[%get3A_8, %get3A_9, %get3A_10] : memref<2x512x64xf32, #tpu.memory_space<vmem>>, vector<1x512x64xf32>
    %get3A_12 = vector.shape_cast %get3A_11 : vector<1x512x64xf32> to vector<512x64xf32>
    %broadcast_in_dim3A = vector.shape_cast %div3A_7 : vector<512xf32> to vector<512x1xf32>
    %mul3A = vector.broadcast %broadcast_in_dim3A : vector<512x1xf32> to vector<512x64xf32>
    %mul3A_13 = arith.mulf %get3A_12, %mul3A : vector<512x64xf32>
    %get3A_14 = arith.constant 1 : index
    %get3A_15 = arith.constant 0 : index
    %get3A_16 = arith.constant 0 : index
    %get3A_17 = vector.load %arg1[%get3A_14, %get3A_15, %get3A_16] : memref<2x512x64xf32, #tpu.memory_space<vmem>>, vector<1x512x64xf32>
    %get3A_18 = vector.shape_cast %get3A_17 : vector<1x512x64xf32> to vector<512x64xf32>
    %broadcast_in_dim3A_19 = vector.shape_cast %div3A_7 : vector<512xf32> to vector<512x1xf32>
    %mul3A_20 = vector.broadcast %broadcast_in_dim3A_19 : vector<512x1xf32> to vector<512x64xf32>
    %mul3A_21 = arith.mulf %get3A_18, %mul3A_20 : vector<512x64xf32>
    %concatenate3A = tpu.concatenate %mul3A_13, %mul3A_21 in 1 : vector<512x64xf32>, vector<512x64xf32> -> vector<512x128xf32>
    %get3A_22 = arith.constant 0 : index
    %get3A_23 = arith.constant 0 : index
    %get3A_24 = arith.constant 0 : index
    %get3A_25 = vector.load %arg3[%get3A_22, %get3A_23, %get3A_24] : memref<2x512x64xf32, #tpu.memory_space<vmem>>, vector<1x512x64xf32>
    %get3A_26 = vector.shape_cast %get3A_25 : vector<1x512x64xf32> to vector<512x64xf32>
    %get3A_27 = arith.constant 1 : index
    %get3A_28 = arith.constant 0 : index
    %get3A_29 = arith.constant 0 : index
    %get3A_30 = vector.load %arg3[%get3A_27, %get3A_28, %get3A_29] : memref<2x512x64xf32, #tpu.memory_space<vmem>>, vector<1x512x64xf32>
    %get3A_31 = vector.shape_cast %get3A_30 : vector<1x512x64xf32> to vector<512x64xf32>
    %concatenate3A_32 = tpu.concatenate %get3A_26, %get3A_31 in 1 : vector<512x64xf32>, vector<512x64xf32> -> vector<512x128xf32>
    %get3A_33 = arith.constant 0 : index
    %get3A_34 = arith.constant 0 : index
    %get3A_35 = vector.load %arg4[%get3A_33, %get3A_34] : memref<128x128xf32, #tpu.memory_space<vmem>>, vector<128x128xf32>
    %dot_general3A = arith.constant dense<0.000000e+00> : vector<512x128xf32>
    %dot_general3A_36 = tpu.matmul %concatenate3A, %get3A_35, %dot_general3A {dimension_numbers = #tpu.dot_dimension_numbers<[1], [0], [0], [1], [0, 0, 1, 1], [], []>, transpose_lhs_hint = false} : vector<512x128xf32>, vector<128x128xf32>, vector<512x128xf32> -> vector<512x128xf32>
    %get3A_37 = arith.constant 0 : index
    %get3A_38 = arith.constant 0 : index
    %get3A_39 = vector.load %arg5[%get3A_37, %get3A_38] : memref<128x128xf32, #tpu.memory_space<vmem>>, vector<128x128xf32>
    %dot_general3A_40 = arith.constant dense<0.000000e+00> : vector<512x128xf32>
    %dot_general3A_41 = tpu.matmul %concatenate3A_32, %get3A_39, %dot_general3A_40 {dimension_numbers = #tpu.dot_dimension_numbers<[1], [0], [0], [1], [0, 0, 1, 1], [], []>, transpose_lhs_hint = false} : vector<512x128xf32>, vector<128x128xf32>, vector<512x128xf32> -> vector<512x128xf32>
    %add3A = arith.addf %dot_general3A_36, %dot_general3A_41 : vector<512x128xf32>
    %get3A_42 = arith.constant 0 : index
    %get3A_43 = arith.constant 0 : index
    %get3A_44 = vector.load %arg6[%get3A_42, %get3A_43] : memref<1x128xf32, #tpu.memory_space<vmem>>, vector<1x128xf32>
    %add3A_45 = vector.broadcast %get3A_44 : vector<1x128xf32> to vector<512x128xf32>
    %add3A_46 = arith.addf %add3A, %add3A_45 : vector<512x128xf32>
    %max3A_47 = arith.constant 0.000000e+00 : f32
    %max3A_48 = vector.broadcast %max3A_47 : f32 to vector<512x128xf32>
    %max3A_49 = arith.maximumf %add3A_46, %max3A_48 : vector<512x128xf32>
    %swap3A = arith.constant 0 : index
    %swap3A_50 = arith.constant 0 : index
    %swap3A_51 = vector.load %arg7[%swap3A, %swap3A_50] : memref<512x128xf32, #tpu.memory_space<vmem>>, vector<512x128xf32>
    tpu.vector_store %arg7[%swap3A, %swap3A_50], %max3A_49 {strides = array<i32>} : memref<512x128xf32, #tpu.memory_space<vmem>>, vector<512x128xf32>,
    %slice3A = vector.extract_strided_slice %max3A_49 {offsets = [0, 0], sizes = [512, 64], strides = [1, 1]} : vector<512x128xf32> to vector<512x64xf32>
    %swap3A_52 = arith.constant 0 : index
    %swap3A_53 = arith.constant 0 : index
    %swap3A_54 = arith.constant 0 : index
    %swap3A_55 = vector.load %arg8[%swap3A_52, %swap3A_53, %swap3A_54] : memref<2x512x64xf32, #tpu.memory_space<vmem>>, vector<1x512x64xf32>
    %swap3A_56 = vector.shape_cast %swap3A_55 : vector<1x512x64xf32> to vector<512x64xf32>
    %swap3A_57 = vector.shape_cast %slice3A : vector<512x64xf32> to vector<1x512x64xf32>
    tpu.vector_store %arg8[%swap3A_52, %swap3A_53, %swap3A_54], %swap3A_57 {strides = array<i32>} : memref<2x512x64xf32, #tpu.memory_space<vmem>>, vector<1x512x64xf32>,
    %slice3A_58 = vector.extract_strided_slice %max3A_49 {offsets = [0, 64], sizes = [512, 64], strides = [1, 1]} : vector<512x128xf32> to vector<512x64xf32>
    %swap3A_59 = arith.constant 1 : index
    %swap3A_60 = arith.constant 0 : index
    %swap3A_61 = arith.constant 0 : index
    %swap3A_62 = vector.load %arg8[%swap3A_59, %swap3A_60, %swap3A_61] : memref<2x512x64xf32, #tpu.memory_space<vmem>>, vector<1x512x64xf32>
    %swap3A_63 = vector.shape_cast %swap3A_62 : vector<1x512x64xf32> to vector<512x64xf32>
    %swap3A_64 = vector.shape_cast %slice3A_58 : vector<512x64xf32> to vector<1x512x64xf32>
    tpu.vector_store %arg8[%swap3A_59, %swap3A_60, %swap3A_61], %swap3A_64 {strides = array<i32>} : memref<2x512x64xf32, #tpu.memory_space<vmem>>, vector<1x512x64xf32>,
    return
  }
  func.func @transform_0(%arg0: i32) -> (i32, i32, i32) {
    %c0_i32 = arith.constant 0 : i32
    %c0_i32_0 = arith.constant 0 : i32
    %c0_i32_1 = arith.constant 0 : i32
    return %c0_i32, %arg0, %c0_i32_0 : i32, i32, i32
  }
  func.func @transform_1(%arg0: i32) -> (i32, i32, i32) {
    %c0_i32 = arith.constant 0 : i32
    %c0_i32_0 = arith.constant 0 : i32
    %c0_i32_1 = arith.constant 0 : i32
    return %c0_i32, %arg0, %c0_i32_0 : i32, i32, i32
  }
  func.func @transform_2(%arg0: i32) -> (i32, i32, i32) {
    %c0_i32 = arith.constant 0 : i32
    %c0_i32_0 = arith.constant 0 : i32
    %c0_i32_1 = arith.constant 0 : i32
    return %c0_i32, %arg0, %c0_i32_0 : i32, i32, i32
  }
  func.func @transform_3(%arg0: i32) -> (i32, i32) {
    %c0_i32 = arith.constant 0 : i32
    %c0_i32_0 = arith.constant 0 : i32
    %c0_i32_1 = arith.constant 0 : i32
    return %c0_i32, %c0_i32_0 : i32, i32
  }
  func.func @transform_4(%arg0: i32) -> (i32, i32) {
    %c0_i32 = arith.constant 0 : i32
    %c0_i32_0 = arith.constant 0 : i32
    %c0_i32_1 = arith.constant 0 : i32
    return %c0_i32, %c0_i32_0 : i32, i32
  }
  func.func @transform_5(%arg0: i32) -> (i32, i32) {
    %c0_i32 = arith.constant 0 : i32
    %c0_i32_0 = arith.constant 0 : i32
    %c0_i32_1 = arith.constant 0 : i32
    return %c0_i32, %c0_i32_0 : i32, i32
  }
  func.func @transform_6(%arg0: i32) -> (i32, i32) {
    %c0_i32 = arith.constant 0 : i32
    %c0_i32_0 = arith.constant 0 : i32
    return %arg0, %c0_i32 : i32, i32
  }
  func.func @transform_7(%arg0: i32) -> (i32, i32, i32) {
    %c0_i32 = arith.constant 0 : i32
    %c0_i32_0 = arith.constant 0 : i32
    %c0_i32_1 = arith.constant 0 : i32
    return %c0_i32, %arg0, %c0_i32_0 : i32, i32, i32
  }
}

module attributes {stable_mosaic.version = 14 : i64} {
  func.func @_combine_body(%arg0: i32, %arg1: memref<2x512x64xf32, #tpu.memory_space<vmem>>, %arg2: memref<2x512x16xf32, #tpu.memory_space<vmem>>, %arg3: memref<2x512x64xf32, #tpu.memory_space<vmem>>, %arg4: memref<128x128xf32, #tpu.memory_space<vmem>>, %arg5: memref<128x128xf32, #tpu.memory_space<vmem>>, %arg6: memref<1x128xf32, #tpu.memory_space<vmem>>, %arg7: memref<512x128xf32, #tpu.memory_space<vmem>>, %arg8: memref<2x512x64xf32, #tpu.memory_space<vmem>>) attributes {dimension_semantics = [#tpu.dimension_semantics<arbitrary>], iteration_bounds = array<i64: 20>, scalar_prefetch = 0 : i64, scratch_operands = 0 : i64, tpu.core_type = #tpu.core_type<tc>, window_params = [{transform_indices = @transform_0, window_bounds = array<i64: 2, 512, 64>}, {transform_indices = @transform_1, window_bounds = array<i64: 2, 512, 16>}, {transform_indices = @transform_2, window_bounds = array<i64: 2, 512, 64>}, {pipeline_mode = #tpu.pipeline_mode<synchronous>, transform_indices = @transform_3, window_bounds = array<i64: 128, 128>}, {pipeline_mode = #tpu.pipeline_mode<synchronous>, transform_indices = @transform_4, window_bounds = array<i64: 128, 128>}, {pipeline_mode = #tpu.pipeline_mode<synchronous>, transform_indices = @transform_5, window_bounds = array<i64: 1, 128>}, {transform_indices = @transform_6, window_bounds = array<i64: 512, 128>}, {transform_indices = @transform_7, window_bounds = array<i64: 2, 512, 64>}]} {
    %get3A = arith.constant 0 : index
    %get3A_0 = arith.constant 0 : index
    %get3A_1 = arith.constant 0 : index
    %get3A_2 = vector.load %arg2[%get3A, %get3A_0, %get3A_1] : memref<2x512x16xf32, #tpu.memory_space<vmem>>, vector<1x512x1xf32>
    %get3A_3 = vector.shape_cast %get3A_2 : vector<1x512x1xf32> to vector<512xf32>
    %max3A = arith.constant 1.000000e+00 : f32
    %max3A_4 = vector.broadcast %max3A : f32 to vector<512xf32>
    %max3A_5 = arith.maximumf %get3A_3, %max3A_4 : vector<512xf32>
    %div3A = arith.constant 1.000000e+00 : f32
    %div3A_6 = vector.broadcast %div3A : f32 to vector<512xf32>
    %div3A_7 = arith.divf %div3A_6, %max3A_5 : vector<512xf32>
    %get3A_8 = arith.constant 0 : index
    %get3A_9 = arith.constant 0 : index
    %get3A_10 = arith.constant 0 : index
    %get3A_11 = vector.load %arg1[%get3A_8, %get3A_9, %get3A_10] : memref<2x512x64xf32, #tpu.memory_space<vmem>>, vector<1x512x64xf32>
    %get3A_12 = vector.shape_cast %get3A_11 : vector<1x512x64xf32> to vector<512x64xf32>
    %broadcast_in_dim3A = vector.shape_cast %div3A_7 : vector<512xf32> to vector<512x1xf32>
    %mul3A = vector.broadcast %broadcast_in_dim3A : vector<512x1xf32> to vector<512x64xf32>
    %mul3A_13 = arith.mulf %get3A_12, %mul3A : vector<512x64xf32>
    %get3A_14 = arith.constant 1 : index
    %get3A_15 = arith.constant 0 : index
    %get3A_16 = arith.constant 0 : index
    %get3A_17 = vector.load %arg1[%get3A_14, %get3A_15, %get3A_16] : memref<2x512x64xf32, #tpu.memory_space<vmem>>, vector<1x512x64xf32>
    %get3A_18 = vector.shape_cast %get3A_17 : vector<1x512x64xf32> to vector<512x64xf32>
    %broadcast_in_dim3A_19 = vector.shape_cast %div3A_7 : vector<512xf32> to vector<512x1xf32>
    %mul3A_20 = vector.broadcast %broadcast_in_dim3A_19 : vector<512x1xf32> to vector<512x64xf32>
    %mul3A_21 = arith.mulf %get3A_18, %mul3A_20 : vector<512x64xf32>
    %concatenate3A = tpu.concatenate %mul3A_13, %mul3A_21 in 1 : vector<512x64xf32>, vector<512x64xf32> -> vector<512x128xf32>
    %get3A_22 = arith.constant 0 : index
    %get3A_23 = arith.constant 0 : index
    %get3A_24 = arith.constant 0 : index
    %get3A_25 = vector.load %arg3[%get3A_22, %get3A_23, %get3A_24] : memref<2x512x64xf32, #tpu.memory_space<vmem>>, vector<1x512x64xf32>
    %get3A_26 = vector.shape_cast %get3A_25 : vector<1x512x64xf32> to vector<512x64xf32>
    %get3A_27 = arith.constant 1 : index
    %get3A_28 = arith.constant 0 : index
    %get3A_29 = arith.constant 0 : index
    %get3A_30 = vector.load %arg3[%get3A_27, %get3A_28, %get3A_29] : memref<2x512x64xf32, #tpu.memory_space<vmem>>, vector<1x512x64xf32>
    %get3A_31 = vector.shape_cast %get3A_30 : vector<1x512x64xf32> to vector<512x64xf32>
    %concatenate3A_32 = tpu.concatenate %get3A_26, %get3A_31 in 1 : vector<512x64xf32>, vector<512x64xf32> -> vector<512x128xf32>
    %get3A_33 = arith.constant 0 : index
    %get3A_34 = arith.constant 0 : index
    %get3A_35 = vector.load %arg4[%get3A_33, %get3A_34] : memref<128x128xf32, #tpu.memory_space<vmem>>, vector<128x128xf32>
    %dot_general3A = arith.constant dense<0.000000e+00> : vector<512x128xf32>
    %dot_general3A_36 = tpu.matmul %concatenate3A, %get3A_35, %dot_general3A {dimension_numbers = #tpu.dot_dimension_numbers<[1], [0], [0], [1], [0, 0, 1, 1], [], []>, transpose_lhs_hint = false} : vector<512x128xf32>, vector<128x128xf32>, vector<512x128xf32> -> vector<512x128xf32>
    %get3A_37 = arith.constant 0 : index
    %get3A_38 = arith.constant 0 : index
    %get3A_39 = vector.load %arg5[%get3A_37, %get3A_38] : memref<128x128xf32, #tpu.memory_space<vmem>>, vector<128x128xf32>
    %dot_general3A_40 = arith.constant dense<0.000000e+00> : vector<512x128xf32>
    %dot_general3A_41 = tpu.matmul %concatenate3A_32, %get3A_39, %dot_general3A_40 {dimension_numbers = #tpu.dot_dimension_numbers<[1], [0], [0], [1], [0, 0, 1, 1], [], []>, transpose_lhs_hint = false} : vector<512x128xf32>, vector<128x128xf32>, vector<512x128xf32> -> vector<512x128xf32>
    %add3A = arith.addf %dot_general3A_36, %dot_general3A_41 : vector<512x128xf32>
    %get3A_42 = arith.constant 0 : index
    %get3A_43 = arith.constant 0 : index
    %get3A_44 = vector.load %arg6[%get3A_42, %get3A_43] : memref<1x128xf32, #tpu.memory_space<vmem>>, vector<1x128xf32>
    %add3A_45 = vector.broadcast %get3A_44 : vector<1x128xf32> to vector<512x128xf32>
    %add3A_46 = arith.addf %add3A, %add3A_45 : vector<512x128xf32>
    %swap3A = arith.constant 0 : index
    %swap3A_47 = arith.constant 0 : index
    %swap3A_48 = vector.load %arg7[%swap3A, %swap3A_47] : memref<512x128xf32, #tpu.memory_space<vmem>>, vector<512x128xf32>
    tpu.vector_store %arg7[%swap3A, %swap3A_47], %add3A_46 {strides = array<i32>} : memref<512x128xf32, #tpu.memory_space<vmem>>, vector<512x128xf32>,
    %slice3A = vector.extract_strided_slice %add3A_46 {offsets = [0, 0], sizes = [512, 64], strides = [1, 1]} : vector<512x128xf32> to vector<512x64xf32>
    %swap3A_49 = arith.constant 0 : index
    %swap3A_50 = arith.constant 0 : index
    %swap3A_51 = arith.constant 0 : index
    %swap3A_52 = vector.load %arg8[%swap3A_49, %swap3A_50, %swap3A_51] : memref<2x512x64xf32, #tpu.memory_space<vmem>>, vector<1x512x64xf32>
    %swap3A_53 = vector.shape_cast %swap3A_52 : vector<1x512x64xf32> to vector<512x64xf32>
    %swap3A_54 = vector.shape_cast %slice3A : vector<512x64xf32> to vector<1x512x64xf32>
    tpu.vector_store %arg8[%swap3A_49, %swap3A_50, %swap3A_51], %swap3A_54 {strides = array<i32>} : memref<2x512x64xf32, #tpu.memory_space<vmem>>, vector<1x512x64xf32>,
    %slice3A_55 = vector.extract_strided_slice %add3A_46 {offsets = [0, 64], sizes = [512, 64], strides = [1, 1]} : vector<512x128xf32> to vector<512x64xf32>
    %swap3A_56 = arith.constant 1 : index
    %swap3A_57 = arith.constant 0 : index
    %swap3A_58 = arith.constant 0 : index
    %swap3A_59 = vector.load %arg8[%swap3A_56, %swap3A_57, %swap3A_58] : memref<2x512x64xf32, #tpu.memory_space<vmem>>, vector<1x512x64xf32>
    %swap3A_60 = vector.shape_cast %swap3A_59 : vector<1x512x64xf32> to vector<512x64xf32>
    %swap3A_61 = vector.shape_cast %slice3A_55 : vector<512x64xf32> to vector<1x512x64xf32>
    tpu.vector_store %arg8[%swap3A_56, %swap3A_57, %swap3A_58], %swap3A_61 {strides = array<i32>} : memref<2x512x64xf32, #tpu.memory_space<vmem>>, vector<1x512x64xf32>,
    return
  }
  func.func @transform_0(%arg0: i32) -> (i32, i32, i32) {
    %c0_i32 = arith.constant 0 : i32
    %c0_i32_0 = arith.constant 0 : i32
    %c0_i32_1 = arith.constant 0 : i32
    return %c0_i32, %arg0, %c0_i32_0 : i32, i32, i32
  }
  func.func @transform_1(%arg0: i32) -> (i32, i32, i32) {
    %c0_i32 = arith.constant 0 : i32
    %c0_i32_0 = arith.constant 0 : i32
    %c0_i32_1 = arith.constant 0 : i32
    return %c0_i32, %arg0, %c0_i32_0 : i32, i32, i32
  }
  func.func @transform_2(%arg0: i32) -> (i32, i32, i32) {
    %c0_i32 = arith.constant 0 : i32
    %c0_i32_0 = arith.constant 0 : i32
    %c0_i32_1 = arith.constant 0 : i32
    return %c0_i32, %arg0, %c0_i32_0 : i32, i32, i32
  }
  func.func @transform_3(%arg0: i32) -> (i32, i32) {
    %c0_i32 = arith.constant 0 : i32
    %c0_i32_0 = arith.constant 0 : i32
    %c0_i32_1 = arith.constant 0 : i32
    return %c0_i32, %c0_i32_0 : i32, i32
  }
  func.func @transform_4(%arg0: i32) -> (i32, i32) {
    %c0_i32 = arith.constant 0 : i32
    %c0_i32_0 = arith.constant 0 : i32
    %c0_i32_1 = arith.constant 0 : i32
    return %c0_i32, %c0_i32_0 : i32, i32
  }
  func.func @transform_5(%arg0: i32) -> (i32, i32) {
    %c0_i32 = arith.constant 0 : i32
    %c0_i32_0 = arith.constant 0 : i32
    %c0_i32_1 = arith.constant 0 : i32
    return %c0_i32, %c0_i32_0 : i32, i32
  }
  func.func @transform_6(%arg0: i32) -> (i32, i32) {
    %c0_i32 = arith.constant 0 : i32
    %c0_i32_0 = arith.constant 0 : i32
    return %arg0, %c0_i32 : i32, i32
  }
  func.func @transform_7(%arg0: i32) -> (i32, i32, i32) {
    %c0_i32 = arith.constant 0 : i32
    %c0_i32_0 = arith.constant 0 : i32
    %c0_i32_1 = arith.constant 0 : i32
    return %c0_i32, %arg0, %c0_i32_0 : i32, i32, i32
  }
}

</mosaic_0001>

<sc_bundles>
// kernel: kernel.6.cloned.1.call-start
scs
__scs_entry_jumppad:
0x0: {  	(pc) =	sbr.rel $0x88, $3  }
0x1: {  	(tag) =	ssettag $0x0;
	lr =	simm.s32 $0x1  }
0x2: {  	[smem:$0x3F99] =	sst lr;
	_ =	strace $0xD0000000  }
0x3: {  	_ = 	snop  }
0x4: {  	_ = 	snop  }
0x5: {  	_ = 	snop  }
0x6: {  	_ = 	snop  }
0x7: {  	_ = 	snop  }
__scs_overlays_trampoline_lowered:
0x8: {  	[smem:$0x3FA8] =	sst s0  }
0x9: {  	[smem:$0x3FA9] =	sst s1  }
0xa: {  	[smem:$0x3FAA] =	sst s2  }
0xb: {  	[smem:$0x3FAB] =	sst s3  }
0xc: {  	[smem:$0x3FAC] =	sst s4  }
0xd: {  	[smem:$0x3FAD] =	sst s5  }
0xe: {  	[smem:$0x3FAE] =	sst s6  }
0xf: {  	[smem:$0x3FAF] =	sst s7  }
0x10: {  	[smem:$0x3FB0] =	sst s8  }
0x11: {  	[smem:$0x3FB1] =	sst s9;
	s0 =	simm.s32 @!p0 $0x0  }
0x12: {  	s1 =	sld [smem:$0x3F97];
	s0 =	simm.s32 @p0 $0x1  }
0x13: {  	[smem:$0x3FB2] =	sst s0;
	s0 =	simm.s32 @!p1 $0x0  }
0x14: {  	s2 =	sld [smem:$0x3F96];
	s0 =	simm.s32 @p1 $0x1  }
0x15: {  	[smem:$0x3FB3] =	sst s0;
	s0 =	simm.s32 @!p2 $0x0  }
0x16: {  	s3 =	sld [smem:$0x3FDB];
	s0 =	simm.s32 @p2 $0x1  }
0x17: {  	s4 =	simm.s32 $0x1BF5;
	[smem:$0x3FB5] =	sst s0  }
0x18: {  	s0 =	sld [smem:$0x3F98];
	_ =	swait.ge [sflag:s4], $0x0  }
0x19: {  	s7 =	sld [smem:$0x3F99]  }
0x1a: {  	s8 =	sadd.s32 $0xFFFFE003, lr  }
0x1b: {  	s9 =	sadd.s32 $0xFFFFFEF7, lr;
	s5 =	simm.s32 $0xFFFFFFFF;
	p2 =	slt.u32 s8, $0xFFFFF086  }
0x1c: {  	p1 =	slt.u32 s9, $0xF7A;
	s5 =	simm.s32 @!p2 $0x0  }
0x1d: {  	s5 =	simm.s32 @p1 $0x1;
	p0 =	seq.s32 s7, s2  }
0x1e: {  	s7 =	smul.u32 @!p0 $0xF7A, s2;
	p2 =	seq.s32 @!p0 s5, $0x0  }
0x1f: {  	s9 =	smul.u32 $0xF7A, s1;
	s8 =	simm.s32 @!p0 $0x1BF5;
	p2 =	por !p2, p0  }
0x20: {  	[sflag:s8] =	ssyncset.s32 @!p0 $0xFFFFF086;
	s6 =	sadd.s32 @!p0 s3, s7;
	s7 =	simm.s32 @!p0 $0x108  }
0x21: {  	s3 =	sadd.s32 s3, s9;
	s6 =	sadd.s32 @!p0 $0x88, s6;
	s7 =	simm.s32 @p2 $0x1082  }
0x22: {  	[simem:s7], [sflag:s8] =	dma.local @!p0 [hbm:s6], $0xF7A  }
0x23: {  	s9 =	sor.u32 $0xD0000000, s2;
	s6 =	simm.s32 $0x108;
	_ =	swait.ge @!p0 [sflag:s8], $0x0  }
0x24: {  	s3 =	sadd.s32 $0x88, s3;
	s6 =	simm.s32 @!p1 $0x1082;
	[sflag:s4] =	ssyncset.s32 $0xFFFFF086  }
0x25: {  	[simem:s6], [sflag:s4] =	dma.local [hbm:s3], $0xF7A  }
0x26: {  	[smem:$0x3F99] =	sst s1;
	(tag) =	ssettag s2;
	_ =	strace s9  }
0x27: {  	s1 =	sld [smem:$0x3FA9]  }
0x28: {  	s2 =	sld [smem:$0x3FAA]  }
0x29: {  	s4 =	sld [smem:$0x3FAC]  }
0x2a: {  	p0 =	seq.s32 s5, $0x0;
	s5 =	sld [smem:$0x3FAD]  }
0x2b: {  	s6 =	sld [smem:$0x3FAE]  }
0x2c: {  	s7 =	sld [smem:$0x3FAF]  }
0x2d: {  	s3 =	simm.s32 $0x108;
	s8 =	sld [smem:$0x3FB0]  }
0x2e: {  	s3 =	simm.s32 @!p0 $0x1082;
	s9 =	sld [smem:$0x3FB1]  }
0x2f: {  	lr =	sadd.s32 s0, s3;
	s0 =	sld [smem:$0x3FA8]  }
0x30: {  	s3 =	sld [smem:$0x3FAB]  }
0x31: {  	[smem:$0x3FB4] =	sst s10  }
0x32: {  	s10 =	sld [smem:$0x3FB2];
	_ =	sdelay $0x3  }
0x33: {  	p0 =	seq.s32 s10, $0x1;
	s10 =	sld [smem:$0x3FB4];
	_ =	sdelay $0x3  }
0x34: {  	[smem:$0x3FB4] =	sst s10  }
0x35: {  	s10 =	sld [smem:$0x3FB3];
	_ =	sdelay $0x3  }
0x36: {  	p1 =	seq.s32 s10, $0x1;
	s10 =	sld [smem:$0x3FB4];
	_ =	sdelay $0x3  }
0x37: {  	[smem:$0x3FB4] =	sst s10  }
0x38: {  	s10 =	sld [smem:$0x3FB5]  }
0x39: {  	_ = 	snop;
	(pc) =	sbr.ind lr, $3  }
0x3a: {  	_ = 	snop  }
0x3b: {  	_ = 	snop  }
0x3c: {  	p2 =	seq.s32 s10, $0x1;
	s10 =	sld [smem:$0x3FB4]  }
0x3d: {  	_ =	shalt  }
0x3e: {  	_ =	shalt  }
0x3f: {  	_ =	shalt  }
0x40: {  	_ =	shalt  }
0x41: {  	_ =	shalt  }
0x42: {  	_ =	shalt  }
0x43: {  	_ =	shalt  }
0x44: {  	_ =	shalt  }
0x45: {  	_ =	shalt  }
0x46: {  	_ =	shalt  }
0x47: {  	_ =	shalt  }
0x48: {  	_ =	shalt  }
0x49: {  	_ =	shalt  }
0x4a: {  	_ =	shalt  }
0x4b: {  	_ =	shalt  }
0x4c: {  	_ =	shalt  }
0x4d: {  	_ =	shalt  }
0x4e: {  	_ =	shalt  }
0x4f: {  	_ =	shalt  }
0x50: {  	_ =	shalt  }
0x51: {  	_ =	shalt  }
0x52: {  	_ =	shalt  }
0x53: {  	_ =	shalt  }
0x54: {  	_ =	shalt  }
0x55: {  	_ =	shalt  }
0x56: {  	_ =	shalt  }
0x57: {  	_ =	shalt  }
0x58: {  	_ =	shalt  }
0x59: {  	_ =	shalt  }
0x5a: {  	_ =	shalt  }
0x5b: {  	_ =	shalt  }
0x5c: {  	_ =	shalt  }
0x5d: {  	_ =	shalt  }
0x5e: {  	_ =	shalt  }
0x5f: {  	_ =	shalt  }
0x60: {  	_ =	shalt  }
0x61: {  	_ =	shalt  }
0x62: {  	_ =	shalt  }
0x63: {  	_ =	shalt  }
0x64: {  	_ =	shalt  }
0x65: {  	_ =	shalt  }
0x66: {  	_ =	shalt  }
0x67: {  	_ =	shalt  }
0x68: {  	_ =	shalt  }
0x69: {  	_ =	shalt  }
0x6a: {  	_ =	shalt  }
0x6b: {  	_ =	shalt  }
0x6c: {  	_ =	shalt  }
0x6d: {  	_ =	shalt  }
0x6e: {  	_ =	shalt  }
0x6f: {  	_ =	shalt  }
0x70: {  	_ =	shalt  }
0x71: {  	_ =	shalt  }
0x72: {  	_ =	shalt  }
0x73: {  	_ =	shalt  }
0x74: {  	_ =	shalt  }
0x75: {  	_ =	shalt  }
0x76: {  	_ =	shalt  }
0x77: {  	_ =	shalt  }
0x78: {  	_ =	shalt  }
0x79: {  	_ =	shalt  }
0x7a: {  	_ =	shalt  }
0x7b: {  	_ =	shalt  }
0x7c: {  	_ =	shalt  }
0x7d: {  	_ =	shalt  }
0x7e: {  	_ =	shalt  }
0x7f: {  	_ =	shalt  }
0x80: {  	_ =	shalt  }
0x81: {  	_ =	shalt  }
0x82: {  	_ =	shalt  }
0x83: {  	_ =	shalt  }
0x84: {  	_ =	shalt  }
0x85: {  	_ =	shalt  }
0x86: {  	_ =	shalt  }
0x87: {  	_ =	shalt  }
.Lfunc_end0:
.L_simem_size_0:
called_computation_lowered:
.L_overlay_start_0:
0x88: {  	s2 =	sld [smem:$0x3FD9]  }
0x89: {  	s3 =	sld [smem:$0x3FFE];
	_ =	sdelay $0x1  }
0x8a: {  	s1 =	srdreg.scid  }
0x8b: {  	s0 =	sand.u32 $0x1, s1  }
0x8c: {  	s17 =	sshll.u32 s0, $0xA;
	s2 =	sadd.s32 s3, s2  }
0x8d: {  	s2 =	sadd.s32 s2, s17  }
0x8e: {  	[smem:$0x3FC0] =	sst s2  }
0x8f: {  	_ = 	snop  }
0x90: {  	s2 =	sld [smem:$0x3FD0];
	(tm) =	ssettm $0x1  }
0x91: {  	s18 =	sld [smem:$0x3FFB];
	_ =	sdelay $0x3  }
0x92: {  	_ =	strace s18  }
0x93: {  	s3 =	sld [smem:$0x3FFC];
	_ =	sdelay $0x3  }
0x94: {  	_ =	strace s3  }
0x95: {  	s3 =	sld [smem:$0x3FFD];
	_ =	sdelay $0x3  }
0x96: {  	_ =	strace s3  }
0x97: {  	_ =	strace $0x8FFFFFFF  }
0x98: {  	s19 =	sld [smem:$0x3FDB];
	_ =	sdelay $0x1  }
0x99: {  	s4 =	simm.s32 $_scs_section_size  }
0x9a: {  	s5 =	simm.s32 $_size__tile_overlayer_lowered;
	s6 =	simm.s32 $_tile_overlayer_lowered  }
0x9b: {  	s22 =	simm.s32 $0x1BFF;
	s21 =	sshll.u32 s6, $0x1;
	s3 =	sadd.s32 s4, s19  }
0x9c: {  	s7 =	simm.s32 $0x0;
	s20 =	sshll.u32 s5, $0x1;
	s5 =	sadd.s32 s21, s3  }
0x9d: {  	[timem:s7], [sflag:s22] =	dma.local [hbm:s5], s20  }
0x9e: {  	_ =	swait.ge [sflag:s22], s20  }
0x9f: {  	s4 =	ssub.s32 $0x0, s20;
	[sflag:s22] =	ssyncset.done $0x0  }
0xa0: {  	[sflag:s22] =	ssyncadd.s32 s4;
	_ =	sdelay $0x1  }
0xa1: {  	s23 =	simm.s32 $0x1B8B  }
0xa2: {  	_ =	swait.ge [sflag:s23], $0x1  }
0xa3: {  	[sflag:s23] =	ssyncset.done $0x0  }
0xa4: {  	s25 =	simm.s32 $0x1B8E;
	s24 =	sld [smem:$0x3FFE];
	[sflag:s23] =	ssyncadd.s32 $0xFFFFFFFF  }
0xa5: {  	s26 =	simm.s32 $execute0_lowered;
	[smem:$0x3FD2] =	sst s25  }
0xa6: {  	s5 =	sshll.u32 s26, $0x1;
	_ =	strace $0x80000046;
	[dreg:$0x1] =	wrdreg $0xFFFFFFFF  }
0xa7: {  	s28 =	simm.s32 $_size_execute0_lowered;
	s3 =	sadd.s32 s3, s5;
	[dreg:$0x0] =	wrdreg $0x0  }
0xa8: {  	s5 =	sshll.u32 s28, $0x1;
	[dreg:$0x2] =	wrdreg s3  }
0xa9: {  	[dreg:$0x3] =	wrdreg s5  }
0xaa: {  	[dreg:$0x4] =	wrdreg $0xC0  }
0xab: {  	_ =	task [dreg:s7], $0x5FFFF  }
0xac: {  	[dreg:$0x1] =	wrdreg $0xFFFFFFFF  }
0xad: {  	[dreg:$0x0] =	wrdreg $0x60  }
0xae: {  	[dreg:$0x2] =	wrdreg s24  }
0xaf: {  	[dreg:$0x3] =	wrdreg s2  }
0xb0: {  	[dreg:$0x4] =	wrdreg $0x108000  }
0xb1: {  	[dreg:$0x5] =	wrdreg $0x1D8000  }
0xb2: {  	[dreg:$0x6] =	wrdreg $0x9  }
0xb3: {  	_ =	task.clear_ibuf [dreg:s7], $0x7FFFF;
	_ =	strace $0x90000046  }
0xb4: {  	s29 =	simm.s32 $0x9;
	_ =	strace $0x80000048  }
0xb5: {  	_ =	swait.ge [sflag:s29], $0x1  }
0xb6: {  	[sflag:s29] =	ssyncadd.s32 $0xFFFFFFFF  }
0xb7: {  	_ =	strace $0x90000048  }
0xb8: {  	_ =	sfence  }
0xb9: {  	s30 =	sld [smem:$0x0];
	_ =	sdelay $0x2  }
0xba: {  	s31 =	sshll.u32 s1, $0xD;
	s1 =	sshrl.u32 s1, $0x2  }
0xbb: {  	s3 =	sand.u32 $0x4000, s31;
	s1 =	sadd.s32 s1, s30  }
0xbc: {  	s0 =	sor.u32 s3, s0;
	s1 =	sshll.u32 s1, $0x11  }
0xbd: {  	s0 =	sor.u32 s1, s0  }
0xbe: {  	s0 =	sadd.s32 $0x8F2B, s0  }
0xbf: {  	[sflag:s0] =	ssyncadd.remote.s32 $0x1  }
0xc0: {  	_ =	sfence.sel $0xFFFF  }
0xc1: {  	[dreg:$0x0] =	wrdreg $0xFFFFFFFF;
	(pc) =	sbr.abs _section_cstart, $3  }
0xc2: {  	[dreg:$0x1] =	wrdreg $0xFFFFFFFF  }
0xc3: {  	_ =	task.clear_ibuf [dreg:s7], $0x2FFFF;
	_ =	strace $0x9FFFFFFF  }
0xc4: {  	(tm) =	ssettm $0x7FFFFFFF  }
0xc5: {  	_ =	shalt  }
tec
execute0_lowered:
.L_overlay_start_1:
0x0: {  	(tag) =	ssettag $0x1  }
0x1: {  	s0 =	rddreg [dreg:$0x0]  }
0x2: {  	s3 =	rddreg [dreg:$0x1]  }
0x3: {  	s1 =	rddreg [dreg:$0x2]  }
0x4: {  	s2 =	rddreg [dreg:$0x3];
	s4 =	srdreg.scid;
	s6 =	simm.s32 $0x0  }
0x5: {  	s15 =	stileid.u32;
	s28 =	simm.s32 $0x12;
	s29 =	simm.s32 $0xB  }
0x6: {  	s30 =	simm.s32 $0x13;
	s4 =	sand.u32 $0x1, s4;
	[smem:$0x7FF] =	sst s6  }
0x7: {  	s14 =	smul.u32 $0x2800, s15;
	s8 =	sadd.s32 $0x7A000, s0;
	s21 =	sadd.s32 $0x7A400, s0  }
0x8: {  	s22 =	sadd.s32 $0x79E00, s0;
	s23 =	smul.u32 $0xA000, s15;
	s9 =	sadd.s32 $0x7AA00, s0  }
0x9: {  	s5 =	smul.u32 $0x14000, s4;
	_ =	strace $0x80000047;
	[dreg:$0xd] =	wrdreg s8  }
0xa: {  	s7 =	smul.u32 $0x28000, s4;
	[dreg:$0xe] =	wrdreg s21;
	s10 =	ssub.s32 $0x2, s4  }
0xb: {  	[dreg:$0xf] =	wrdreg s22;
	s4 =	smul.u32 $0xA0000, s4;
	s24 =	sshrl.u32 s10, $0x1  }
0xc: {  	s11 =	sadd.s32 $0x2000, s23;
	s18 =	sadd.s32 s23, s1;
	s25 =	sadd.s32 $0x4000, s23  }
0xd: {  	s12 =	sadd.s32 $0x6000, s23;
	s16 =	sadd.s32 $0x8000, s23;
	s13 =	sadd.s32 s14, s2  }
0xe: {  	s5 =	sadd.s32 s5, s0;
	s7 =	sadd.s32 s14, s7;
	s20 =	sadd.s32 s11, s1  }
0xf: {  	s17 =	sadd.s32 s25, s1;
	s19 =	sadd.s32 s12, s1;
	[dreg:$0x10] =	wrdreg s18  }
0x10: {  	s21 =	sadd.s32 s16, s1;
	s26 =	sadd.s32 s23, s4;
	[dreg:$0x15] =	wrdreg s13  }
0x11: {  	s7 =	sshrl.u32 s7, $0x3;
	s14 =	sadd.s32 $0x51E00, s5;
	s8 =	sshrl.u32 s26, $0x3  }
0x12: {  	[dreg:$0x11] =	wrdreg s20;
	s0 =	sadd.s32 s7, s0;
	s7 =	ssub.s32 s10, s24  }
0x13: {  	s5 =	sadd.s32 s9, s8;
	s24 =	sadd.s32 s4, s25;
	s25 =	sadd.s32 s4, s12  }
0x14: {  	s8 =	smov.u32 s17;
	s17 =	simm.s32 $0x100;
	[dreg:$0x16] =	wrdreg s5  }
0x15: {  	s10 =	smov.u32 s19;
	s19 =	simm.s32 $0x200;
	[dreg:$0x6] =	wrdreg s17  }
0x16: {  	s12 =	smov.u32 s21;
	s21 =	simm.s32 $0x300;
	[dreg:$0x7] =	wrdreg s19  }
0x17: {  	s31 =	simm.s32 $0xC;
	s22 =	sadd.s32 s4, s11;
	[dreg:$0x8] =	wrdreg s21  }
0x18: {  	s23 =	sshrl.u32 s22, $0x3;
	s26 =	smul.u32 $0x1400, s15;
	[dreg:$0x12] =	wrdreg s8  }
0x19: {  	s4 =	sadd.s32 s4, s16;
	s6 =	sshrl.u32 s24, $0x3;
	[dreg:$0x13] =	wrdreg s10  }
0x1a: {  	s5 =	sadd.s32 s9, s23;
	s15 =	sshrl.u32 s25, $0x3;
	[dreg:$0x14] =	wrdreg s12  }
0x1b: {  	s3 =	sadd.s32 s26, s3;
	s4 =	sshrl.u32 s4, $0x3;
	[dreg:$0x17] =	wrdreg s5  }
0x1c: {  	s0 =	sadd.s32 $0xA2A00, s0;
	s22 =	smax.u32 s7, $0x1;
	[dreg:$0x5] =	wrdreg s3  }
0x1d: {  	s23 =	simm.s32 $0x400;
	s24 =	simm.s32 $0x500;
	[dreg:$0x1b] =	wrdreg s0  }
0x1e: {  	s25 =	simm.s32 $0x600;
	s26 =	simm.s32 $0x700;
	[dreg:$0x1c] =	wrdreg s22  }
0x1f: {  	s17 =	simm.s32 $0x16;
	s19 =	simm.s32 $0xF;
	[dreg:$0x9] =	wrdreg s23  }
0x20: {  	s21 =	simm.s32 $0x17;
	s7 =	simm.s32 $0x0;
	[dreg:$0xa] =	wrdreg s24  }
0x21: {  	s11 =	sadd.s32 s9, s6;
	s5 =	sadd.s32 s9, s15;
	[dreg:$0xb] =	wrdreg s25  }
0x22: {  	s4 =	sadd.s32 s9, s4;
	[dreg:$0xc] =	wrdreg s26;
	s25 =	simm.s32 $0x1A800  }
0x23: {  	s26 =	simm.s32 $0x80;
	s22 =	simm.s32 $0xA;
	[dreg:$0x18] =	wrdreg s11  }
0x24: {  	s0 =	simm.s32 $0x14;
	s3 =	simm.s32 $0xD;
	[dreg:$0x19] =	wrdreg s5  }
0x25: {  	s15 =	simm.s32 $0xE;
	s9 =	simm.s32 $0x10;
	[dreg:$0x1a] =	wrdreg s4  }
0x26: {  	s4 =	simm.s32 $0x11;
	s5 =	simm.s32 $0x15;
	s11 =	simm.s32 $0x18  }
.LBB2_1:
0x27: {  	[dreg:$0x1d] =	wrdreg s7;
	s7 =	simm.s32 $0x0  }
0x28: {  	s6 =	rddreg [dreg:$0xd];
	s23 =	simm.s32 $0x800;
	s16 =	simm.s32 $0x19  }
0x29: {  	[tilespmem:s23], [sflag:$0x19] =	stream.linear.gather [hbm4b:s6+s7], $0x2000, $0x38;
	v63 =	vld [tilespmem:$0x0]  }
0x2a: {  	_ =	swait.ge [sflag:s16], $0x2000  }
0x2b: {  	[sflag:s16] =	ssyncset.done $0x0  }
0x2c: {  	[sflag:s16] =	ssyncadd.s32 $0xFFFFE000  }
0x2d: {  	[spmem:s18] =	stream.linear.scatter [tilespmem:s23], [sflag:$0x19], $0x2000, $0x38;
	v63 =	vld [tilespmem:$0x0]  }
0x2e: {  	_ =	swait.ge [sflag:s16], $0x2000  }
0x2f: {  	[sflag:s16] =	ssyncset.done $0x0  }
0x30: {  	[sflag:s16] =	ssyncadd.s32 $0xFFFFE000  }
0x31: {  	[spmem:s20] =	stream.linear.scatter [tilespmem:s23], [sflag:$0x19], $0x2000, $0x38;
	v63 =	vld [tilespmem:$0x0]  }
0x32: {  	_ =	swait.ge [sflag:s16], $0x2000  }
0x33: {  	[sflag:s16] =	ssyncset.done $0x0  }
0x34: {  	[sflag:s16] =	ssyncadd.s32 $0xFFFFE000  }
0x35: {  	[spmem:s8] =	stream.linear.scatter [tilespmem:s23], [sflag:$0x19], $0x2000, $0x38;
	v63 =	vld [tilespmem:$0x0]  }
0x36: {  	_ =	swait.ge [sflag:s16], $0x2000  }
0x37: {  	[sflag:s16] =	ssyncset.done $0x0  }
0x38: {  	[sflag:s16] =	ssyncadd.s32 $0xFFFFE000  }
0x39: {  	[spmem:s10] =	stream.linear.scatter [tilespmem:s23], [sflag:$0x19], $0x2000, $0x38;
	v63 =	vld [tilespmem:$0x0]  }
0x3a: {  	_ =	swait.ge [sflag:s16], $0x2000  }
0x3b: {  	[sflag:s16] =	ssyncset.done $0x0  }
0x3c: {  	[sflag:s16] =	ssyncadd.s32 $0xFFFFE000  }
0x3d: {  	[spmem:s12] =	stream.linear.scatter [tilespmem:s23], [sflag:$0x19], $0x2000, $0x38;
	v63 =	vld [tilespmem:$0x0]  }
0x3e: {  	_ =	swait.ge [sflag:s16], $0x2000  }
0x3f: {  	[sflag:s16] =	ssyncset.done $0x0  }
0x40: {  	s24 =	simm.s32 $0x1B000;
	s12 =	rddreg [dreg:$0xe];
	[sflag:s16] =	ssyncadd.s32 $0xFFFFE000  }
0x41: {  	[tilespmem:s24], [sflag:$0x19] =	stream.linear.gather [hbm4b:s12+s7], $0x2800, $0x38;
	v63 =	vld [tilespmem:$0x0]  }
0x42: {  	_ =	swait.ge [sflag:s16], $0x2800  }
0x43: {  	[sflag:s16] =	ssyncset.done $0x0  }
0x44: {  	[sflag:s16] =	ssyncadd.s32 $0xFFFFD800  }
0x45: {  	[spmem:s13] =	stream.linear.scatter [tilespmem:s24], [sflag:$0x19], $0x2800, $0x38;
	v63 =	vld [tilespmem:$0x0]  }
0x46: {  	_ =	swait.ge [sflag:s16], $0x2800  }
0x47: {  	[sflag:s16] =	ssyncset.done $0x0  }
0x48: {  	s18 =	rddreg [dreg:$0xf];
	[sflag:s16] =	ssyncadd.s32 $0xFFFFD800  }
0x49: {  	[tilespmem:s25], [sflag:$0x19] =	stream.linear.gather [hbm4b:s18+s7], $0x800, $0x38;
	v63 =	vld [tilespmem:$0x0]  }
0x4a: {  	_ =	swait.ge [sflag:s16], $0x800  }
0x4b: {  	[sflag:s16] =	ssyncset.done $0x0  }
0x4c: {  	[sflag:s16] =	ssyncadd.s32 $0xFFFFF800  }
0x4d: {  	[bflag:$0x0] =	sbarrier.arrive $0xFFFF  }
0x4e: {  	s20 =	rddreg [dreg:$0x5]  }
0x4f: {  	s6 =	sadd.s32 $0x0, s20  }
0x50: {  	[tilespmem:s7], [sflag:$0x19] =	stream.linear.gather [hbm4b:s6+s7], $0x800, $0x38;
	v63 =	vld [tilespmem:$0x0]  }
0x51: {  	_ =	swait.ge [sflag:s16], $0x800  }
0x52: {  	[sflag:s16] =	ssyncset.done $0x0  }
0x53: {  	[sflag:s16] =	ssyncadd.s32 $0xFFFFF800  }
0x54: {  	[tilespmem:s23], [sflag:$0x1] =	stream.indirect.gather [hbm4b:s14+s26], $0x40, s7, s26, $0xb8;
	v63 =	vld [tilespmem:$0x0]  }
0x55: {  	s24 =	rddreg [dreg:$0x6];
	s7 =	simm.s32 $0x2800  }
0x56: {  	[tilespmem:s7], [sflag:$0x2] =	stream.indirect.gather [hbm4b:s14+s26], $0x40, s24, s26, $0xb8;
	v63 =	vld [tilespmem:$0x0]  }
0x57: {  	s8 =	rddreg [dreg:$0x7];
	s16 =	simm.s32 $0x4800  }
0x58: {  	[tilespmem:s16], [sflag:$0x3] =	stream.indirect.gather [hbm4b:s14+s26], $0x40, s8, s26, $0xb8;
	v63 =	vld [tilespmem:$0x0]  }
0x59: {  	s18 =	simm.s32 $0x6800;
	s10 =	rddreg [dreg:$0x8]  }
0x5a: {  	[tilespmem:s18], [sflag:$0x4] =	stream.indirect.gather [hbm4b:s14+s26], $0x40, s10, s26, $0xb8;
	v63 =	vld [tilespmem:$0x0]  }
0x5b: {  	s12 =	rddreg [dreg:$0x9];
	s8 =	simm.s32 $0x8800  }
0x5c: {  	[tilespmem:s8], [sflag:$0x5] =	stream.indirect.gather [hbm4b:s14+s26], $0x40, s12, s26, $0xb8;
	v63 =	vld [tilespmem:$0x0]  }
0x5d: {  	s20 =	rddreg [dreg:$0xa];
	s10 =	simm.s32 $0xA800  }
0x5e: {  	[tilespmem:s10], [sflag:$0x6] =	stream.indirect.gather [hbm4b:s14+s26], $0x40, s20, s26, $0xb8;
	v63 =	vld [tilespmem:$0x0]  }
0x5f: {  	s24 =	rddreg [dreg:$0xb];
	s12 =	simm.s32 $0xC800  }
0x60: {  	[tilespmem:s12], [sflag:$0x7] =	stream.indirect.gather [hbm4b:s14+s26], $0x40, s24, s26, $0xb8;
	v63 =	vld [tilespmem:$0x0]  }
0x61: {  	s13 =	simm.s32 $0xE800;
	s20 =	rddreg [dreg:$0xc];
	s24 =	simm.s32 $0x1  }
0x62: {  	[tilespmem:s13], [sflag:$0x8] =	stream.indirect.gather [hbm4b:s14+s26], $0x40, s20, s26, $0xb8;
	v63 =	vld [tilespmem:$0x0]  }
0x63: {  	_ =	swait.ge [sflag:s24], $0x2000  }
0x64: {  	[sflag:s24] =	ssyncset.done $0x0  }
0x65: {  	[sflag:s24] =	ssyncadd.s32 $0xFFFFE000  }
0x66: {  	[spmem:s1] =	stream.indirect.scatter.add.f32 [tilespmem:s23], [sflag:$0x9], $0x40, s26, s26, $0xb8;
	v63 =	vld [tilespmem:$0x0]  }
0x67: {  	s20 =	simm.s32 $0x2  }
0x68: {  	[spmem:s2] =	stream.indirect.scatter.add.f32 [tilespmem:s25], [sflag:$0x11], $0x10, s26, s26, $0xb8;
	v63 =	vld [tilespmem:$0x0]  }
0x69: {  	_ =	swait.ge [sflag:s20], $0x2000  }
0x6a: {  	[sflag:s20] =	ssyncset.done $0x0  }
0x6b: {  	s23 =	simm.s32 $0x180;
	[sflag:s20] =	ssyncadd.s32 $0xFFFFE000  }
0x6c: {  	[spmem:s1] =	stream.indirect.scatter.add.f32 [tilespmem:s7], [sflag:$0xA], $0x40, s23, s26, $0xb8;
	v63 =	vld [tilespmem:$0x0]  }
0x6d: {  	s24 =	simm.s32 $0x3  }
0x6e: {  	[spmem:s2] =	stream.indirect.scatter.add.f32 [tilespmem:s25], [sflag:$0x12], $0x10, s23, s26, $0xb8;
	v63 =	vld [tilespmem:$0x0]  }
0x6f: {  	_ =	swait.ge [sflag:s24], $0x2000  }
0x70: {  	[sflag:s24] =	ssyncset.done $0x0  }
0x71: {  	s7 =	simm.s32 $0x280;
	[sflag:s24] =	ssyncadd.s32 $0xFFFFE000  }
0x72: {  	[spmem:s1] =	stream.indirect.scatter.add.f32 [tilespmem:s16], [sflag:$0xB], $0x40, s7, s26, $0xb8;
	v63 =	vld [tilespmem:$0x0]  }
0x73: {  	s16 =	simm.s32 $0x4  }
0x74: {  	[spmem:s2] =	stream.indirect.scatter.add.f32 [tilespmem:s25], [sflag:$0x13], $0x10, s7, s26, $0xb8;
	v63 =	vld [tilespmem:$0x0]  }
0x75: {  	_ =	swait.ge [sflag:s16], $0x2000  }
0x76: {  	[sflag:s16] =	ssyncset.done $0x0  }
0x77: {  	s20 =	simm.s32 $0x380;
	[sflag:s16] =	ssyncadd.s32 $0xFFFFE000  }
0x78: {  	[spmem:s1] =	stream.indirect.scatter.add.f32 [tilespmem:s18], [sflag:$0xC], $0x40, s20, s26, $0xb8;
	v63 =	vld [tilespmem:$0x0]  }
0x79: {  	s23 =	simm.s32 $0x5  }
0x7a: {  	[spmem:s2] =	stream.indirect.scatter.add.f32 [tilespmem:s25], [sflag:$0x14], $0x10, s20, s26, $0xb8;
	v63 =	vld [tilespmem:$0x0]  }
0x7b: {  	_ =	swait.ge [sflag:s23], $0x2000  }
0x7c: {  	[sflag:s23] =	ssyncset.done $0x0  }
0x7d: {  	s24 =	simm.s32 $0x480;
	[sflag:s23] =	ssyncadd.s32 $0xFFFFE000  }
0x7e: {  	[spmem:s1] =	stream.indirect.scatter.add.f32 [tilespmem:s8], [sflag:$0xD], $0x40, s24, s26, $0xb8;
	v63 =	vld [tilespmem:$0x0]  }
0x7f: {  	s7 =	simm.s32 $0x6  }
0x80: {  	[spmem:s2] =	stream.indirect.scatter.add.f32 [tilespmem:s25], [sflag:$0x15], $0x10, s24, s26, $0xb8;
	v63 =	vld [tilespmem:$0x0]  }
0x81: {  	_ =	swait.ge [sflag:s7], $0x2000  }
0x82: {  	[sflag:s7] =	ssyncset.done $0x0  }
0x83: {  	s8 =	simm.s32 $0x580;
	[sflag:s7] =	ssyncadd.s32 $0xFFFFE000  }
0x84: {  	[spmem:s1] =	stream.indirect.scatter.add.f32 [tilespmem:s10], [sflag:$0xE], $0x40, s8, s26, $0xb8;
	v63 =	vld [tilespmem:$0x0]  }
0x85: {  	s16 =	simm.s32 $0x7  }
0x86: {  	[spmem:s2] =	stream.indirect.scatter.add.f32 [tilespmem:s25], [sflag:$0x16], $0x10, s8, s26, $0xb8;
	v63 =	vld [tilespmem:$0x0]  }
0x87: {  	_ =	swait.ge [sflag:s16], $0x2000  }
0x88: {  	[sflag:s16] =	ssyncset.done $0x0  }
0x89: {  	s18 =	simm.s32 $0x680;
	[sflag:s16] =	ssyncadd.s32 $0xFFFFE000  }
0x8a: {  	[spmem:s1] =	stream.indirect.scatter.add.f32 [tilespmem:s12], [sflag:$0xF], $0x40, s18, s26, $0xb8;
	v63 =	vld [tilespmem:$0x0]  }
0x8b: {  	s20 =	simm.s32 $0x8  }
0x8c: {  	[spmem:s2] =	stream.indirect.scatter.add.f32 [tilespmem:s25], [sflag:$0x17], $0x10, s18, s26, $0xb8;
	v63 =	vld [tilespmem:$0x0]  }
0x8d: {  	_ =	swait.ge [sflag:s20], $0x2000  }
0x8e: {  	[sflag:s20] =	ssyncset.done $0x0  }
0x8f: {  	s23 =	simm.s32 $0x780;
	[sflag:s20] =	ssyncadd.s32 $0xFFFFE000  }
0x90: {  	[spmem:s1] =	stream.indirect.scatter.add.f32 [tilespmem:s13], [sflag:$0x10], $0x40, s23, s26, $0xb8;
	v63 =	vld [tilespmem:$0x0]  }
0x91: {  	s24 =	simm.s32 $0x9  }
0x92: {  	[spmem:s2] =	stream.indirect.scatter.add.f32 [tilespmem:s25], [sflag:$0x18], $0x10, s23, s26, $0xb8;
	v63 =	vld [tilespmem:$0x0]  }
0x93: {  	_ =	swait.ge [sflag:s24], $0x2000  }
0x94: {  	[sflag:s24] =	ssyncset.done $0x0  }
0x95: {  	[sflag:s24] =	ssyncadd.s32 $0xFFFFE000  }
0x96: {  	_ =	swait.ge [sflag:s4], $0x800  }
0x97: {  	[sflag:s4] =	ssyncset.done $0x0  }
0x98: {  	[sflag:s4] =	ssyncadd.s32 $0xFFFFF800  }
0x99: {  	_ =	swait.ge [sflag:s22], $0x2000  }
0x9a: {  	[sflag:s22] =	ssyncset.done $0x0  }
0x9b: {  	[sflag:s22] =	ssyncadd.s32 $0xFFFFE000  }
0x9c: {  	_ =	swait.ge [sflag:s28], $0x800  }
0x9d: {  	[sflag:s28] =	ssyncset.done $0x0  }
0x9e: {  	[sflag:s28] =	ssyncadd.s32 $0xFFFFF800  }
0x9f: {  	_ =	swait.ge [sflag:s29], $0x2000  }
0xa0: {  	[sflag:s29] =	ssyncset.done $0x0  }
0xa1: {  	[sflag:s29] =	ssyncadd.s32 $0xFFFFE000  }
0xa2: {  	_ =	swait.ge [sflag:s30], $0x800  }
0xa3: {  	[sflag:s30] =	ssyncset.done $0x0  }
0xa4: {  	[sflag:s30] =	ssyncadd.s32 $0xFFFFF800  }
0xa5: {  	_ =	swait.ge [sflag:s31], $0x2000  }
0xa6: {  	[sflag:s31] =	ssyncset.done $0x0  }
0xa7: {  	[sflag:s31] =	ssyncadd.s32 $0xFFFFE000  }
0xa8: {  	_ =	swait.ge [sflag:s0], $0x800  }
0xa9: {  	[sflag:s0] =	ssyncset.done $0x0  }
0xaa: {  	[sflag:s0] =	ssyncadd.s32 $0xFFFFF800  }
0xab: {  	_ =	swait.ge [sflag:s3], $0x2000  }
0xac: {  	[sflag:s3] =	ssyncset.done $0x0  }
0xad: {  	[sflag:s3] =	ssyncadd.s32 $0xFFFFE000  }
0xae: {  	_ =	swait.ge [sflag:s5], $0x800  }
0xaf: {  	[sflag:s5] =	ssyncset.done $0x0  }
0xb0: {  	[sflag:s5] =	ssyncadd.s32 $0xFFFFF800  }
0xb1: {  	_ =	swait.ge [sflag:s15], $0x2000  }
0xb2: {  	[sflag:s15] =	ssyncset.done $0x0  }
0xb3: {  	[sflag:s15] =	ssyncadd.s32 $0xFFFFE000  }
0xb4: {  	_ =	swait.ge [sflag:s17], $0x800  }
0xb5: {  	[sflag:s17] =	ssyncset.done $0x0  }
0xb6: {  	[sflag:s17] =	ssyncadd.s32 $0xFFFFF800  }
0xb7: {  	_ =	swait.ge [sflag:s19], $0x2000  }
0xb8: {  	[sflag:s19] =	ssyncset.done $0x0  }
0xb9: {  	[sflag:s19] =	ssyncadd.s32 $0xFFFFE000  }
0xba: {  	_ =	swait.ge [sflag:s21], $0x800  }
0xbb: {  	[sflag:s21] =	ssyncset.done $0x0  }
0xbc: {  	[sflag:s21] =	ssyncadd.s32 $0xFFFFF800  }
0xbd: {  	_ =	swait.ge [sflag:s9], $0x2000  }
0xbe: {  	[sflag:s9] =	ssyncset.done $0x0  }
0xbf: {  	[sflag:s9] =	ssyncadd.s32 $0xFFFFE000  }
0xc0: {  	s13 =	simm.s32 $0x100;
	_ =	swait.ge [sflag:s11], $0x800  }
0xc1: {  	s23 =	simm.s32 $0x200;
	s6 =	rddreg [dreg:$0x5];
	[sflag:s11] =	ssyncset.done $0x0  }
.LBB2_2:
0xc2: {  	[sflag:s11] =	ssyncadd.s32 $0xFFFFF800  }
0xc3: {  	s6 =	sadd.s32 s13, s6;
	s18 =	simm.s32 $0x0;
	s20 =	simm.s32 $0x19  }
0xc4: {  	[tilespmem:s18], [sflag:$0x19] =	stream.linear.gather [hbm4b:s6+s18], $0x800, $0x38;
	v63 =	vld [tilespmem:$0x0]  }
0xc5: {  	_ =	swait.ge [sflag:s20], $0x800  }
0xc6: {  	[sflag:s20] =	ssyncset.done $0x0  }
0xc7: {  	s16 =	simm.s32 $0x800;
	[sflag:s20] =	ssyncadd.s32 $0xFFFFF800  }
0xc8: {  	[tilespmem:s16], [sflag:$0x1] =	stream.indirect.gather [hbm4b:s14+s26], $0x40, s18, s26, $0xb8;
	v63 =	vld [tilespmem:$0x0]  }
0xc9: {  	s24 =	rddreg [dreg:$0x6];
	s18 =	simm.s32 $0x2800  }
0xca: {  	[tilespmem:s18], [sflag:$0x2] =	stream.indirect.gather [hbm4b:s14+s26], $0x40, s24, s26, $0xb8;
	v63 =	vld [tilespmem:$0x0]  }
0xcb: {  	s8 =	rddreg [dreg:$0x7];
	s20 =	simm.s32 $0x4800  }
0xcc: {  	[tilespmem:s20], [sflag:$0x3] =	stream.indirect.gather [hbm4b:s14+s26], $0x40, s8, s26, $0xb8;
	v63 =	vld [tilespmem:$0x0]  }
0xcd: {  	s10 =	rddreg [dreg:$0x8];
	s8 =	simm.s32 $0x6800  }
0xce: {  	[tilespmem:s8], [sflag:$0x4] =	stream.indirect.gather [hbm4b:s14+s26], $0x40, s10, s26, $0xb8;
	v63 =	vld [tilespmem:$0x0]  }
0xcf: {  	s12 =	rddreg [dreg:$0x9];
	s10 =	simm.s32 $0x8800  }
0xd0: {  	[tilespmem:s10], [sflag:$0x5] =	stream.indirect.gather [hbm4b:s14+s26], $0x40, s12, s26, $0xb8;
	v63 =	vld [tilespmem:$0x0]  }
0xd1: {  	s7 =	smov.u32 s23;
	s24 =	rddreg [dreg:$0xa];
	s12 =	simm.s32 $0xA800  }
0xd2: {  	[tilespmem:s12], [sflag:$0x6] =	stream.indirect.gather [hbm4b:s14+s26], $0x40, s24, s26, $0xb8;
	v63 =	vld [tilespmem:$0x0]  }
0xd3: {  	s13 =	smov.u32 s7;
	s7 =	rddreg [dreg:$0xb];
	s24 =	simm.s32 $0xC800  }
0xd4: {  	[tilespmem:s24], [sflag:$0x7] =	stream.indirect.gather [hbm4b:s14+s26], $0x40, s7, s26, $0xb8;
	v63 =	vld [tilespmem:$0x0]  }
0xd5: {  	s6 =	rddreg [dreg:$0xc];
	s7 =	simm.s32 $0xE800  }
0xd6: {  	[tilespmem:s7], [sflag:$0x8] =	stream.indirect.gather [hbm4b:s14+s26], $0x40, s6, s26, $0xb8;
	v63 =	vld [tilespmem:$0x0]  }
0xd7: {  	s6 =	simm.s32 $0x1  }
0xd8: {  	_ =	swait.ge [sflag:s6], $0x2000  }
0xd9: {  	[sflag:s6] =	ssyncset.done $0x0  }
0xda: {  	[sflag:s6] =	ssyncadd.s32 $0xFFFFE000  }
0xdb: {  	[spmem:s1] =	stream.indirect.scatter.add.f32 [tilespmem:s16], [sflag:$0x9], $0x40, s26, s26, $0xb8;
	v63 =	vld [tilespmem:$0x0]  }
0xdc: {  	s16 =	simm.s32 $0x2  }
0xdd: {  	[spmem:s2] =	stream.indirect.scatter.add.f32 [tilespmem:s25], [sflag:$0x11], $0x10, s26, s26, $0xb8;
	v63 =	vld [tilespmem:$0x0]  }
0xde: {  	_ =	swait.ge [sflag:s16], $0x2000  }
0xdf: {  	[sflag:s16] =	ssyncset.done $0x0  }
0xe0: {  	[sflag:s16] =	ssyncadd.s32 $0xFFFFE000;
	s16 =	simm.s32 $0x180  }
0xe1: {  	[spmem:s1] =	stream.indirect.scatter.add.f32 [tilespmem:s18], [sflag:$0xA], $0x40, s16, s26, $0xb8;
	v63 =	vld [tilespmem:$0x0]  }
0xe2: {  	_ = 	snop  }
0xe3: {  	[spmem:s2] =	stream.indirect.scatter.add.f32 [tilespmem:s25], [sflag:$0x12], $0x10, s16, s26, $0xb8;
	v63 =	vld [tilespmem:$0x0]  }
0xe4: {  	s16 =	simm.s32 $0x3  }
0xe5: {  	_ =	swait.ge [sflag:s16], $0x2000  }
0xe6: {  	[sflag:s16] =	ssyncset.done $0x0  }
0xe7: {  	s18 =	simm.s32 $0x280;
	[sflag:s16] =	ssyncadd.s32 $0xFFFFE000  }
0xe8: {  	[spmem:s1] =	stream.indirect.scatter.add.f32 [tilespmem:s20], [sflag:$0xB], $0x40, s18, s26, $0xb8;
	v63 =	vld [tilespmem:$0x0]  }
0xe9: {  	s20 =	simm.s32 $0x4  }
0xea: {  	[spmem:s2] =	stream.indirect.scatter.add.f32 [tilespmem:s25], [sflag:$0x13], $0x10, s18, s26, $0xb8;
	v63 =	vld [tilespmem:$0x0]  }
0xeb: {  	_ =	swait.ge [sflag:s20], $0x2000  }
0xec: {  	[sflag:s20] =	ssyncset.done $0x0  }
0xed: {  	s16 =	simm.s32 $0x380;
	[sflag:s20] =	ssyncadd.s32 $0xFFFFE000  }
0xee: {  	[spmem:s1] =	stream.indirect.scatter.add.f32 [tilespmem:s8], [sflag:$0xC], $0x40, s16, s26, $0xb8;
	v63 =	vld [tilespmem:$0x0]  }
0xef: {  	s18 =	simm.s32 $0x5  }
0xf0: {  	[spmem:s2] =	stream.indirect.scatter.add.f32 [tilespmem:s25], [sflag:$0x14], $0x10, s16, s26, $0xb8;
	v63 =	vld [tilespmem:$0x0]  }
0xf1: {  	_ =	swait.ge [sflag:s18], $0x2000  }
0xf2: {  	[sflag:s18] =	ssyncset.done $0x0  }
0xf3: {  	s20 =	simm.s32 $0x480;
	[sflag:s18] =	ssyncadd.s32 $0xFFFFE000  }
0xf4: {  	[spmem:s1] =	stream.indirect.scatter.add.f32 [tilespmem:s10], [sflag:$0xD], $0x40, s20, s26, $0xb8;
	v63 =	vld [tilespmem:$0x0]  }
0xf5: {  	s8 =	simm.s32 $0x6  }
0xf6: {  	[spmem:s2] =	stream.indirect.scatter.add.f32 [tilespmem:s25], [sflag:$0x15], $0x10, s20, s26, $0xb8;
	v63 =	vld [tilespmem:$0x0]  }
0xf7: {  	_ =	swait.ge [sflag:s8], $0x2000  }
0xf8: {  	[sflag:s8] =	ssyncset.done $0x0  }
0xf9: {  	s10 =	simm.s32 $0x580;
	[sflag:s8] =	ssyncadd.s32 $0xFFFFE000  }
0xfa: {  	[spmem:s1] =	stream.indirect.scatter.add.f32 [tilespmem:s12], [sflag:$0xE], $0x40, s10, s26, $0xb8;
	v63 =	vld [tilespmem:$0x0]  }
0xfb: {  	s12 =	simm.s32 $0x7  }
0xfc: {  	[spmem:s2] =	stream.indirect.scatter.add.f32 [tilespmem:s25], [sflag:$0x16], $0x10, s10, s26, $0xb8;
	v63 =	vld [tilespmem:$0x0]  }
0xfd: {  	_ =	swait.ge [sflag:s12], $0x2000  }
0xfe: {  	[sflag:s12] =	ssyncset.done $0x0  }
0xff: {  	s16 =	simm.s32 $0x680;
	[sflag:s12] =	ssyncadd.s32 $0xFFFFE000  }
0x100: {  	[spmem:s1] =	stream.indirect.scatter.add.f32 [tilespmem:s24], [sflag:$0xF], $0x40, s16, s26, $0xb8;
	v63 =	vld [tilespmem:$0x0]  }
0x101: {  	s18 =	simm.s32 $0x8  }
0x102: {  	[spmem:s2] =	stream.indirect.scatter.add.f32 [tilespmem:s25], [sflag:$0x17], $0x10, s16, s26, $0xb8;
	v63 =	vld [tilespmem:$0x0]  }
0x103: {  	_ =	swait.ge [sflag:s18], $0x2000  }
0x104: {  	[sflag:s18] =	ssyncset.done $0x0  }
0x105: {  	s20 =	simm.s32 $0x780;
	[sflag:s18] =	ssyncadd.s32 $0xFFFFE000  }
0x106: {  	[spmem:s1] =	stream.indirect.scatter.add.f32 [tilespmem:s7], [sflag:$0x10], $0x40, s20, s26, $0xb8;
	v63 =	vld [tilespmem:$0x0]  }
0x107: {  	s24 =	simm.s32 $0x9  }
0x108: {  	[spmem:s2] =	stream.indirect.scatter.add.f32 [tilespmem:s25], [sflag:$0x18], $0x10, s20, s26, $0xb8;
	v63 =	vld [tilespmem:$0x0]  }
0x109: {  	_ =	swait.ge [sflag:s24], $0x2000  }
0x10a: {  	[sflag:s24] =	ssyncset.done $0x0  }
0x10b: {  	[sflag:s24] =	ssyncadd.s32 $0xFFFFE000  }
0x10c: {  	_ =	swait.ge [sflag:s4], $0x800  }
0x10d: {  	[sflag:s4] =	ssyncset.done $0x0  }
0x10e: {  	[sflag:s4] =	ssyncadd.s32 $0xFFFFF800  }
0x10f: {  	_ =	swait.ge [sflag:s22], $0x2000  }
0x110: {  	[sflag:s22] =	ssyncset.done $0x0  }
0x111: {  	[sflag:s22] =	ssyncadd.s32 $0xFFFFE000  }
0x112: {  	_ =	swait.ge [sflag:s28], $0x800  }
0x113: {  	[sflag:s28] =	ssyncset.done $0x0  }
0x114: {  	[sflag:s28] =	ssyncadd.s32 $0xFFFFF800  }
0x115: {  	_ =	swait.ge [sflag:s29], $0x2000  }
0x116: {  	[sflag:s29] =	ssyncset.done $0x0  }
0x117: {  	[sflag:s29] =	ssyncadd.s32 $0xFFFFE000  }
0x118: {  	_ =	swait.ge [sflag:s30], $0x800  }
0x119: {  	[sflag:s30] =	ssyncset.done $0x0  }
0x11a: {  	[sflag:s30] =	ssyncadd.s32 $0xFFFFF800  }
0x11b: {  	_ =	swait.ge [sflag:s31], $0x2000  }
0x11c: {  	[sflag:s31] =	ssyncset.done $0x0  }
0x11d: {  	[sflag:s31] =	ssyncadd.s32 $0xFFFFE000  }
0x11e: {  	_ =	swait.ge [sflag:s0], $0x800  }
0x11f: {  	[sflag:s0] =	ssyncset.done $0x0  }
0x120: {  	[sflag:s0] =	ssyncadd.s32 $0xFFFFF800  }
0x121: {  	_ =	swait.ge [sflag:s3], $0x2000  }
0x122: {  	[sflag:s3] =	ssyncset.done $0x0  }
0x123: {  	[sflag:s3] =	ssyncadd.s32 $0xFFFFE000  }
0x124: {  	_ =	swait.ge [sflag:s5], $0x800  }
0x125: {  	[sflag:s5] =	ssyncset.done $0x0  }
0x126: {  	[sflag:s5] =	ssyncadd.s32 $0xFFFFF800  }
0x127: {  	_ =	swait.ge [sflag:s15], $0x2000  }
0x128: {  	[sflag:s15] =	ssyncset.done $0x0  }
0x129: {  	[sflag:s15] =	ssyncadd.s32 $0xFFFFE000  }
0x12a: {  	_ =	swait.ge [sflag:s17], $0x800  }
0x12b: {  	[sflag:s17] =	ssyncset.done $0x0  }
0x12c: {  	[sflag:s17] =	ssyncadd.s32 $0xFFFFF800  }
0x12d: {  	_ =	swait.ge [sflag:s19], $0x2000  }
0x12e: {  	[sflag:s19] =	ssyncset.done $0x0  }
0x12f: {  	[sflag:s19] =	ssyncadd.s32 $0xFFFFE000  }
0x130: {  	_ =	swait.ge [sflag:s21], $0x800  }
0x131: {  	[sflag:s21] =	ssyncset.done $0x0  }
0x132: {  	p0 =	sne.s32 s23, $0x1300;
	[sflag:s21] =	ssyncadd.s32 $0xFFFFF800  }
.Ltmp0:
0x133: {  	_ =	swait.ge [sflag:s9], $0x2000;
	(pc) =	sbr.rel @p0 .LBB2_2-.Ltmp0, $4  }
0x134: {  	[sflag:s9] =	ssyncset.done $0x0  }
0x135: {  	[sflag:s9] =	ssyncadd.s32 $0xFFFFE000  }
0x136: {  	_ =	swait.ge [sflag:s11], $0x800  }
0x137: {  	s23 =	sadd.s32 $0x100, s23;
	s6 =	rddreg [dreg:$0x5];
	[sflag:s11] =	ssyncset.done $0x0  }
0x138: {  	[sflag:s11] =	ssyncadd.s32 $0xFFFFF800  }
0x139: {  	s6 =	sadd.s32 s13, s6;
	s24 =	simm.s32 $0x0;
	s16 =	simm.s32 $0x19  }
0x13a: {  	[tilespmem:s24], [sflag:$0x19] =	stream.linear.gather [hbm4b:s6+s24], $0x800, $0x38;
	v63 =	vld [tilespmem:$0x0]  }
0x13b: {  	_ =	swait.ge [sflag:s16], $0x800  }
0x13c: {  	[sflag:s16] =	ssyncset.done $0x0  }
0x13d: {  	s13 =	simm.s32 $0x800;
	[sflag:s16] =	ssyncadd.s32 $0xFFFFF800  }
0x13e: {  	[tilespmem:s13], [sflag:$0x1] =	stream.indirect.gather [hbm4b:s14+s26], $0x40, s24, s26, $0xb8;
	v63 =	vld [tilespmem:$0x0]  }
0x13f: {  	s18 =	simm.s32 $0x2800;
	s8 =	rddreg [dreg:$0x6]  }
0x140: {  	[tilespmem:s18], [sflag:$0x2] =	stream.indirect.gather [hbm4b:s14+s26], $0x40, s8, s26, $0xb8;
	v63 =	vld [tilespmem:$0x0]  }
0x141: {  	s20 =	simm.s32 $0x4800;
	s7 =	rddreg [dreg:$0x7]  }
0x142: {  	[tilespmem:s20], [sflag:$0x3] =	stream.indirect.gather [hbm4b:s14+s26], $0x40, s7, s26, $0xb8;
	v63 =	vld [tilespmem:$0x0]  }
0x143: {  	s10 =	rddreg [dreg:$0x8];
	s8 =	simm.s32 $0x6800  }
0x144: {  	[tilespmem:s8], [sflag:$0x4] =	stream.indirect.gather [hbm4b:s14+s26], $0x40, s10, s26, $0xb8;
	v63 =	vld [tilespmem:$0x0]  }
0x145: {  	s12 =	rddreg [dreg:$0x9];
	s10 =	simm.s32 $0x8800  }
0x146: {  	[tilespmem:s10], [sflag:$0x5] =	stream.indirect.gather [hbm4b:s14+s26], $0x40, s12, s26, $0xb8;
	v63 =	vld [tilespmem:$0x0]  }
0x147: {  	s23 =	rddreg [dreg:$0xa];
	s12 =	simm.s32 $0xA800  }
0x148: {  	[tilespmem:s12], [sflag:$0x6] =	stream.indirect.gather [hbm4b:s14+s26], $0x40, s23, s26, $0xb8;
	v63 =	vld [tilespmem:$0x0]  }
0x149: {  	s7 =	rddreg [dreg:$0xb];
	s23 =	simm.s32 $0xC800  }
0x14a: {  	[tilespmem:s23], [sflag:$0x7] =	stream.indirect.gather [hbm4b:s14+s26], $0x40, s7, s26, $0xb8;
	v63 =	vld [tilespmem:$0x0]  }
0x14b: {  	s6 =	rddreg [dreg:$0xc];
	s7 =	simm.s32 $0xE800  }
0x14c: {  	[tilespmem:s7], [sflag:$0x8] =	stream.indirect.gather [hbm4b:s14+s26], $0x40, s6, s26, $0xb8;
	v63 =	vld [tilespmem:$0x0]  }
0x14d: {  	s6 =	simm.s32 $0x1  }
0x14e: {  	_ =	swait.ge [sflag:s6], $0x2000  }
0x14f: {  	[sflag:s6] =	ssyncset.done $0x0  }
0x150: {  	[sflag:s6] =	ssyncadd.s32 $0xFFFFE000  }
0x151: {  	[spmem:s1] =	stream.indirect.scatter.add.f32 [tilespmem:s13], [sflag:$0x9], $0x40, s26, s26, $0xb8;
	v63 =	vld [tilespmem:$0x0]  }
0x152: {  	s6 =	simm.s32 $0x2  }
0x153: {  	[spmem:s2] =	stream.indirect.scatter.add.f32 [tilespmem:s25], [sflag:$0x11], $0x10, s26, s26, $0xb8;
	v63 =	vld [tilespmem:$0x0]  }
0x154: {  	_ =	swait.ge [sflag:s6], $0x2000  }
0x155: {  	[sflag:s6] =	ssyncset.done $0x0  }
0x156: {  	[sflag:s6] =	ssyncadd.s32 $0xFFFFE000;
	s6 =	simm.s32 $0x180  }
0x157: {  	[spmem:s1] =	stream.indirect.scatter.add.f32 [tilespmem:s18], [sflag:$0xA], $0x40, s6, s26, $0xb8;
	v63 =	vld [tilespmem:$0x0]  }
0x158: {  	s18 =	simm.s32 $0x3  }
0x159: {  	[spmem:s2] =	stream.indirect.scatter.add.f32 [tilespmem:s25], [sflag:$0x12], $0x10, s6, s26, $0xb8;
	v63 =	vld [tilespmem:$0x0]  }
0x15a: {  	_ =	swait.ge [sflag:s18], $0x2000  }
0x15b: {  	[sflag:s18] =	ssyncset.done $0x0  }
0x15c: {  	[sflag:s18] =	ssyncadd.s32 $0xFFFFE000;
	s18 =	simm.s32 $0x280  }
0x15d: {  	[spmem:s1] =	stream.indirect.scatter.add.f32 [tilespmem:s20], [sflag:$0xB], $0x40, s18, s26, $0xb8;
	v63 =	vld [tilespmem:$0x0]  }
0x15e: {  	_ = 	snop  }
0x15f: {  	[spmem:s2] =	stream.indirect.scatter.add.f32 [tilespmem:s25], [sflag:$0x13], $0x10, s18, s26, $0xb8;
	v63 =	vld [tilespmem:$0x0]  }
0x160: {  	s18 =	simm.s32 $0x4  }
0x161: {  	_ =	swait.ge [sflag:s18], $0x2000  }
0x162: {  	[sflag:s18] =	ssyncset.done $0x0  }
0x163: {  	s20 =	simm.s32 $0x380;
	[sflag:s18] =	ssyncadd.s32 $0xFFFFE000  }
0x164: {  	[spmem:s1] =	stream.indirect.scatter.add.f32 [tilespmem:s8], [sflag:$0xC], $0x40, s20, s26, $0xb8;
	v63 =	vld [tilespmem:$0x0]  }
0x165: {  	s8 =	simm.s32 $0x5  }
0x166: {  	[spmem:s2] =	stream.indirect.scatter.add.f32 [tilespmem:s25], [sflag:$0x14], $0x10, s20, s26, $0xb8;
	v63 =	vld [tilespmem:$0x0]  }
0x167: {  	_ =	swait.ge [sflag:s8], $0x2000  }
0x168: {  	[sflag:s8] =	ssyncset.done $0x0  }
0x169: {  	s18 =	simm.s32 $0x480;
	[sflag:s8] =	ssyncadd.s32 $0xFFFFE000  }
0x16a: {  	[spmem:s1] =	stream.indirect.scatter.add.f32 [tilespmem:s10], [sflag:$0xD], $0x40, s18, s26, $0xb8;
	v63 =	vld [tilespmem:$0x0]  }
0x16b: {  	s20 =	simm.s32 $0x6  }
0x16c: {  	[spmem:s2] =	stream.indirect.scatter.add.f32 [tilespmem:s25], [sflag:$0x15], $0x10, s18, s26, $0xb8;
	v63 =	vld [tilespmem:$0x0]  }
0x16d: {  	_ =	swait.ge [sflag:s20], $0x2000  }
0x16e: {  	[sflag:s20] =	ssyncset.done $0x0  }
0x16f: {  	s8 =	simm.s32 $0x580;
	[sflag:s20] =	ssyncadd.s32 $0xFFFFE000  }
0x170: {  	[spmem:s1] =	stream.indirect.scatter.add.f32 [tilespmem:s12], [sflag:$0xE], $0x40, s8, s26, $0xb8;
	v63 =	vld [tilespmem:$0x0]  }
0x171: {  	s10 =	simm.s32 $0x7  }
0x172: {  	[spmem:s2] =	stream.indirect.scatter.add.f32 [tilespmem:s25], [sflag:$0x16], $0x10, s8, s26, $0xb8;
	v63 =	vld [tilespmem:$0x0]  }
0x173: {  	_ =	swait.ge [sflag:s10], $0x2000  }
0x174: {  	[sflag:s10] =	ssyncset.done $0x0  }
0x175: {  	s12 =	simm.s32 $0x680;
	[sflag:s10] =	ssyncadd.s32 $0xFFFFE000  }
0x176: {  	[spmem:s1] =	stream.indirect.scatter.add.f32 [tilespmem:s23], [sflag:$0xF], $0x40, s12, s26, $0xb8;
	v63 =	vld [tilespmem:$0x0]  }
0x177: {  	s18 =	simm.s32 $0x8  }
0x178: {  	[spmem:s2] =	stream.indirect.scatter.add.f32 [tilespmem:s25], [sflag:$0x17], $0x10, s12, s26, $0xb8;
	v63 =	vld [tilespmem:$0x0]  }
0x179: {  	_ =	swait.ge [sflag:s18], $0x2000  }
0x17a: {  	[sflag:s18] =	ssyncset.done $0x0  }
0x17b: {  	s20 =	simm.s32 $0x780;
	[sflag:s18] =	ssyncadd.s32 $0xFFFFE000  }
0x17c: {  	[spmem:s1] =	stream.indirect.scatter.add.f32 [tilespmem:s7], [sflag:$0x10], $0x40, s20, s26, $0xb8;
	v63 =	vld [tilespmem:$0x0]  }
0x17d: {  	s23 =	simm.s32 $0x9  }
0x17e: {  	[spmem:s2] =	stream.indirect.scatter.add.f32 [tilespmem:s25], [sflag:$0x18], $0x10, s20, s26, $0xb8;
	v63 =	vld [tilespmem:$0x0]  }
0x17f: {  	_ =	swait.ge [sflag:s23], $0x2000  }
0x180: {  	[sflag:s23] =	ssyncset.done $0x0  }
0x181: {  	[sflag:s23] =	ssyncadd.s32 $0xFFFFE000  }
0x182: {  	_ =	swait.ge [sflag:s4], $0x800  }
0x183: {  	[sflag:s4] =	ssyncset.done $0x0  }
0x184: {  	[sflag:s4] =	ssyncadd.s32 $0xFFFFF800  }
0x185: {  	_ =	swait.ge [sflag:s22], $0x2000  }
0x186: {  	[sflag:s22] =	ssyncset.done $0x0  }
0x187: {  	[sflag:s22] =	ssyncadd.s32 $0xFFFFE000  }
0x188: {  	_ =	swait.ge [sflag:s28], $0x800  }
0x189: {  	[sflag:s28] =	ssyncset.done $0x0  }
0x18a: {  	[sflag:s28] =	ssyncadd.s32 $0xFFFFF800  }
0x18b: {  	_ =	swait.ge [sflag:s29], $0x2000  }
0x18c: {  	[sflag:s29] =	ssyncset.done $0x0  }
0x18d: {  	[sflag:s29] =	ssyncadd.s32 $0xFFFFE000  }
0x18e: {  	_ =	swait.ge [sflag:s30], $0x800  }
0x18f: {  	[sflag:s30] =	ssyncset.done $0x0  }
0x190: {  	[sflag:s30] =	ssyncadd.s32 $0xFFFFF800  }
0x191: {  	_ =	swait.ge [sflag:s31], $0x2000  }
0x192: {  	[sflag:s31] =	ssyncset.done $0x0  }
0x193: {  	[sflag:s31] =	ssyncadd.s32 $0xFFFFE000  }
0x194: {  	_ =	swait.ge [sflag:s0], $0x800  }
0x195: {  	[sflag:s0] =	ssyncset.done $0x0  }
0x196: {  	[sflag:s0] =	ssyncadd.s32 $0xFFFFF800  }
0x197: {  	_ =	swait.ge [sflag:s3], $0x2000  }
0x198: {  	[sflag:s3] =	ssyncset.done $0x0  }
0x199: {  	[sflag:s3] =	ssyncadd.s32 $0xFFFFE000  }
0x19a: {  	_ =	swait.ge [sflag:s5], $0x800  }
0x19b: {  	[sflag:s5] =	ssyncset.done $0x0  }
0x19c: {  	[sflag:s5] =	ssyncadd.s32 $0xFFFFF800  }
0x19d: {  	_ =	swait.ge [sflag:s15], $0x2000  }
0x19e: {  	[sflag:s15] =	ssyncset.done $0x0  }
0x19f: {  	[sflag:s15] =	ssyncadd.s32 $0xFFFFE000  }
0x1a0: {  	_ =	swait.ge [sflag:s17], $0x800  }
0x1a1: {  	[sflag:s17] =	ssyncset.done $0x0  }
0x1a2: {  	[sflag:s17] =	ssyncadd.s32 $0xFFFFF800  }
0x1a3: {  	_ =	swait.ge [sflag:s19], $0x2000  }
0x1a4: {  	[sflag:s19] =	ssyncset.done $0x0  }
0x1a5: {  	[sflag:s19] =	ssyncadd.s32 $0xFFFFE000  }
0x1a6: {  	_ =	swait.ge [sflag:s21], $0x800  }
0x1a7: {  	[sflag:s21] =	ssyncset.done $0x0  }
0x1a8: {  	[sflag:s21] =	ssyncadd.s32 $0xFFFFF800  }
0x1a9: {  	_ =	swait.ge [sflag:s9], $0x2000  }
0x1aa: {  	[sflag:s9] =	ssyncset.done $0x0  }
0x1ab: {  	[sflag:s9] =	ssyncadd.s32 $0xFFFFE000  }
0x1ac: {  	_ =	swait.ge [sflag:s11], $0x800  }
0x1ad: {  	[sflag:s11] =	ssyncset.done $0x0  }
0x1ae: {  	[sflag:s11] =	ssyncadd.s32 $0xFFFFF800  }
0x1af: {  	[bflag:$0x0] =	sbarrier.arrive $0xFFFF  }
0x1b0: {  	s18 =	rddreg [dreg:$0x10]  }
0x1b1: {  	[tilespmem:s13], [sflag:$0x19] =	stream.linear.gather [spmem:s18], $0x2000, $0x38;
	v63 =	vld [tilespmem:$0x0]  }
0x1b2: {  	_ =	swait.ge [sflag:s16], $0x2000  }
0x1b3: {  	[sflag:s16] =	ssyncset.done $0x0  }
0x1b4: {  	s7 =	rddreg [dreg:$0x16];
	[sflag:s16] =	ssyncadd.s32 $0xFFFFE000  }
0x1b5: {  	[hbm4b:s7+s24] =	stream.linear.scatter [tilespmem:s13], [sflag:$0x19], $0x2000, $0x38;
	v63 =	vld [tilespmem:$0x0]  }
0x1b6: {  	_ =	swait.ge [sflag:s16], $0x2000  }
0x1b7: {  	[sflag:s16] =	ssyncset.done $0x0  }
0x1b8: {  	s20 =	rddreg [dreg:$0x11];
	[sflag:s16] =	ssyncadd.s32 $0xFFFFE000  }
0x1b9: {  	[tilespmem:s13], [sflag:$0x19] =	stream.linear.gather [spmem:s20], $0x2000, $0x38;
	v63 =	vld [tilespmem:$0x0]  }
0x1ba: {  	_ =	swait.ge [sflag:s16], $0x2000  }
0x1bb: {  	[sflag:s16] =	ssyncset.done $0x0  }
0x1bc: {  	s8 =	rddreg [dreg:$0x17];
	[sflag:s16] =	ssyncadd.s32 $0xFFFFE000  }
0x1bd: {  	[hbm4b:s8+s24] =	stream.linear.scatter [tilespmem:s13], [sflag:$0x19], $0x2000, $0x38;
	v63 =	vld [tilespmem:$0x0]  }
0x1be: {  	_ =	swait.ge [sflag:s16], $0x2000  }
0x1bf: {  	[sflag:s16] =	ssyncset.done $0x0  }
0x1c0: {  	s8 =	rddreg [dreg:$0x12];
	[sflag:s16] =	ssyncadd.s32 $0xFFFFE000  }
0x1c1: {  	[tilespmem:s13], [sflag:$0x19] =	stream.linear.gather [spmem:s8], $0x2000, $0x38;
	v63 =	vld [tilespmem:$0x0]  }
0x1c2: {  	_ =	swait.ge [sflag:s16], $0x2000  }
0x1c3: {  	[sflag:s16] =	ssyncset.done $0x0  }
0x1c4: {  	s10 =	rddreg [dreg:$0x18];
	[sflag:s16] =	ssyncadd.s32 $0xFFFFE000  }
0x1c5: {  	[hbm4b:s10+s24] =	stream.linear.scatter [tilespmem:s13], [sflag:$0x19], $0x2000, $0x38;
	v63 =	vld [tilespmem:$0x0]  }
0x1c6: {  	_ =	swait.ge [sflag:s16], $0x2000  }
0x1c7: {  	[sflag:s16] =	ssyncset.done $0x0  }
0x1c8: {  	s10 =	rddreg [dreg:$0x13];
	[sflag:s16] =	ssyncadd.s32 $0xFFFFE000  }
0x1c9: {  	[tilespmem:s13], [sflag:$0x19] =	stream.linear.gather [spmem:s10], $0x2000, $0x38;
	v63 =	vld [tilespmem:$0x0]  }
0x1ca: {  	_ =	swait.ge [sflag:s16], $0x2000  }
0x1cb: {  	[sflag:s16] =	ssyncset.done $0x0  }
0x1cc: {  	s12 =	rddreg [dreg:$0x19];
	[sflag:s16] =	ssyncadd.s32 $0xFFFFE000  }
0x1cd: {  	[hbm4b:s12+s24] =	stream.linear.scatter [tilespmem:s13], [sflag:$0x19], $0x2000, $0x38;
	v63 =	vld [tilespmem:$0x0]  }
0x1ce: {  	_ =	swait.ge [sflag:s16], $0x2000  }
0x1cf: {  	[sflag:s16] =	ssyncset.done $0x0  }
0x1d0: {  	s12 =	rddreg [dreg:$0x14];
	[sflag:s16] =	ssyncadd.s32 $0xFFFFE000  }
0x1d1: {  	[tilespmem:s13], [sflag:$0x19] =	stream.linear.gather [spmem:s12], $0x2000, $0x38;
	v63 =	vld [tilespmem:$0x0]  }
0x1d2: {  	_ =	swait.ge [sflag:s16], $0x2000  }
0x1d3: {  	[sflag:s16] =	ssyncset.done $0x0  }
0x1d4: {  	s23 =	rddreg [dreg:$0x1a];
	[sflag:s16] =	ssyncadd.s32 $0xFFFFE000  }
0x1d5: {  	[hbm4b:s23+s24] =	stream.linear.scatter [tilespmem:s13], [sflag:$0x19], $0x2000, $0x38;
	v63 =	vld [tilespmem:$0x0]  }
0x1d6: {  	_ =	swait.ge [sflag:s16], $0x2000  }
0x1d7: {  	[sflag:s16] =	ssyncset.done $0x0  }
0x1d8: {  	s6 =	simm.s32 $0x1B000;
	s13 =	rddreg [dreg:$0x15];
	[sflag:s16] =	ssyncadd.s32 $0xFFFFE000  }
0x1d9: {  	[tilespmem:s6], [sflag:$0x19] =	stream.linear.gather [spmem:s13], $0x2800, $0x38;
	v63 =	vld [tilespmem:$0x0]  }
0x1da: {  	_ =	swait.ge [sflag:s16], $0x2800  }
0x1db: {  	[sflag:s16] =	ssyncset.done $0x0  }
0x1dc: {  	s23 =	rddreg [dreg:$0x1b];
	[sflag:s16] =	ssyncadd.s32 $0xFFFFD800  }
0x1dd: {  	[hbm4b:s23+s24] =	stream.linear.scatter [tilespmem:s6], [sflag:$0x19], $0x2800, $0x38;
	v63 =	vld [tilespmem:$0x0]  }
0x1de: {  	_ =	swait.ge [sflag:s16], $0x2800  }
0x1df: {  	s23 =	rddreg [dreg:$0x1d]  }
0x1e0: {  	s24 =	rddreg [dreg:$0x1c];
	s7 =	sadd.s32 $0x1, s23  }
0x1e1: {  	p0 =	sne.s32 s7, s24  }
.Ltmp1:
0x1e2: {  	_ = 	snop;
	(pc) =	sbr.rel @p0 .LBB2_1-.Ltmp1, $3  }
0x1e3: {  	_ =	sdelay $0x1  }
0x1e4: {  	[sflag:s16] =	ssyncset.done $0x0  }
0x1e5: {  	[sflag:s16] =	ssyncadd.s32 $0xFFFFD800  }
0x1e6: {  	_ =	sfence.sel $0x180000  }
0x1e7: {  	[bflag:$0x0] =	sbarrier.arrive $0xFFFF  }
0x1e8: {  	_ =	strace $0x90000047  }
0x1e9: {  	s0 =	stileid.u32;
	[bflag:$0x2] =	sbarrier.arrive $0xFFFF  }
0x1ea: {  	p0 =	sne.s32 s0, $0x0;
	s0 =	rddreg [dreg:$0x4]  }
0x1eb: {  	s0 =	sadd.s32 @!p0 $0x100000, s0  }
0x1ec: {  	[sflag:s0] =	ssyncadd.tile.s32 @!p0 $0x1;
	_ =	shalt  }
.Lfunc_end2:
_tile_overlayer_lowered:
.L_overlay_start_2:
0x1ed: {  	(tag) =	ssettag $0x2  }
0x1ee: {  	s0 =	rddreg [dreg:$0x0];
	s2 =	stileid.u32  }
0x1ef: {  	s1 =	rddreg [dreg:$0x1];
	p0 =	sne.s32 s2, $0x0  }
0x1f0: {  	s3 =	rddreg [dreg:$0x2];
	[bflag:$0x3] =	sbarrier.arrive $0xFFFF;
	s2 =	simm.s32 @!p0 $0x1C19  }
0x1f1: {  	[timem:s3], [sflag:s2] =	dma.local @!p0 [hbm:s0], s1  }
0x1f2: {  	s0 =	simm.s32 @!p0 $0x19  }
0x1f3: {  	_ =	swait.ge @!p0 [sflag:s0], s1  }
0x1f4: {  	s1 =	ssub.s32 @!p0 $0x0, s1;
	[sflag:s0] =	ssyncset.done @!p0 $0x0  }
0x1f5: {  	[sflag:s0] =	ssyncadd.s32 @!p0 s1  }
0x1f6: {  	[bflag:$0x3] =	sbarrier.arrive $0xFFFF  }
0x1f7: {  	_ =	shalt  }

// kernel: kernel.9.cloned.1.call-start
scs
__scs_entry_jumppad:
0x0: {  	(pc) =	sbr.rel $0x88, $3  }
0x1: {  	(tag) =	ssettag $0x0;
	lr =	simm.s32 $0x1  }
0x2: {  	[smem:$0x3F99] =	sst lr;
	_ =	strace $0xD0000000  }
0x3: {  	_ = 	snop  }
0x4: {  	_ = 	snop  }
0x5: {  	_ = 	snop  }
0x6: {  	_ = 	snop  }
0x7: {  	_ = 	snop  }
__scs_overlays_trampoline_lowered:
0x8: {  	[smem:$0x3FA8] =	sst s0  }
0x9: {  	[smem:$0x3FA9] =	sst s1  }
0xa: {  	[smem:$0x3FAA] =	sst s2  }
0xb: {  	[smem:$0x3FAB] =	sst s3  }
0xc: {  	[smem:$0x3FAC] =	sst s4  }
0xd: {  	[smem:$0x3FAD] =	sst s5  }
0xe: {  	[smem:$0x3FAE] =	sst s6  }
0xf: {  	[smem:$0x3FAF] =	sst s7  }
0x10: {  	[smem:$0x3FB0] =	sst s8  }
0x11: {  	[smem:$0x3FB1] =	sst s9;
	s0 =	simm.s32 @!p0 $0x0  }
0x12: {  	s1 =	sld [smem:$0x3F97];
	s0 =	simm.s32 @p0 $0x1  }
0x13: {  	[smem:$0x3FB2] =	sst s0;
	s0 =	simm.s32 @!p1 $0x0  }
0x14: {  	s2 =	sld [smem:$0x3F96];
	s0 =	simm.s32 @p1 $0x1  }
0x15: {  	[smem:$0x3FB3] =	sst s0;
	s0 =	simm.s32 @!p2 $0x0  }
0x16: {  	s3 =	sld [smem:$0x3FDB];
	s0 =	simm.s32 @p2 $0x1  }
0x17: {  	s4 =	simm.s32 $0x1BF5;
	[smem:$0x3FB5] =	sst s0  }
0x18: {  	s0 =	sld [smem:$0x3F98];
	_ =	swait.ge [sflag:s4], $0x0  }
0x19: {  	s7 =	sld [smem:$0x3F99]  }
0x1a: {  	s8 =	sadd.s32 $0xFFFFE003, lr  }
0x1b: {  	s9 =	sadd.s32 $0xFFFFFEF7, lr;
	s5 =	simm.s32 $0xFFFFFFFF;
	p2 =	slt.u32 s8, $0xFFFFF086  }
0x1c: {  	p1 =	slt.u32 s9, $0xF7A;
	s5 =	simm.s32 @!p2 $0x0  }
0x1d: {  	s5 =	simm.s32 @p1 $0x1;
	p0 =	seq.s32 s7, s2  }
0x1e: {  	s7 =	smul.u32 @!p0 $0xF7A, s2;
	p2 =	seq.s32 @!p0 s5, $0x0  }
0x1f: {  	s9 =	smul.u32 $0xF7A, s1;
	s8 =	simm.s32 @!p0 $0x1BF5;
	p2 =	por !p2, p0  }
0x20: {  	[sflag:s8] =	ssyncset.s32 @!p0 $0xFFFFF086;
	s6 =	sadd.s32 @!p0 s3, s7;
	s7 =	simm.s32 @!p0 $0x108  }
0x21: {  	s3 =	sadd.s32 s3, s9;
	s6 =	sadd.s32 @!p0 $0x88, s6;
	s7 =	simm.s32 @p2 $0x1082  }
0x22: {  	[simem:s7], [sflag:s8] =	dma.local @!p0 [hbm:s6], $0xF7A  }
0x23: {  	s9 =	sor.u32 $0xD0000000, s2;
	s6 =	simm.s32 $0x108;
	_ =	swait.ge @!p0 [sflag:s8], $0x0  }
0x24: {  	s3 =	sadd.s32 $0x88, s3;
	s6 =	simm.s32 @!p1 $0x1082;
	[sflag:s4] =	ssyncset.s32 $0xFFFFF086  }
0x25: {  	[simem:s6], [sflag:s4] =	dma.local [hbm:s3], $0xF7A  }
0x26: {  	[smem:$0x3F99] =	sst s1;
	(tag) =	ssettag s2;
	_ =	strace s9  }
0x27: {  	s1 =	sld [smem:$0x3FA9]  }
0x28: {  	s2 =	sld [smem:$0x3FAA]  }
0x29: {  	s4 =	sld [smem:$0x3FAC]  }
0x2a: {  	p0 =	seq.s32 s5, $0x0;
	s5 =	sld [smem:$0x3FAD]  }
0x2b: {  	s6 =	sld [smem:$0x3FAE]  }
0x2c: {  	s7 =	sld [smem:$0x3FAF]  }
0x2d: {  	s3 =	simm.s32 $0x108;
	s8 =	sld [smem:$0x3FB0]  }
0x2e: {  	s3 =	simm.s32 @!p0 $0x1082;
	s9 =	sld [smem:$0x3FB1]  }
0x2f: {  	lr =	sadd.s32 s0, s3;
	s0 =	sld [smem:$0x3FA8]  }
0x30: {  	s3 =	sld [smem:$0x3FAB]  }
0x31: {  	[smem:$0x3FB4] =	sst s10  }
0x32: {  	s10 =	sld [smem:$0x3FB2];
	_ =	sdelay $0x3  }
0x33: {  	p0 =	seq.s32 s10, $0x1;
	s10 =	sld [smem:$0x3FB4];
	_ =	sdelay $0x3  }
0x34: {  	[smem:$0x3FB4] =	sst s10  }
0x35: {  	s10 =	sld [smem:$0x3FB3];
	_ =	sdelay $0x3  }
0x36: {  	p1 =	seq.s32 s10, $0x1;
	s10 =	sld [smem:$0x3FB4];
	_ =	sdelay $0x3  }
0x37: {  	[smem:$0x3FB4] =	sst s10  }
0x38: {  	s10 =	sld [smem:$0x3FB5]  }
0x39: {  	_ = 	snop;
	(pc) =	sbr.ind lr, $3  }
0x3a: {  	_ = 	snop  }
0x3b: {  	_ = 	snop  }
0x3c: {  	p2 =	seq.s32 s10, $0x1;
	s10 =	sld [smem:$0x3FB4]  }
0x3d: {  	_ =	shalt  }
0x3e: {  	_ =	shalt  }
0x3f: {  	_ =	shalt  }
0x40: {  	_ =	shalt  }
0x41: {  	_ =	shalt  }
0x42: {  	_ =	shalt  }
0x43: {  	_ =	shalt  }
0x44: {  	_ =	shalt  }
0x45: {  	_ =	shalt  }
0x46: {  	_ =	shalt  }
0x47: {  	_ =	shalt  }
0x48: {  	_ =	shalt  }
0x49: {  	_ =	shalt  }
0x4a: {  	_ =	shalt  }
0x4b: {  	_ =	shalt  }
0x4c: {  	_ =	shalt  }
0x4d: {  	_ =	shalt  }
0x4e: {  	_ =	shalt  }
0x4f: {  	_ =	shalt  }
0x50: {  	_ =	shalt  }
0x51: {  	_ =	shalt  }
0x52: {  	_ =	shalt  }
0x53: {  	_ =	shalt  }
0x54: {  	_ =	shalt  }
0x55: {  	_ =	shalt  }
0x56: {  	_ =	shalt  }
0x57: {  	_ =	shalt  }
0x58: {  	_ =	shalt  }
0x59: {  	_ =	shalt  }
0x5a: {  	_ =	shalt  }
0x5b: {  	_ =	shalt  }
0x5c: {  	_ =	shalt  }
0x5d: {  	_ =	shalt  }
0x5e: {  	_ =	shalt  }
0x5f: {  	_ =	shalt  }
0x60: {  	_ =	shalt  }
0x61: {  	_ =	shalt  }
0x62: {  	_ =	shalt  }
0x63: {  	_ =	shalt  }
0x64: {  	_ =	shalt  }
0x65: {  	_ =	shalt  }
0x66: {  	_ =	shalt  }
0x67: {  	_ =	shalt  }
0x68: {  	_ =	shalt  }
0x69: {  	_ =	shalt  }
0x6a: {  	_ =	shalt  }
0x6b: {  	_ =	shalt  }
0x6c: {  	_ =	shalt  }
0x6d: {  	_ =	shalt  }
0x6e: {  	_ =	shalt  }
0x6f: {  	_ =	shalt  }
0x70: {  	_ =	shalt  }
0x71: {  	_ =	shalt  }
0x72: {  	_ =	shalt  }
0x73: {  	_ =	shalt  }
0x74: {  	_ =	shalt  }
0x75: {  	_ =	shalt  }
0x76: {  	_ =	shalt  }
0x77: {  	_ =	shalt  }
0x78: {  	_ =	shalt  }
0x79: {  	_ =	shalt  }
0x7a: {  	_ =	shalt  }
0x7b: {  	_ =	shalt  }
0x7c: {  	_ =	shalt  }
0x7d: {  	_ =	shalt  }
0x7e: {  	_ =	shalt  }
0x7f: {  	_ =	shalt  }
0x80: {  	_ =	shalt  }
0x81: {  	_ =	shalt  }
0x82: {  	_ =	shalt  }
0x83: {  	_ =	shalt  }
0x84: {  	_ =	shalt  }
0x85: {  	_ =	shalt  }
0x86: {  	_ =	shalt  }
0x87: {  	_ =	shalt  }
.Lfunc_end0:
.L_simem_size_0:
called_computation.1_lowered:
.L_overlay_start_0:
0x88: {  	s2 =	sld [smem:$0x3FD9]  }
0x89: {  	s3 =	sld [smem:$0x3FFE];
	_ =	sdelay $0x1  }
0x8a: {  	s1 =	srdreg.scid  }
0x8b: {  	s0 =	sand.u32 $0x1, s1  }
0x8c: {  	s17 =	sshll.u32 s0, $0xA;
	s2 =	sadd.s32 s3, s2  }
0x8d: {  	s2 =	sadd.s32 s2, s17  }
0x8e: {  	[smem:$0x3FC0] =	sst s2  }
0x8f: {  	_ = 	snop  }
0x90: {  	s2 =	sld [smem:$0x3FD0];
	(tm) =	ssettm $0x1  }
0x91: {  	s18 =	sld [smem:$0x3FFB];
	_ =	sdelay $0x3  }
0x92: {  	_ =	strace s18  }
0x93: {  	s3 =	sld [smem:$0x3FFC];
	_ =	sdelay $0x3  }
0x94: {  	_ =	strace s3  }
0x95: {  	s3 =	sld [smem:$0x3FFD];
	_ =	sdelay $0x3  }
0x96: {  	_ =	strace s3  }
0x97: {  	_ =	strace $0x8FFFFFFF  }
0x98: {  	s19 =	sld [smem:$0x3FDB];
	_ =	sdelay $0x1  }
0x99: {  	s4 =	simm.s32 $_scs_section_size  }
0x9a: {  	s5 =	simm.s32 $_size__tile_overlayer_lowered;
	s6 =	simm.s32 $_tile_overlayer_lowered  }
0x9b: {  	s22 =	simm.s32 $0x1BFF;
	s21 =	sshll.u32 s6, $0x1;
	s3 =	sadd.s32 s4, s19  }
0x9c: {  	s7 =	simm.s32 $0x0;
	s20 =	sshll.u32 s5, $0x1;
	s5 =	sadd.s32 s21, s3  }
0x9d: {  	[timem:s7], [sflag:s22] =	dma.local [hbm:s5], s20  }
0x9e: {  	_ =	swait.ge [sflag:s22], s20  }
0x9f: {  	s4 =	ssub.s32 $0x0, s20;
	[sflag:s22] =	ssyncset.done $0x0  }
0xa0: {  	[sflag:s22] =	ssyncadd.s32 s4;
	_ =	sdelay $0x1  }
0xa1: {  	s23 =	simm.s32 $0x1B8B  }
0xa2: {  	_ =	swait.ge [sflag:s23], $0x1  }
0xa3: {  	[sflag:s23] =	ssyncset.done $0x0  }
0xa4: {  	s25 =	simm.s32 $0x1B8E;
	s24 =	sld [smem:$0x3FFE];
	[sflag:s23] =	ssyncadd.s32 $0xFFFFFFFF  }
0xa5: {  	s26 =	simm.s32 $execute0_lowered;
	[smem:$0x3FD2] =	sst s25  }
0xa6: {  	s5 =	sshll.u32 s26, $0x1;
	_ =	strace $0x80000049;
	[dreg:$0x1] =	wrdreg $0xFFFFFFFF  }
0xa7: {  	s28 =	simm.s32 $_size_execute0_lowered;
	s3 =	sadd.s32 s3, s5;
	[dreg:$0x0] =	wrdreg $0x0  }
0xa8: {  	s5 =	sshll.u32 s28, $0x1;
	[dreg:$0x2] =	wrdreg s3  }
0xa9: {  	[dreg:$0x3] =	wrdreg s5  }
0xaa: {  	[dreg:$0x4] =	wrdreg $0xC0  }
0xab: {  	_ =	task [dreg:s7], $0x5FFFF  }
0xac: {  	[dreg:$0x1] =	wrdreg $0xFFFFFFFF  }
0xad: {  	[dreg:$0x0] =	wrdreg $0x60  }
0xae: {  	[dreg:$0x2] =	wrdreg s24  }
0xaf: {  	[dreg:$0x3] =	wrdreg s2  }
0xb0: {  	[dreg:$0x4] =	wrdreg $0x108000  }
0xb1: {  	[dreg:$0x5] =	wrdreg $0x9  }
0xb2: {  	_ =	task.clear_ibuf [dreg:s7], $0x6FFFF;
	_ =	strace $0x90000049  }
0xb3: {  	s29 =	simm.s32 $0x9;
	_ =	strace $0x8000004B  }
0xb4: {  	_ =	swait.ge [sflag:s29], $0x1  }
0xb5: {  	[sflag:s29] =	ssyncadd.s32 $0xFFFFFFFF  }
0xb6: {  	_ =	strace $0x9000004B  }
0xb7: {  	_ =	sfence  }
0xb8: {  	s30 =	sld [smem:$0x0];
	_ =	sdelay $0x2  }
0xb9: {  	s31 =	sshll.u32 s1, $0xD;
	s1 =	sshrl.u32 s1, $0x2  }
0xba: {  	s3 =	sand.u32 $0x4000, s31;
	s1 =	sadd.s32 s1, s30  }
0xbb: {  	s0 =	sor.u32 s3, s0;
	s1 =	sshll.u32 s1, $0x11  }
0xbc: {  	s0 =	sor.u32 s1, s0  }
0xbd: {  	s0 =	sadd.s32 $0x8F2B, s0  }
0xbe: {  	[sflag:s0] =	ssyncadd.remote.s32 $0x1  }
0xbf: {  	_ =	sfence.sel $0xFFFF  }
0xc0: {  	[dreg:$0x0] =	wrdreg $0xFFFFFFFF;
	(pc) =	sbr.abs _section_cstart, $3  }
0xc1: {  	[dreg:$0x1] =	wrdreg $0xFFFFFFFF  }
0xc2: {  	_ =	task.clear_ibuf [dreg:s7], $0x2FFFF;
	_ =	strace $0x9FFFFFFF  }
0xc3: {  	(tm) =	ssettm $0x7FFFFFFF  }
tec
execute0_lowered:
.L_overlay_start_1:
0x0: {  	(tag) =	ssettag $0x1  }
0x1: {  	s0 =	rddreg [dreg:$0x0]  }
0x2: {  	s2 =	rddreg [dreg:$0x1]  }
0x3: {  	s1 =	rddreg [dreg:$0x2];
	s4 =	simm.s32 $0x0;
	s3 =	srdreg.scid  }
0x4: {  	s12 =	stileid.u32;
	s28 =	simm.s32 $0x1;
	s29 =	simm.s32 $0x2  }
0x5: {  	s30 =	simm.s32 $0x3;
	s31 =	simm.s32 $0x4;
	s6 =	smul.u32 $0xA000, s12  }
0x6: {  	[smem:$0x7FF] =	sst s4;
	s3 =	sand.u32 $0x1, s3;
	s12 =	smul.u32 $0x1400, s12  }
0x7: {  	s7 =	sadd.s32 $0x7A000, s0;
	s24 =	smul.u32 $0x14000, s3;
	_ =	strace $0x8000004A  }
0x8: {  	s5 =	ssub.s32 $0x2, s3;
	[dreg:$0x13] =	wrdreg s7;
	s3 =	smul.u32 $0xA0000, s3  }
0x9: {  	s7 =	simm.s32 $0x400;
	s25 =	sshrl.u32 s5, $0x1;
	s20 =	sadd.s32 s6, s1  }
0xa: {  	s26 =	sadd.s32 $0x2000, s6;
	s14 =	sadd.s32 $0x4000, s6;
	s13 =	sadd.s32 $0x6000, s6  }
0xb: {  	s11 =	sadd.s32 $0x8000, s6;
	s2 =	sadd.s32 s12, s2;
	[dreg:$0x8] =	wrdreg s7  }
0xc: {  	s12 =	simm.s32 $0x600;
	s4 =	sadd.s32 s24, s0;
	s5 =	ssub.s32 s5, s25  }
0xd: {  	s21 =	sadd.s32 s26, s1;
	s6 =	sadd.s32 s6, s3;
	[dreg:$0x4] =	wrdreg s2  }
0xe: {  	s9 =	sadd.s32 s11, s1;
	s16 =	sadd.s32 s3, s26;
	[dreg:$0xa] =	wrdreg s12  }
0xf: {  	s17 =	sadd.s32 s3, s14;
	s25 =	simm.s32 $0x100;
	[dreg:$0x14] =	wrdreg s20  }
0x10: {  	s24 =	sadd.s32 s3, s13;
	s26 =	simm.s32 $0x200;
	[dreg:$0x5] =	wrdreg s25  }
0x11: {  	s3 =	sadd.s32 s3, s11;
	s11 =	simm.s32 $0x500;
	[dreg:$0x6] =	wrdreg s26  }
0x12: {  	s22 =	sadd.s32 s14, s1;
	s14 =	simm.s32 $0x700;
	[dreg:$0x9] =	wrdreg s11  }
0x13: {  	s7 =	simm.s32 $0x10;
	s0 =	sadd.s32 $0x7AA00, s0;
	[dreg:$0xb] =	wrdreg s14  }
0x14: {  	s8 =	sadd.s32 s13, s1;
	s12 =	simm.s32 $0x9;
	[dreg:$0x15] =	wrdreg s21  }
0x15: {  	s10 =	sadd.s32 $0x51E00, s4;
	s15 =	sshrl.u32 s6, $0x3;
	[dreg:$0x16] =	wrdreg s22  }
0x16: {  	s18 =	sshrl.u32 s16, $0x3;
	s19 =	sshrl.u32 s17, $0x3;
	[dreg:$0x17] =	wrdreg s8  }
0x17: {  	s6 =	simm.s32 $0x300;
	s3 =	sshrl.u32 s3, $0x3;
	[dreg:$0x18] =	wrdreg s9  }
0x18: {  	s13 =	smax.u32 s5, $0x1;
	s16 =	simm.s32 $0x280;
	[dreg:$0x7] =	wrdreg s6  }
0x19: {  	s17 =	simm.s32 $0x380;
	s25 =	simm.s32 $0x680;
	[dreg:$0x1e] =	wrdreg s13  }
0x1a: {  	s26 =	simm.s32 $0x780;
	s11 =	simm.s32 $0x8;
	[dreg:$0xd] =	wrdreg s16  }
0x1b: {  	s14 =	simm.s32 $0xB;
	s5 =	simm.s32 $0xE;
	[dreg:$0xe] =	wrdreg s17  }
0x1c: {  	s4 =	sadd.s32 s0, s15;
	s23 =	sadd.s32 s0, s19;
	[dreg:$0x11] =	wrdreg s25  }
0x1d: {  	s15 =	simm.s32 $0x180;
	s19 =	simm.s32 $0x80;
	[dreg:$0x12] =	wrdreg s26  }
0x1e: {  	s13 =	simm.s32 $0xA;
	s16 =	simm.s32 $0xD;
	[dreg:$0x19] =	wrdreg s4  }
0x1f: {  	s6 =	simm.s32 $0xF;
	s17 =	simm.s32 $0x0;
	[dreg:$0x1b] =	wrdreg s23  }
0x20: {  	s26 =	simm.s32 $0xC800;
	s4 =	sadd.s32 s0, s18;
	[dreg:$0xc] =	wrdreg s15  }
0x21: {  	s18 =	simm.s32 $0x11;
	s23 =	simm.s32 $0x480;
	[dreg:$0x1a] =	wrdreg s4  }
0x22: {  	s4 =	sshrl.u32 s24, $0x3;
	[dreg:$0xf] =	wrdreg s23;
	s24 =	simm.s32 $0x580  }
0x23: {  	s15 =	simm.s32 $0xC;
	s4 =	sadd.s32 s0, s4;
	[dreg:$0x10] =	wrdreg s24  }
0x24: {  	s0 =	sadd.s32 s0, s3;
	s3 =	simm.s32 $0x6;
	[dreg:$0x1c] =	wrdreg s4  }
0x25: {  	[dreg:$0x1d] =	wrdreg s0;
	s0 =	simm.s32 $0x5;
	s4 =	simm.s32 $0x7  }
.LBB2_1:
0x26: {  	[dreg:$0x1f] =	wrdreg s17  }
0x27: {  	s23 =	simm.s32 $0x0;
	s2 =	rddreg [dreg:$0x13];
	s17 =	simm.s32 $0x800  }
0x28: {  	[tilespmem:s17], [sflag:$0x11] =	stream.linear.gather [hbm4b:s2+s23], $0x2000, $0x38;
	[tilespmem:$0x1A800] =	vst v63  }
0x29: {  	_ =	swait.ge [sflag:s18], $0x2000  }
0x2a: {  	[sflag:s18] =	ssyncset.done $0x0  }
0x2b: {  	[sflag:s18] =	ssyncadd.s32 $0xFFFFE000  }
0x2c: {  	[spmem:s20] =	stream.linear.scatter [tilespmem:s17], [sflag:$0x11], $0x2000, $0x38;
	[tilespmem:$0x1A800] =	vst v63  }
0x2d: {  	_ =	swait.ge [sflag:s18], $0x2000  }
0x2e: {  	[sflag:s18] =	ssyncset.done $0x0  }
0x2f: {  	[sflag:s18] =	ssyncadd.s32 $0xFFFFE000  }
0x30: {  	[spmem:s21] =	stream.linear.scatter [tilespmem:s17], [sflag:$0x11], $0x2000, $0x38;
	[tilespmem:$0x1A800] =	vst v63  }
0x31: {  	_ =	swait.ge [sflag:s18], $0x2000  }
0x32: {  	[sflag:s18] =	ssyncset.done $0x0  }
0x33: {  	[sflag:s18] =	ssyncadd.s32 $0xFFFFE000  }
0x34: {  	[spmem:s22] =	stream.linear.scatter [tilespmem:s17], [sflag:$0x11], $0x2000, $0x38;
	[tilespmem:$0x1A800] =	vst v63  }
0x35: {  	_ =	swait.ge [sflag:s18], $0x2000  }
0x36: {  	[sflag:s18] =	ssyncset.done $0x0  }
0x37: {  	[sflag:s18] =	ssyncadd.s32 $0xFFFFE000  }
0x38: {  	[spmem:s8] =	stream.linear.scatter [tilespmem:s17], [sflag:$0x11], $0x2000, $0x38;
	[tilespmem:$0x1A800] =	vst v63  }
0x39: {  	_ =	swait.ge [sflag:s18], $0x2000  }
0x3a: {  	[sflag:s18] =	ssyncset.done $0x0  }
0x3b: {  	[sflag:s18] =	ssyncadd.s32 $0xFFFFE000  }
0x3c: {  	[spmem:s9] =	stream.linear.scatter [tilespmem:s17], [sflag:$0x11], $0x2000, $0x38;
	[tilespmem:$0x1A800] =	vst v63  }
0x3d: {  	_ =	swait.ge [sflag:s18], $0x2000  }
0x3e: {  	[sflag:s18] =	ssyncset.done $0x0  }
0x3f: {  	[sflag:s18] =	ssyncadd.s32 $0xFFFFE000  }
0x40: {  	[bflag:$0x0] =	sbarrier.arrive $0xFFFF  }
0x41: {  	s9 =	rddreg [dreg:$0x4]  }
0x42: {  	s2 =	sadd.s32 $0x0, s9  }
0x43: {  	[tilespmem:s23], [sflag:$0x11] =	stream.linear.gather [hbm4b:s2+s23], $0x800, $0x38;
	[tilespmem:$0x1A800] =	vst v63  }
0x44: {  	_ =	swait.ge [sflag:s18], $0x800  }
0x45: {  	[sflag:s18] =	ssyncset.done $0x0  }
0x46: {  	[sflag:s18] =	ssyncadd.s32 $0xFFFFF800  }
0x47: {  	[tilespmem:s17], [sflag:$0x1] =	stream.indirect.gather [hbm4b:s10+s19], $0x40, s23, s19, $0xb8;
	[tilespmem:$0x1A800] =	vst v63  }
0x48: {  	s9 =	simm.s32 $0x2800;
	s20 =	rddreg [dreg:$0x5]  }
0x49: {  	[tilespmem:s9], [sflag:$0x2] =	stream.indirect.gather [hbm4b:s10+s19], $0x40, s20, s19, $0xb8;
	[tilespmem:$0x1A800] =	vst v63  }
0x4a: {  	s21 =	rddreg [dreg:$0x6];
	s20 =	simm.s32 $0x4800  }
0x4b: {  	[tilespmem:s20], [sflag:$0x3] =	stream.indirect.gather [hbm4b:s10+s19], $0x40, s21, s19, $0xb8;
	[tilespmem:$0x1A800] =	vst v63  }
0x4c: {  	s22 =	rddreg [dreg:$0x7];
	s21 =	simm.s32 $0x6800  }
0x4d: {  	[tilespmem:s21], [sflag:$0x4] =	stream.indirect.gather [hbm4b:s10+s19], $0x40, s22, s19, $0xb8;
	[tilespmem:$0x1A800] =	vst v63  }
0x4e: {  	s23 =	rddreg [dreg:$0x8];
	s22 =	simm.s32 $0x8800  }
0x4f: {  	[tilespmem:s22], [sflag:$0x5] =	stream.indirect.gather [hbm4b:s10+s19], $0x40, s23, s19, $0xb8;
	[tilespmem:$0x1A800] =	vst v63  }
0x50: {  	s24 =	rddreg [dreg:$0x9];
	s23 =	simm.s32 $0xA800  }
0x51: {  	[tilespmem:s23], [sflag:$0x6] =	stream.indirect.gather [hbm4b:s10+s19], $0x40, s24, s19, $0xb8;
	[tilespmem:$0x1A800] =	vst v63  }
0x52: {  	s8 =	rddreg [dreg:$0xa];
	s24 =	simm.s32 $0xC800  }
0x53: {  	[tilespmem:s24], [sflag:$0x7] =	stream.indirect.gather [hbm4b:s10+s19], $0x40, s8, s19, $0xb8;
	[tilespmem:$0x1A800] =	vst v63  }
0x54: {  	s25 =	rddreg [dreg:$0xb];
	s8 =	simm.s32 $0xE800  }
0x55: {  	[tilespmem:s8], [sflag:$0x8] =	stream.indirect.gather [hbm4b:s10+s19], $0x40, s25, s19, $0xb8;
	[tilespmem:$0x1A800] =	vst v63  }
0x56: {  	_ =	swait.ge [sflag:s28], $0x2000  }
0x57: {  	[sflag:s28] =	ssyncset.done $0x0  }
0x58: {  	[sflag:s28] =	ssyncadd.s32 $0xFFFFE000  }
0x59: {  	[spmem:s1] =	stream.indirect.scatter.add.f32 [tilespmem:s17], [sflag:$0x9], $0x40, s19, s19, $0xb8;
	[tilespmem:$0x1A800] =	vst v63  }
0x5a: {  	_ =	swait.ge [sflag:s29], $0x2000  }
0x5b: {  	[sflag:s29] =	ssyncset.done $0x0  }
0x5c: {  	s25 =	rddreg [dreg:$0xc];
	[sflag:s29] =	ssyncadd.s32 $0xFFFFE000  }
0x5d: {  	[spmem:s1] =	stream.indirect.scatter.add.f32 [tilespmem:s9], [sflag:$0xA], $0x40, s25, s19, $0xb8;
	[tilespmem:$0x1A800] =	vst v63  }
0x5e: {  	_ =	swait.ge [sflag:s30], $0x2000  }
0x5f: {  	[sflag:s30] =	ssyncset.done $0x0  }
0x60: {  	s17 =	rddreg [dreg:$0xd];
	[sflag:s30] =	ssyncadd.s32 $0xFFFFE000  }
0x61: {  	[spmem:s1] =	stream.indirect.scatter.add.f32 [tilespmem:s20], [sflag:$0xB], $0x40, s17, s19, $0xb8;
	[tilespmem:$0x1A800] =	vst v63  }
0x62: {  	_ =	swait.ge [sflag:s31], $0x2000  }
0x63: {  	[sflag:s31] =	ssyncset.done $0x0  }
0x64: {  	s20 =	rddreg [dreg:$0xe];
	[sflag:s31] =	ssyncadd.s32 $0xFFFFE000  }
0x65: {  	[spmem:s1] =	stream.indirect.scatter.add.f32 [tilespmem:s21], [sflag:$0xC], $0x40, s20, s19, $0xb8;
	[tilespmem:$0x1A800] =	vst v63  }
0x66: {  	_ =	swait.ge [sflag:s0], $0x2000  }
0x67: {  	[sflag:s0] =	ssyncset.done $0x0  }
0x68: {  	s21 =	rddreg [dreg:$0xf];
	[sflag:s0] =	ssyncadd.s32 $0xFFFFE000  }
0x69: {  	[spmem:s1] =	stream.indirect.scatter.add.f32 [tilespmem:s22], [sflag:$0xD], $0x40, s21, s19, $0xb8;
	[tilespmem:$0x1A800] =	vst v63  }
0x6a: {  	_ =	swait.ge [sflag:s3], $0x2000  }
0x6b: {  	[sflag:s3] =	ssyncset.done $0x0  }
0x6c: {  	s22 =	rddreg [dreg:$0x10];
	[sflag:s3] =	ssyncadd.s32 $0xFFFFE000  }
0x6d: {  	[spmem:s1] =	stream.indirect.scatter.add.f32 [tilespmem:s23], [sflag:$0xE], $0x40, s22, s19, $0xb8;
	[tilespmem:$0x1A800] =	vst v63  }
0x6e: {  	_ =	swait.ge [sflag:s4], $0x2000  }
0x6f: {  	[sflag:s4] =	ssyncset.done $0x0  }
0x70: {  	s23 =	rddreg [dreg:$0x11];
	[sflag:s4] =	ssyncadd.s32 $0xFFFFE000  }
0x71: {  	[spmem:s1] =	stream.indirect.scatter.add.f32 [tilespmem:s24], [sflag:$0xF], $0x40, s23, s19, $0xb8;
	[tilespmem:$0x1A800] =	vst v63  }
0x72: {  	_ =	swait.ge [sflag:s11], $0x2000  }
0x73: {  	[sflag:s11] =	ssyncset.done $0x0  }
0x74: {  	s25 =	rddreg [dreg:$0x12];
	[sflag:s11] =	ssyncadd.s32 $0xFFFFE000  }
0x75: {  	[spmem:s1] =	stream.indirect.scatter.add.f32 [tilespmem:s8], [sflag:$0x10], $0x40, s25, s19, $0xb8;
	[tilespmem:$0x1A800] =	vst v63  }
0x76: {  	_ =	swait.ge [sflag:s12], $0x2000  }
0x77: {  	[sflag:s12] =	ssyncset.done $0x0  }
0x78: {  	[sflag:s12] =	ssyncadd.s32 $0xFFFFE000  }
0x79: {  	_ =	swait.ge [sflag:s13], $0x2000  }
0x7a: {  	[sflag:s13] =	ssyncset.done $0x0  }
0x7b: {  	[sflag:s13] =	ssyncadd.s32 $0xFFFFE000  }
0x7c: {  	_ =	swait.ge [sflag:s14], $0x2000  }
0x7d: {  	[sflag:s14] =	ssyncset.done $0x0  }
0x7e: {  	[sflag:s14] =	ssyncadd.s32 $0xFFFFE000  }
0x7f: {  	_ =	swait.ge [sflag:s15], $0x2000  }
0x80: {  	[sflag:s15] =	ssyncset.done $0x0  }
0x81: {  	[sflag:s15] =	ssyncadd.s32 $0xFFFFE000  }
0x82: {  	_ =	swait.ge [sflag:s16], $0x2000  }
0x83: {  	[sflag:s16] =	ssyncset.done $0x0  }
0x84: {  	[sflag:s16] =	ssyncadd.s32 $0xFFFFE000  }
0x85: {  	_ =	swait.ge [sflag:s5], $0x2000  }
0x86: {  	[sflag:s5] =	ssyncset.done $0x0  }
0x87: {  	[sflag:s5] =	ssyncadd.s32 $0xFFFFE000  }
0x88: {  	_ =	swait.ge [sflag:s6], $0x2000  }
0x89: {  	[sflag:s6] =	ssyncset.done $0x0  }
0x8a: {  	[sflag:s6] =	ssyncadd.s32 $0xFFFFE000  }
0x8b: {  	s9 =	simm.s32 $0x100;
	_ =	swait.ge [sflag:s7], $0x2000  }
0x8c: {  	s8 =	simm.s32 $0x200;
	s2 =	rddreg [dreg:$0x4];
	[sflag:s7] =	ssyncset.done $0x0  }
.LBB2_2:
0x8d: {  	[sflag:s7] =	ssyncadd.s32 $0xFFFFE000;
	s2 =	sadd.s32 s9, s2;
	s21 =	simm.s32 $0x0  }
0x8e: {  	[tilespmem:s21], [sflag:$0x11] =	stream.linear.gather [hbm4b:s2+s21], $0x800, $0x38;
	[tilespmem:$0x1A800] =	vst v63  }
0x8f: {  	_ =	swait.ge [sflag:s18], $0x800  }
0x90: {  	[sflag:s18] =	ssyncset.done $0x0  }
0x91: {  	s20 =	simm.s32 $0x800;
	[sflag:s18] =	ssyncadd.s32 $0xFFFFF800  }
0x92: {  	[tilespmem:s20], [sflag:$0x1] =	stream.indirect.gather [hbm4b:s10+s19], $0x40, s21, s19, $0xb8;
	[tilespmem:$0x1A800] =	vst v63  }
0x93: {  	s22 =	rddreg [dreg:$0x5];
	s21 =	simm.s32 $0x2800  }
0x94: {  	[tilespmem:s21], [sflag:$0x2] =	stream.indirect.gather [hbm4b:s10+s19], $0x40, s22, s19, $0xb8;
	[tilespmem:$0x1A800] =	vst v63  }
0x95: {  	s23 =	rddreg [dreg:$0x6];
	s22 =	simm.s32 $0x4800  }
0x96: {  	[tilespmem:s22], [sflag:$0x3] =	stream.indirect.gather [hbm4b:s10+s19], $0x40, s23, s19, $0xb8;
	[tilespmem:$0x1A800] =	vst v63  }
0x97: {  	s24 =	rddreg [dreg:$0x7];
	s23 =	simm.s32 $0x6800  }
0x98: {  	[tilespmem:s23], [sflag:$0x4] =	stream.indirect.gather [hbm4b:s10+s19], $0x40, s24, s19, $0xb8;
	[tilespmem:$0x1A800] =	vst v63  }
0x99: {  	s25 =	rddreg [dreg:$0x8];
	s24 =	simm.s32 $0x8800  }
0x9a: {  	[tilespmem:s24], [sflag:$0x5] =	stream.indirect.gather [hbm4b:s10+s19], $0x40, s25, s19, $0xb8;
	[tilespmem:$0x1A800] =	vst v63  }
0x9b: {  	s17 =	smov.u32 s8;
	s2 =	rddreg [dreg:$0x9];
	s25 =	simm.s32 $0xA800  }
0x9c: {  	[tilespmem:s25], [sflag:$0x6] =	stream.indirect.gather [hbm4b:s10+s19], $0x40, s2, s19, $0xb8;
	[tilespmem:$0x1A800] =	vst v63  }
0x9d: {  	s9 =	smov.u32 s17;
	s17 =	rddreg [dreg:$0xa]  }
0x9e: {  	[tilespmem:s26], [sflag:$0x7] =	stream.indirect.gather [hbm4b:s10+s19], $0x40, s17, s19, $0xb8;
	[tilespmem:$0x1A800] =	vst v63  }
0x9f: {  	s2 =	rddreg [dreg:$0xb];
	s17 =	simm.s32 $0xE800  }
0xa0: {  	[tilespmem:s17], [sflag:$0x8] =	stream.indirect.gather [hbm4b:s10+s19], $0x40, s2, s19, $0xb8;
	[tilespmem:$0x1A800] =	vst v63  }
0xa1: {  	_ =	swait.ge [sflag:s28], $0x2000  }
0xa2: {  	[sflag:s28] =	ssyncset.done $0x0  }
0xa3: {  	[sflag:s28] =	ssyncadd.s32 $0xFFFFE000  }
0xa4: {  	[spmem:s1] =	stream.indirect.scatter.add.f32 [tilespmem:s20], [sflag:$0x9], $0x40, s19, s19, $0xb8;
	[tilespmem:$0x1A800] =	vst v63  }
0xa5: {  	_ =	swait.ge [sflag:s29], $0x2000  }
0xa6: {  	[sflag:s29] =	ssyncset.done $0x0  }
0xa7: {  	s20 =	rddreg [dreg:$0xc];
	[sflag:s29] =	ssyncadd.s32 $0xFFFFE000  }
0xa8: {  	[spmem:s1] =	stream.indirect.scatter.add.f32 [tilespmem:s21], [sflag:$0xA], $0x40, s20, s19, $0xb8;
	[tilespmem:$0x1A800] =	vst v63  }
0xa9: {  	_ =	swait.ge [sflag:s30], $0x2000  }
0xaa: {  	[sflag:s30] =	ssyncset.done $0x0  }
0xab: {  	s20 =	rddreg [dreg:$0xd];
	[sflag:s30] =	ssyncadd.s32 $0xFFFFE000  }
0xac: {  	[spmem:s1] =	stream.indirect.scatter.add.f32 [tilespmem:s22], [sflag:$0xB], $0x40, s20, s19, $0xb8;
	[tilespmem:$0x1A800] =	vst v63  }
0xad: {  	_ =	swait.ge [sflag:s31], $0x2000  }
0xae: {  	[sflag:s31] =	ssyncset.done $0x0  }
0xaf: {  	s21 =	rddreg [dreg:$0xe];
	[sflag:s31] =	ssyncadd.s32 $0xFFFFE000  }
0xb0: {  	[spmem:s1] =	stream.indirect.scatter.add.f32 [tilespmem:s23], [sflag:$0xC], $0x40, s21, s19, $0xb8;
	[tilespmem:$0x1A800] =	vst v63  }
0xb1: {  	_ =	swait.ge [sflag:s0], $0x2000  }
0xb2: {  	[sflag:s0] =	ssyncset.done $0x0  }
0xb3: {  	s22 =	rddreg [dreg:$0xf];
	[sflag:s0] =	ssyncadd.s32 $0xFFFFE000  }
0xb4: {  	[spmem:s1] =	stream.indirect.scatter.add.f32 [tilespmem:s24], [sflag:$0xD], $0x40, s22, s19, $0xb8;
	[tilespmem:$0x1A800] =	vst v63  }
0xb5: {  	_ =	swait.ge [sflag:s3], $0x2000  }
0xb6: {  	[sflag:s3] =	ssyncset.done $0x0  }
0xb7: {  	s23 =	rddreg [dreg:$0x10];
	[sflag:s3] =	ssyncadd.s32 $0xFFFFE000  }
0xb8: {  	[spmem:s1] =	stream.indirect.scatter.add.f32 [tilespmem:s25], [sflag:$0xE], $0x40, s23, s19, $0xb8;
	[tilespmem:$0x1A800] =	vst v63  }
0xb9: {  	_ =	swait.ge [sflag:s4], $0x2000  }
0xba: {  	[sflag:s4] =	ssyncset.done $0x0  }
0xbb: {  	s24 =	rddreg [dreg:$0x11];
	[sflag:s4] =	ssyncadd.s32 $0xFFFFE000  }
0xbc: {  	[spmem:s1] =	stream.indirect.scatter.add.f32 [tilespmem:s26], [sflag:$0xF], $0x40, s24, s19, $0xb8;
	[tilespmem:$0x1A800] =	vst v63  }
0xbd: {  	_ =	swait.ge [sflag:s11], $0x2000  }
0xbe: {  	[sflag:s11] =	ssyncset.done $0x0  }
0xbf: {  	s25 =	rddreg [dreg:$0x12];
	[sflag:s11] =	ssyncadd.s32 $0xFFFFE000  }
0xc0: {  	[spmem:s1] =	stream.indirect.scatter.add.f32 [tilespmem:s17], [sflag:$0x10], $0x40, s25, s19, $0xb8;
	[tilespmem:$0x1A800] =	vst v63  }
0xc1: {  	_ =	swait.ge [sflag:s12], $0x2000  }
0xc2: {  	[sflag:s12] =	ssyncset.done $0x0  }
0xc3: {  	[sflag:s12] =	ssyncadd.s32 $0xFFFFE000  }
0xc4: {  	_ =	swait.ge [sflag:s13], $0x2000  }
0xc5: {  	[sflag:s13] =	ssyncset.done $0x0  }
0xc6: {  	[sflag:s13] =	ssyncadd.s32 $0xFFFFE000  }
0xc7: {  	_ =	swait.ge [sflag:s14], $0x2000  }
0xc8: {  	[sflag:s14] =	ssyncset.done $0x0  }
0xc9: {  	[sflag:s14] =	ssyncadd.s32 $0xFFFFE000  }
0xca: {  	_ =	swait.ge [sflag:s15], $0x2000  }
0xcb: {  	[sflag:s15] =	ssyncset.done $0x0  }
0xcc: {  	[sflag:s15] =	ssyncadd.s32 $0xFFFFE000  }
0xcd: {  	_ =	swait.ge [sflag:s16], $0x2000  }
0xce: {  	[sflag:s16] =	ssyncset.done $0x0  }
0xcf: {  	[sflag:s16] =	ssyncadd.s32 $0xFFFFE000  }
0xd0: {  	_ =	swait.ge [sflag:s5], $0x2000  }
0xd1: {  	[sflag:s5] =	ssyncset.done $0x0  }
0xd2: {  	p0 =	sne.s32 s8, $0x1300;
	[sflag:s5] =	ssyncadd.s32 $0xFFFFE000  }
.Ltmp0:
0xd3: {  	_ =	swait.ge [sflag:s6], $0x2000;
	(pc) =	sbr.rel @p0 .LBB2_2-.Ltmp0, $4  }
0xd4: {  	[sflag:s6] =	ssyncset.done $0x0  }
0xd5: {  	[sflag:s6] =	ssyncadd.s32 $0xFFFFE000  }
0xd6: {  	_ =	swait.ge [sflag:s7], $0x2000  }
0xd7: {  	s8 =	sadd.s32 $0x100, s8;
	s2 =	rddreg [dreg:$0x4];
	[sflag:s7] =	ssyncset.done $0x0  }
0xd8: {  	[sflag:s7] =	ssyncadd.s32 $0xFFFFE000;
	s2 =	sadd.s32 s9, s2;
	s25 =	simm.s32 $0x0  }
0xd9: {  	[tilespmem:s25], [sflag:$0x11] =	stream.linear.gather [hbm4b:s2+s25], $0x800, $0x38;
	[tilespmem:$0x1A800] =	vst v63  }
0xda: {  	_ =	swait.ge [sflag:s18], $0x800  }
0xdb: {  	[sflag:s18] =	ssyncset.done $0x0  }
0xdc: {  	s17 =	simm.s32 $0x800;
	[sflag:s18] =	ssyncadd.s32 $0xFFFFF800  }
0xdd: {  	[tilespmem:s17], [sflag:$0x1] =	stream.indirect.gather [hbm4b:s10+s19], $0x40, s25, s19, $0xb8;
	[tilespmem:$0x1A800] =	vst v63  }
0xde: {  	s9 =	simm.s32 $0x2800;
	s21 =	rddreg [dreg:$0x5]  }
0xdf: {  	[tilespmem:s9], [sflag:$0x2] =	stream.indirect.gather [hbm4b:s10+s19], $0x40, s21, s19, $0xb8;
	[tilespmem:$0x1A800] =	vst v63  }
0xe0: {  	s20 =	simm.s32 $0x4800;
	s8 =	rddreg [dreg:$0x6]  }
0xe1: {  	[tilespmem:s20], [sflag:$0x3] =	stream.indirect.gather [hbm4b:s10+s19], $0x40, s8, s19, $0xb8;
	[tilespmem:$0x1A800] =	vst v63  }
0xe2: {  	s22 =	rddreg [dreg:$0x7];
	s21 =	simm.s32 $0x6800  }
0xe3: {  	[tilespmem:s21], [sflag:$0x4] =	stream.indirect.gather [hbm4b:s10+s19], $0x40, s22, s19, $0xb8;
	[tilespmem:$0x1A800] =	vst v63  }
0xe4: {  	s23 =	rddreg [dreg:$0x8];
	s22 =	simm.s32 $0x8800  }
0xe5: {  	[tilespmem:s22], [sflag:$0x5] =	stream.indirect.gather [hbm4b:s10+s19], $0x40, s23, s19, $0xb8;
	[tilespmem:$0x1A800] =	vst v63  }
0xe6: {  	s24 =	rddreg [dreg:$0x9];
	s23 =	simm.s32 $0xA800  }
0xe7: {  	[tilespmem:s23], [sflag:$0x6] =	stream.indirect.gather [hbm4b:s10+s19], $0x40, s24, s19, $0xb8;
	[tilespmem:$0x1A800] =	vst v63  }
0xe8: {  	s8 =	rddreg [dreg:$0xa];
	s24 =	simm.s32 $0xC800  }
0xe9: {  	[tilespmem:s24], [sflag:$0x7] =	stream.indirect.gather [hbm4b:s10+s19], $0x40, s8, s19, $0xb8;
	[tilespmem:$0x1A800] =	vst v63  }
0xea: {  	s2 =	rddreg [dreg:$0xb];
	s8 =	simm.s32 $0xE800  }
0xeb: {  	[tilespmem:s8], [sflag:$0x8] =	stream.indirect.gather [hbm4b:s10+s19], $0x40, s2, s19, $0xb8;
	[tilespmem:$0x1A800] =	vst v63  }
0xec: {  	_ =	swait.ge [sflag:s28], $0x2000  }
0xed: {  	[sflag:s28] =	ssyncset.done $0x0  }
0xee: {  	[sflag:s28] =	ssyncadd.s32 $0xFFFFE000  }
0xef: {  	[spmem:s1] =	stream.indirect.scatter.add.f32 [tilespmem:s17], [sflag:$0x9], $0x40, s19, s19, $0xb8;
	[tilespmem:$0x1A800] =	vst v63  }
0xf0: {  	_ =	swait.ge [sflag:s29], $0x2000  }
0xf1: {  	[sflag:s29] =	ssyncset.done $0x0  }
0xf2: {  	s2 =	rddreg [dreg:$0xc];
	[sflag:s29] =	ssyncadd.s32 $0xFFFFE000  }
0xf3: {  	[spmem:s1] =	stream.indirect.scatter.add.f32 [tilespmem:s9], [sflag:$0xA], $0x40, s2, s19, $0xb8;
	[tilespmem:$0x1A800] =	vst v63  }
0xf4: {  	_ =	swait.ge [sflag:s30], $0x2000  }
0xf5: {  	[sflag:s30] =	ssyncset.done $0x0  }
0xf6: {  	s9 =	rddreg [dreg:$0xd];
	[sflag:s30] =	ssyncadd.s32 $0xFFFFE000  }
0xf7: {  	[spmem:s1] =	stream.indirect.scatter.add.f32 [tilespmem:s20], [sflag:$0xB], $0x40, s9, s19, $0xb8;
	[tilespmem:$0x1A800] =	vst v63  }
0xf8: {  	_ =	swait.ge [sflag:s31], $0x2000  }
0xf9: {  	[sflag:s31] =	ssyncset.done $0x0  }
0xfa: {  	s20 =	rddreg [dreg:$0xe];
	[sflag:s31] =	ssyncadd.s32 $0xFFFFE000  }
0xfb: {  	[spmem:s1] =	stream.indirect.scatter.add.f32 [tilespmem:s21], [sflag:$0xC], $0x40, s20, s19, $0xb8;
	[tilespmem:$0x1A800] =	vst v63  }
0xfc: {  	_ =	swait.ge [sflag:s0], $0x2000  }
0xfd: {  	[sflag:s0] =	ssyncset.done $0x0  }
0xfe: {  	s9 =	rddreg [dreg:$0xf];
	[sflag:s0] =	ssyncadd.s32 $0xFFFFE000  }
0xff: {  	[spmem:s1] =	stream.indirect.scatter.add.f32 [tilespmem:s22], [sflag:$0xD], $0x40, s9, s19, $0xb8;
	[tilespmem:$0x1A800] =	vst v63  }
0x100: {  	_ =	swait.ge [sflag:s3], $0x2000  }
0x101: {  	[sflag:s3] =	ssyncset.done $0x0  }
0x102: {  	s20 =	rddreg [dreg:$0x10];
	[sflag:s3] =	ssyncadd.s32 $0xFFFFE000  }
0x103: {  	[spmem:s1] =	stream.indirect.scatter.add.f32 [tilespmem:s23], [sflag:$0xE], $0x40, s20, s19, $0xb8;
	[tilespmem:$0x1A800] =	vst v63  }
0x104: {  	_ =	swait.ge [sflag:s4], $0x2000  }
0x105: {  	[sflag:s4] =	ssyncset.done $0x0  }
0x106: {  	s21 =	rddreg [dreg:$0x11];
	[sflag:s4] =	ssyncadd.s32 $0xFFFFE000  }
0x107: {  	[spmem:s1] =	stream.indirect.scatter.add.f32 [tilespmem:s24], [sflag:$0xF], $0x40, s21, s19, $0xb8;
	[tilespmem:$0x1A800] =	vst v63  }
0x108: {  	_ =	swait.ge [sflag:s11], $0x2000  }
0x109: {  	[sflag:s11] =	ssyncset.done $0x0  }
0x10a: {  	s22 =	rddreg [dreg:$0x12];
	[sflag:s11] =	ssyncadd.s32 $0xFFFFE000  }
0x10b: {  	[spmem:s1] =	stream.indirect.scatter.add.f32 [tilespmem:s8], [sflag:$0x10], $0x40, s22, s19, $0xb8;
	[tilespmem:$0x1A800] =	vst v63  }
0x10c: {  	_ =	swait.ge [sflag:s12], $0x2000  }
0x10d: {  	[sflag:s12] =	ssyncset.done $0x0  }
0x10e: {  	[sflag:s12] =	ssyncadd.s32 $0xFFFFE000  }
0x10f: {  	_ =	swait.ge [sflag:s13], $0x2000  }
0x110: {  	[sflag:s13] =	ssyncset.done $0x0  }
0x111: {  	[sflag:s13] =	ssyncadd.s32 $0xFFFFE000  }
0x112: {  	_ =	swait.ge [sflag:s14], $0x2000  }
0x113: {  	[sflag:s14] =	ssyncset.done $0x0  }
0x114: {  	[sflag:s14] =	ssyncadd.s32 $0xFFFFE000  }
0x115: {  	_ =	swait.ge [sflag:s15], $0x2000  }
0x116: {  	[sflag:s15] =	ssyncset.done $0x0  }
0x117: {  	[sflag:s15] =	ssyncadd.s32 $0xFFFFE000  }
0x118: {  	_ =	swait.ge [sflag:s16], $0x2000  }
0x119: {  	[sflag:s16] =	ssyncset.done $0x0  }
0x11a: {  	[sflag:s16] =	ssyncadd.s32 $0xFFFFE000  }
0x11b: {  	_ =	swait.ge [sflag:s5], $0x2000  }
0x11c: {  	[sflag:s5] =	ssyncset.done $0x0  }
0x11d: {  	[sflag:s5] =	ssyncadd.s32 $0xFFFFE000  }
0x11e: {  	_ =	swait.ge [sflag:s6], $0x2000  }
0x11f: {  	[sflag:s6] =	ssyncset.done $0x0  }
0x120: {  	[sflag:s6] =	ssyncadd.s32 $0xFFFFE000  }
0x121: {  	_ =	swait.ge [sflag:s7], $0x2000  }
0x122: {  	[sflag:s7] =	ssyncset.done $0x0  }
0x123: {  	[sflag:s7] =	ssyncadd.s32 $0xFFFFE000  }
0x124: {  	[bflag:$0x0] =	sbarrier.arrive $0xFFFF  }
0x125: {  	s20 =	rddreg [dreg:$0x14]  }
0x126: {  	[tilespmem:s17], [sflag:$0x11] =	stream.linear.gather [spmem:s20], $0x2000, $0x38;
	[tilespmem:$0x1A800] =	vst v63  }
0x127: {  	_ =	swait.ge [sflag:s18], $0x2000  }
0x128: {  	[sflag:s18] =	ssyncset.done $0x0  }
0x129: {  	s23 =	rddreg [dreg:$0x19];
	[sflag:s18] =	ssyncadd.s32 $0xFFFFE000  }
0x12a: {  	[hbm4b:s23+s25] =	stream.linear.scatter [tilespmem:s17], [sflag:$0x11], $0x2000, $0x38;
	[tilespmem:$0x1A800] =	vst v63  }
0x12b: {  	_ =	swait.ge [sflag:s18], $0x2000  }
0x12c: {  	[sflag:s18] =	ssyncset.done $0x0  }
0x12d: {  	s21 =	rddreg [dreg:$0x15];
	[sflag:s18] =	ssyncadd.s32 $0xFFFFE000  }
0x12e: {  	[tilespmem:s17], [sflag:$0x11] =	stream.linear.gather [spmem:s21], $0x2000, $0x38;
	[tilespmem:$0x1A800] =	vst v63  }
0x12f: {  	_ =	swait.ge [sflag:s18], $0x2000  }
0x130: {  	[sflag:s18] =	ssyncset.done $0x0  }
0x131: {  	s24 =	rddreg [dreg:$0x1a];
	[sflag:s18] =	ssyncadd.s32 $0xFFFFE000  }
0x132: {  	[hbm4b:s24+s25] =	stream.linear.scatter [tilespmem:s17], [sflag:$0x11], $0x2000, $0x38;
	[tilespmem:$0x1A800] =	vst v63  }
0x133: {  	_ =	swait.ge [sflag:s18], $0x2000  }
0x134: {  	[sflag:s18] =	ssyncset.done $0x0  }
0x135: {  	s22 =	rddreg [dreg:$0x16];
	[sflag:s18] =	ssyncadd.s32 $0xFFFFE000  }
0x136: {  	[tilespmem:s17], [sflag:$0x11] =	stream.linear.gather [spmem:s22], $0x2000, $0x38;
	[tilespmem:$0x1A800] =	vst v63  }
0x137: {  	_ =	swait.ge [sflag:s18], $0x2000  }
0x138: {  	[sflag:s18] =	ssyncset.done $0x0  }
0x139: {  	s8 =	rddreg [dreg:$0x1b];
	[sflag:s18] =	ssyncadd.s32 $0xFFFFE000  }
0x13a: {  	[hbm4b:s8+s25] =	stream.linear.scatter [tilespmem:s17], [sflag:$0x11], $0x2000, $0x38;
	[tilespmem:$0x1A800] =	vst v63  }
0x13b: {  	_ =	swait.ge [sflag:s18], $0x2000  }
0x13c: {  	[sflag:s18] =	ssyncset.done $0x0  }
0x13d: {  	s8 =	rddreg [dreg:$0x17];
	[sflag:s18] =	ssyncadd.s32 $0xFFFFE000  }
0x13e: {  	[tilespmem:s17], [sflag:$0x11] =	stream.linear.gather [spmem:s8], $0x2000, $0x38;
	[tilespmem:$0x1A800] =	vst v63  }
0x13f: {  	_ =	swait.ge [sflag:s18], $0x2000  }
0x140: {  	[sflag:s18] =	ssyncset.done $0x0  }
0x141: {  	s9 =	rddreg [dreg:$0x1c];
	[sflag:s18] =	ssyncadd.s32 $0xFFFFE000  }
0x142: {  	[hbm4b:s9+s25] =	stream.linear.scatter [tilespmem:s17], [sflag:$0x11], $0x2000, $0x38;
	[tilespmem:$0x1A800] =	vst v63  }
0x143: {  	_ =	swait.ge [sflag:s18], $0x2000  }
0x144: {  	[sflag:s18] =	ssyncset.done $0x0  }
0x145: {  	s9 =	rddreg [dreg:$0x18];
	[sflag:s18] =	ssyncadd.s32 $0xFFFFE000  }
0x146: {  	[tilespmem:s17], [sflag:$0x11] =	stream.linear.gather [spmem:s9], $0x2000, $0x38;
	[tilespmem:$0x1A800] =	vst v63  }
0x147: {  	_ =	swait.ge [sflag:s18], $0x2000  }
0x148: {  	[sflag:s18] =	ssyncset.done $0x0  }
0x149: {  	s23 =	rddreg [dreg:$0x1d];
	[sflag:s18] =	ssyncadd.s32 $0xFFFFE000  }
0x14a: {  	[hbm4b:s23+s25] =	stream.linear.scatter [tilespmem:s17], [sflag:$0x11], $0x2000, $0x38;
	[tilespmem:$0x1A800] =	vst v63  }
0x14b: {  	_ =	swait.ge [sflag:s18], $0x2000  }
0x14c: {  	s24 =	rddreg [dreg:$0x1f]  }
0x14d: {  	s25 =	rddreg [dreg:$0x1e];
	s17 =	sadd.s32 $0x1, s24  }
0x14e: {  	p0 =	sne.s32 s17, s25  }
.Ltmp1:
0x14f: {  	_ = 	snop;
	(pc) =	sbr.rel @p0 .LBB2_1-.Ltmp1, $3  }
0x150: {  	_ =	sdelay $0x1  }
0x151: {  	[sflag:s18] =	ssyncset.done $0x0  }
0x152: {  	[sflag:s18] =	ssyncadd.s32 $0xFFFFE000  }
0x153: {  	_ =	sfence.sel $0x180000  }
0x154: {  	[bflag:$0x0] =	sbarrier.arrive $0xFFFF  }
0x155: {  	_ =	strace $0x9000004A  }
0x156: {  	s0 =	stileid.u32;
	[bflag:$0x2] =	sbarrier.arrive $0xFFFF  }
0x157: {  	p0 =	sne.s32 s0, $0x0;
	s0 =	rddreg [dreg:$0x3]  }
0x158: {  	s0 =	sadd.s32 @!p0 $0x100000, s0  }
0x159: {  	[sflag:s0] =	ssyncadd.tile.s32 @!p0 $0x1;
	_ =	shalt  }
.Lfunc_end2:
_tile_overlayer_lowered:
.L_overlay_start_2:
0x15a: {  	(tag) =	ssettag $0x2  }
0x15b: {  	s0 =	rddreg [dreg:$0x0];
	s2 =	stileid.u32  }
0x15c: {  	s1 =	rddreg [dreg:$0x1];
	p0 =	sne.s32 s2, $0x0  }
0x15d: {  	s3 =	rddreg [dreg:$0x2];
	[bflag:$0x3] =	sbarrier.arrive $0xFFFF;
	s2 =	simm.s32 @!p0 $0x1C11  }
0x15e: {  	[timem:s3], [sflag:s2] =	dma.local @!p0 [hbm:s0], s1  }
0x15f: {  	s0 =	simm.s32 @!p0 $0x11  }
0x160: {  	_ =	swait.ge @!p0 [sflag:s0], s1  }
0x161: {  	s1 =	ssub.s32 @!p0 $0x0, s1;
	[sflag:s0] =	ssyncset.done @!p0 $0x0  }
0x162: {  	[sflag:s0] =	ssyncadd.s32 @!p0 s1  }
0x163: {  	[bflag:$0x3] =	sbarrier.arrive $0xFFFF  }
0x164: {  	_ =	shalt  }

</sc_bundles>
